<compile_context>
chip_gen: v7x
topology: tpu7x:2x2x1
jax: 0.10.2.dev20260603
libtpu: 0.0.44.dev20260713+nightly
codegen_flags: <defaults>
</compile_context>

<pallas_src>
import functools
import numpy as np

import jax
import jax.numpy as jnp
from jax import lax
from jax.experimental import pallas as pl
from jax.experimental.pallas import tpu as pltpu
from jax.experimental.pallas import tpu_sc as plsc

ALPHA = 0.5
THETA = 1.0

NC = 2
NS = 16
NW = NC * NS
CHUNK = 128
DUMMY = 16
ROW_BLOCK = 2000
REPL = 1
FRAC0 = 0.75


def _sc_degree(dstp, npad, nchunk):
    deg_tile = npad // NS
    mesh = plsc.VectorSubcoreMesh(core_axis_name="c", subcore_axis_name="s")

    @functools.partial(
        pl.kernel,
        mesh=mesh,
        out_type=jax.ShapeDtypeStruct((NC, npad), jnp.float32),
        scratch_types=[
            pltpu.VMEM((nchunk, CHUNK), jnp.int32),
            pltpu.VMEM((deg_tile,), jnp.float32),
            pltpu.VMEM((CHUNK,), jnp.float32),
            pltpu.VMEM_SHARED((npad,), jnp.float32),
        ],
    )
    def deg_kernel(dst_hbm, out_hbm, idx_v, zbuf, ones_v, acc):
        c = lax.axis_index("c")
        s = lax.axis_index("s")
        w = c * NS + s
        pltpu.sync_copy(dst_hbm.at[pl.ds(pl.multiple_of(w * nchunk, 8),
                                         nchunk)], idx_v)

        @pl.loop(0, deg_tile, step=16)
        def _(i):
            zbuf[pl.ds(i, 16)] = jnp.zeros((16,), jnp.float32)

        @pl.loop(0, CHUNK, step=16)
        def _(i):
            ones_v[pl.ds(i, 16)] = jnp.ones((16,), jnp.float32)

        pltpu.sync_copy(zbuf, acc.at[pl.ds(s * deg_tile, deg_tile)])
        plsc.subcore_barrier()

        @pl.loop(0, nchunk)
        def _(j):
            pltpu.sync_copy(ones_v, acc.at[idx_v.at[j]], add=True)

        plsc.subcore_barrier()
        pltpu.sync_copy(acc.at[pl.ds(s * deg_tile, deg_tile)],
                        out_hbm.at[c, pl.ds(s * deg_tile, deg_tile)])

    return deg_kernel(dstp)


def _sc_msgpass(g, srcp, dstp, npad, n0, n1):
    _, d = g.shape
    rows_tile = npad // NS
    assert n0 % 8 == 0 and n1 % 8 == 0
    nidx = max(n0, n1)
    mesh = plsc.VectorSubcoreMesh(core_axis_name="c", subcore_axis_name="s")

    @functools.partial(
        pl.kernel,
        mesh=mesh,
        out_type=jax.ShapeDtypeStruct((NC, npad, d), jnp.float32),
        scratch_types=[
            pltpu.VMEM((nidx, CHUNK), jnp.int32),
            pltpu.VMEM((nidx, CHUNK), jnp.int32),
            pltpu.VMEM((CHUNK, d), jnp.float32),
            pltpu.VMEM_SHARED((npad, d), jnp.float32),
        ],
    )
    def msg_kernel(g_hbm, src_hbm, dst_hbm, out_hbm, src_v, dst_v,
                   buf_a, acc):
        c = lax.axis_index("c")
        s = lax.axis_index("s")
        w = c * NS + s

        @pl.loop(0, CHUNK)
        def _(r):
            @pl.loop(0, d, step=16)
            def _(col):
                buf_a[r, pl.ds(col, 16)] = jnp.zeros((16,), jnp.float32)

        base = s * rows_tile

        @pl.loop(0, rows_tile, step=CHUNK)
        def _(r):
            pltpu.sync_copy(buf_a, acc.at[pl.ds(base + r, CHUNK)])

        plsc.subcore_barrier()

        @pl.when(c == 0)
        def _():
            off = pl.multiple_of(s * n0, 8)
            pltpu.sync_copy(src_hbm.at[pl.ds(off, n0)],
                            src_v.at[pl.ds(0, n0)])
            pltpu.sync_copy(dst_hbm.at[pl.ds(off, n0)],
                            dst_v.at[pl.ds(0, n0)])

            @pl.loop(0, n0)
            def _(j):
                pltpu.sync_copy(g_hbm.at[src_v.at[j]], buf_a)
                pltpu.sync_copy(buf_a, acc.at[dst_v.at[j]], add=True)

        @pl.when(c == 1)
        def _():
            off = pl.multiple_of(NS * n0 + s * n1, 8)
            pltpu.sync_copy(src_hbm.at[pl.ds(off, n1)],
                            src_v.at[pl.ds(0, n1)])
            pltpu.sync_copy(dst_hbm.at[pl.ds(off, n1)],
                            dst_v.at[pl.ds(0, n1)])

            @pl.loop(0, n1)
            def _(j):
                pltpu.sync_copy(g_hbm.at[src_v.at[j]], buf_a)
                pltpu.sync_copy(buf_a, acc.at[dst_v.at[j]], add=True)

        plsc.subcore_barrier()

        @pl.loop(0, rows_tile, step=CHUNK)
        def _(r):
            pltpu.sync_copy(acc.at[pl.ds(base + r, CHUNK)],
                            out_hbm.at[c, pl.ds(base + r, CHUNK)])

    return msg_kernel(g, srcp, dstp)


def _tc_prep(deg3, x):
    n, d = x.shape

    def body(deg_ref, x_ref, dinv_ref, g_ref):
        deg = deg_ref[0] + deg_ref[1] + 1.0
        dinv = lax.rsqrt(deg)
        dinv_ref[...] = dinv
        gv = dinv * x_ref[...]
        for k in range(REPL):
            g_ref[k] = gv

    grid = (n // ROW_BLOCK,)
    return pl.pallas_call(
        body,
        grid=grid,
        in_specs=[
            pl.BlockSpec((NC, ROW_BLOCK, 1), lambda r: (0, r, 0)),
            pl.BlockSpec((ROW_BLOCK, d), lambda r: (r, 0)),
        ],
        out_specs=[
            pl.BlockSpec((ROW_BLOCK, 1), lambda r: (r, 0)),
            pl.BlockSpec((REPL, ROW_BLOCK, d), lambda r: (0, r, 0)),
        ],
        out_shape=[
            jax.ShapeDtypeStruct((n, 1), jnp.float32),
            jax.ShapeDtypeStruct((REPL, n, d), jnp.float32),
        ],
    )(deg3, x)


def _tc_layer(parts, g, x, dinv, a, b, last):
    n, d = x.shape

    def body(p_ref, g_ref, x_ref, dinv_ref, a_ref, b_ref, o_ref):
        t = (p_ref[0] + p_ref[1] + g_ref[0]) * dinv_ref[...]
        out = jnp.dot(t, a_ref[...], precision=lax.Precision.HIGHEST,
                      preferred_element_type=jnp.float32)
        out += jnp.dot(x_ref[...], b_ref[...], precision=lax.Precision.HIGHEST,
                       preferred_element_type=jnp.float32)
        h = jnp.maximum(out, 0.0)
        if last:
            o_ref[...] = h
        else:
            gv = h * dinv_ref[...]
            for k in range(REPL):
                o_ref[k] = gv

    grid = (n // ROW_BLOCK,)
    if last:
        out_spec = pl.BlockSpec((ROW_BLOCK, d), lambda r: (r, 0))
        out_shape = jax.ShapeDtypeStruct((n, d), jnp.float32)
    else:
        out_spec = pl.BlockSpec((REPL, ROW_BLOCK, d), lambda r: (0, r, 0))
        out_shape = jax.ShapeDtypeStruct((REPL, n, d), jnp.float32)
    return pl.pallas_call(
        body,
        grid=grid,
        in_specs=[
            pl.BlockSpec((NC, ROW_BLOCK, d), lambda r: (0, r, 0)),
            pl.BlockSpec((1, ROW_BLOCK, d), lambda r: (0, r, 0)),
            pl.BlockSpec((ROW_BLOCK, d), lambda r: (r, 0)),
            pl.BlockSpec((ROW_BLOCK, 1), lambda r: (r, 0)),
            pl.BlockSpec((d, d), lambda r: (0, 0)),
            pl.BlockSpec((d, d), lambda r: (0, 0)),
        ],
        out_specs=out_spec,
        out_shape=out_shape,
    )(parts, g, x, dinv, a, b)


def kernel(x, edge_index, W1, W2):
    n, d = x.shape
    e = edge_index.shape[1]
    layers = W1.shape[0]
    assert n % ROW_BLOCK == 0 and d % 128 == 0

    needed = -(-e // CHUNK)
    n0 = max(8, int(round(needed * FRAC0 / (NS * 8))) * 8)
    n1 = max(8, int(-(-max(needed - NS * n0, 0) // (NS * 8)) * 8))
    nchunk_deg = -(-(NS * (n0 + n1)) // (NW * 8)) * 8
    total_chunks = nchunk_deg * NW
    epad = total_chunks * CHUNK
    npad = -(-(n + DUMMY) // (NS * CHUNK)) * (NS * CHUNK)
    dummy_rows = npad - n
    src = edge_index[0]
    dst = edge_index[1]
    pad = epad - e
    srcp = jnp.concatenate(
        [src, jnp.zeros((pad,), jnp.int32)]).reshape(total_chunks, CHUNK)
    dstp = jnp.concatenate(
        [dst, n + (jnp.arange(pad, dtype=jnp.int32) % dummy_rows)]
    ).reshape(total_chunks, CHUNK)
    if REPL > 1:
        ch = jnp.arange(total_chunks, dtype=jnp.int32)
        w_of = jnp.where(ch < NS * n0, ch // n0,
                         NS + jnp.minimum((ch - NS * n0) // n1, NS - 1))
        srcp = srcp + ((w_of % REPL) * n)[:, None]

    betas = np.log(THETA / (np.arange(1, layers + 1)) + 1.0).astype(np.float32)
    eye = jnp.eye(d, dtype=jnp.float32)
    bet = jnp.asarray(betas)[:, None, None]
    a_all = (1.0 - ALPHA) * ((1.0 - bet) * eye + bet * W1)
    b_all = ALPHA * ((1.0 - bet) * eye + bet * W2)

    deg_parts = _sc_degree(dstp, npad, nchunk_deg)
    dinv, g = _tc_prep(deg_parts.reshape(NC, npad, 1), x)
    for i in range(layers):
        parts = _sc_msgpass(g.reshape(REPL * n, d), srcp, dstp, npad, n0, n1)
        g = _tc_layer(parts, g, x, dinv, a_all[i], b_all[i],
                      last=(i == layers - 1))
    return g

# --- scband reference (transcript-rebuilt; emitter-appended) ---
"""Pipeline reference for scband-gcniibackbone-42004780155161 (READ-ONLY COPY).

The authoritative reference and input builder live on the scoring server;
editing this copy changes nothing except your own understanding.
"""

import jax, jax.numpy as jnp
import numpy as np

N = 10000
E = 320000
D = 128
L = 4
ALPHA = 0.5
THETA = 1.0
SKIP = 2


def setup_inputs(seed: int = 0):
    key = jax.random.key(seed)
    k1, k2, k3, k4 = jax.random.split(key, 4)
    x = jax.random.normal(k1, (N, D), dtype=jnp.float32)
    edge_index = jax.random.randint(k2, (2, E), 0, N, dtype=jnp.int32)
    W1 = jax.random.normal(k3, (L, D, D), dtype=jnp.float32) * 0.05
    W2 = jax.random.normal(k4, (L, D, D), dtype=jnp.float32) * 0.05
    return {"x": x, "edge_index": edge_index, "W1": W1, "W2": W2}


def _gcn_norm(edge_index):
    # gcn_norm with self-loops (fill_value=1.0), symmetric normalization
    src = edge_index[0]
    dst = edge_index[1]
    loop = jnp.arange(N, dtype=src.dtype)
    src = jnp.concatenate([src, loop])
    dst = jnp.concatenate([dst, loop])
    w = jnp.ones(src.shape[0], dtype=jnp.float32)
    deg = jnp.zeros((N,), dtype=jnp.float32).at[dst].add(w)
    dinv = jnp.where(deg > 0, jax.lax.rsqrt(deg), 0.0)
    norm = dinv[src] * w * dinv[dst]
    return src, dst, norm


def reference(x, edge_index, W1, W2):
    src, dst, norm = _gcn_norm(edge_index)
    # lin1 is nn.Identity since din == dhid
    h = x
    h0 = x
    # residuals is None -> residual = zeros_like(h)
    residual = jnp.zeros_like(h)
    for i in range(L):
        # GCN2Conv, shared_weights=False: beta = log(theta/layer + 1)
        beta = float(np.log(THETA / (i + 1) + 1.0))
        # propagate: scatter-add of normalized messages src -> dst
        msgs = h[src] * norm[:, None]
        agg = jnp.zeros_like(h).at[dst].add(msgs)
        xprop = (1.0 - ALPHA) * agg
        x0a = ALPHA * h0
        out = (1.0 - beta) * xprop + beta * (xprop @ W1[i]) \
            + (1.0 - beta) * x0a + beta * (x0a @ W2[i])
        # norm='none' -> Identity; drop=0.0 -> no-op
        h = jax.nn.relu(out)
        if i > 0 and i % SKIP == 0:
            h = h + residual
    # lin2 is nn.Identity since dhid == dout
    return h

if __name__ == "__main__":
    import jax
    _d = setup_inputs()
    print(jax.jit(kernel)(*tuple(_d.values())))

</pallas_src>

<mosaic_0001>
#map = affine_map<(d0, d1) -> (0, 0)>
module attributes {stable_mosaic.version = 14 : i64} {
  func.func @deg_kernel(%arg0: i32, %arg1: i32, %arg2: memref<2560x128xi32, #tpu.memory_space<hbm>>, %arg3: memref<2x10240xf32, #tpu.memory_space<hbm>>, %arg4: memref<80x128xi32, #tpu.memory_space<vmem>>, %arg5: memref<640xf32, #tpu.memory_space<vmem>>, %arg6: memref<128xf32, #tpu.memory_space<vmem>>, %arg7: memref<10240xf32, #tpu.memory_space<vmem_shared>>) attributes {dimension_semantics = [#tpu.dimension_semantics<core_parallel>, #tpu.dimension_semantics<subcore_parallel>], iteration_bounds = array<i64: 2, 16>, scalar_prefetch = 0 : i64, scratch_operands = 4 : i64, tpu.core_type = #tpu.core_type<sc_vector_subcore>, window_params = [{transform_indices = #map}, {transform_indices = #map}]} {
    %mul3A = arith.constant 16 : i32
    %mul3A_0 = arith.muli %arg0, %mul3A : i32
    %add3A = arith.addi %mul3A_0, %arg1 : i32
    %mul3A_1 = arith.constant 80 : i32
    %mul3A_2 = arith.muli %add3A, %mul3A_1 : i32
    %multiple_of3A = tpu.assume_multiple %mul3A_2, 8 : i32
    "tpu.region"() ({
      %run_scoped3A = tpu.sem_alloc : memref<!tpu.dma_semaphore, #tpu.memory_space<semaphore_mem>>
      %dma_start3A = arith.constant 0 : i32
      %dma_start3A_24 = tpu.memref_slice %arg2[%multiple_of3A, %dma_start3A] : memref<2560x128xi32, #tpu.memory_space<hbm>> -> memref<80x128xi32, #tpu.memory_space<hbm>>
      %dma_start3A_25 = arith.constant 0 : i32
      %dma_start3A_26 = tpu.memref_slice %arg2[%multiple_of3A, %dma_start3A_25] : memref<2560x128xi32, #tpu.memory_space<hbm>> -> memref<80x128xi32, #tpu.memory_space<hbm>>
      tpu.enqueue_dma source(%dma_start3A_26 : memref<80x128xi32, #tpu.memory_space<hbm>>) target(%arg4 : memref<80x128xi32, #tpu.memory_space<vmem>>) target_semaphore(%run_scoped3A : memref<!tpu.dma_semaphore, #tpu.memory_space<semaphore_mem>>)
      %dma_wait3A = arith.constant 0 : i32
      %dma_wait3A_27 = tpu.memref_slice %arg2[%multiple_of3A, %dma_wait3A] : memref<2560x128xi32, #tpu.memory_space<hbm>> -> memref<80x128xi32, #tpu.memory_space<hbm>>
      %dma_wait3A_28 = arith.constant 0 : i32
      %dma_wait3A_29 = tpu.memref_slice %arg2[%multiple_of3A, %dma_wait3A_28] : memref<2560x128xi32, #tpu.memory_space<hbm>> -> memref<80x128xi32, #tpu.memory_space<hbm>>
      tpu.wait_dma2 semaphore(%run_scoped3A : memref<!tpu.dma_semaphore, #tpu.memory_space<semaphore_mem>>) src(%dma_wait3A_29 : memref<80x128xi32, #tpu.memory_space<hbm>>) dst(%arg4 : memref<80x128xi32, #tpu.memory_space<vmem>>)
      tpu.yield
    }) : () -> ()
    %scan3A = arith.constant 0 : i32
    %scan3A_3 = arith.constant 40 : i32
    %scan3A_4 = arith.addi %scan3A, %scan3A_3 : i32
    %scan3A_5 = arith.constant 1 : i32
    scf.for %scan3A_24 = %scan3A to %scan3A_4 step %scan3A_5  : i32 {
      %mul3A_25 = arith.constant 16 : i32
      %mul3A_26 = arith.muli %scan3A_24, %mul3A_25 : i32
      %add3A_27 = arith.constant 0 : i32
      %add3A_28 = arith.addi %add3A_27, %mul3A_26 : i32
      %broadcast_in_dim3A = arith.constant 0.000000e+00 : f32
      %broadcast_in_dim3A_29 = vector.broadcast %broadcast_in_dim3A : f32 to vector<16xf32>
      %swap3A = arith.index_cast %add3A_28 : i32 to index
      %swap3A_30 = tpu.vector_load %arg5[%swap3A] {strides = array<i32>} : memref<640xf32, #tpu.memory_space<vmem>>, vector<16xf32>,
      %swap3A_31 = vector.shape_cast %swap3A_30 : vector<16xf32> to vector<16xf32>
      %swap3A_32 = vector.shape_cast %broadcast_in_dim3A_29 : vector<16xf32> to vector<16xf32>
      tpu.vector_store %arg5[%swap3A], %swap3A_32 {strides = array<i32>} : memref<640xf32, #tpu.memory_space<vmem>>, vector<16xf32>,
    }
    %scan3A_6 = arith.constant 40 : i32
    %scan3A_7 = arith.constant 0 : i32
    %scan3A_8 = arith.constant 8 : i32
    %scan3A_9 = arith.addi %scan3A_7, %scan3A_8 : i32
    %scan3A_10 = arith.constant 1 : i32
    scf.for %scan3A_24 = %scan3A_7 to %scan3A_9 step %scan3A_10  : i32 {
      %mul3A_25 = arith.constant 16 : i32
      %mul3A_26 = arith.muli %scan3A_24, %mul3A_25 : i32
      %add3A_27 = arith.constant 0 : i32
      %add3A_28 = arith.addi %add3A_27, %mul3A_26 : i32
      %broadcast_in_dim3A = arith.constant 1.000000e+00 : f32
      %broadcast_in_dim3A_29 = vector.broadcast %broadcast_in_dim3A : f32 to vector<16xf32>
      %swap3A = arith.index_cast %add3A_28 : i32 to index
      %swap3A_30 = tpu.vector_load %arg6[%swap3A] {strides = array<i32>} : memref<128xf32, #tpu.memory_space<vmem>>, vector<16xf32>,
      %swap3A_31 = vector.shape_cast %swap3A_30 : vector<16xf32> to vector<16xf32>
      %swap3A_32 = vector.shape_cast %broadcast_in_dim3A_29 : vector<16xf32> to vector<16xf32>
      tpu.vector_store %arg6[%swap3A], %swap3A_32 {strides = array<i32>} : memref<128xf32, #tpu.memory_space<vmem>>, vector<16xf32>,
    }
    %scan3A_11 = arith.constant 8 : i32
    %mul3A_12 = arith.constant 640 : i32
    %mul3A_13 = arith.muli %arg1, %mul3A_12 : i32
    "tpu.region"() ({
      %run_scoped3A = tpu.sem_alloc : memref<!tpu.dma_semaphore, #tpu.memory_space<semaphore_mem>>
      %dma_start3A = tpu.memref_slice %arg7[%mul3A_13] : memref<10240xf32, #tpu.memory_space<vmem_shared>> -> memref<640xf32, #tpu.memory_space<vmem_shared>>
      %dma_start3A_24 = tpu.memref_slice %arg7[%mul3A_13] : memref<10240xf32, #tpu.memory_space<vmem_shared>> -> memref<640xf32, #tpu.memory_space<vmem_shared>>
      tpu.enqueue_dma source(%arg5 : memref<640xf32, #tpu.memory_space<vmem>>) target(%dma_start3A_24 : memref<640xf32, #tpu.memory_space<vmem_shared>>) target_semaphore(%run_scoped3A : memref<!tpu.dma_semaphore, #tpu.memory_space<semaphore_mem>>)
      %dma_wait3A = tpu.memref_slice %arg7[%mul3A_13] : memref<10240xf32, #tpu.memory_space<vmem_shared>> -> memref<640xf32, #tpu.memory_space<vmem_shared>>
      %dma_wait3A_25 = tpu.memref_slice %arg7[%mul3A_13] : memref<10240xf32, #tpu.memory_space<vmem_shared>> -> memref<640xf32, #tpu.memory_space<vmem_shared>>
      tpu.wait_dma2 semaphore(%run_scoped3A : memref<!tpu.dma_semaphore, #tpu.memory_space<semaphore_mem>>) src(%arg5 : memref<640xf32, #tpu.memory_space<vmem>>) dst(%dma_wait3A_25 : memref<640xf32, #tpu.memory_space<vmem_shared>>)
      tpu.yield
    }) : () -> ()
    %barrier3A = arith.constant 0 : index
    tpu.barrier barrier_id(%barrier3A)
    %scan3A_14 = arith.constant 0 : i32
    %scan3A_15 = arith.constant 80 : i32
    %scan3A_16 = arith.addi %scan3A_14, %scan3A_15 : i32
    %scan3A_17 = arith.constant 1 : i32
    scf.for %scan3A_24 = %scan3A_14 to %scan3A_16 step %scan3A_17  : i32 {
      %mul3A_25 = arith.constant 1 : i32
      %mul3A_26 = arith.muli %scan3A_24, %mul3A_25 : i32
      %add3A_27 = arith.constant 0 : i32
      %add3A_28 = arith.addi %add3A_27, %mul3A_26 : i32
      "tpu.region"() ({
        %run_scoped3A = tpu.sem_alloc : memref<!tpu.dma_semaphore, #tpu.memory_space<semaphore_mem>>
        %dma_start3A = arith.constant 0 : i32
        %dma_start3A_29 = tpu.memref_slice %arg4[%add3A_28, %dma_start3A] : memref<80x128xi32, #tpu.memory_space<vmem>> -> memref<1x128xi32, #tpu.memory_space<vmem>>
        %dma_start3A_30 = tpu.memref_squeeze %dma_start3A_29 : memref<1x128xi32, #tpu.memory_space<vmem>> -> memref<128xi32, #tpu.memory_space<vmem>>
        %dma_start3A_31 = arith.constant 0 : i32
        %dma_start3A_32 = tpu.memref_slice %arg7[%dma_start3A_31] : memref<10240xf32, #tpu.memory_space<vmem_shared>> -> memref<10240xf32, #tpu.memory_space<vmem_shared>>
        tpu.enqueue_indirect_dma source(%arg6 : memref<128xf32, #tpu.memory_space<vmem>>) target(%dma_start3A_32 : memref<10240xf32, #tpu.memory_space<vmem_shared>>) offsets(%dma_start3A_30 : memref<128xi32, #tpu.memory_space<vmem>>) semaphore(%run_scoped3A : memref<!tpu.dma_semaphore, #tpu.memory_space<semaphore_mem>>) {add = true}
        %dma_wait3A = arith.constant 0 : i32
        %dma_wait3A_33 = tpu.memref_slice %arg4[%add3A_28, %dma_wait3A] : memref<80x128xi32, #tpu.memory_space<vmem>> -> memref<1x128xi32, #tpu.memory_space<vmem>>
        %dma_wait3A_34 = tpu.memref_squeeze %dma_wait3A_33 : memref<1x128xi32, #tpu.memory_space<vmem>> -> memref<128xi32, #tpu.memory_space<vmem>>
        %dma_wait3A_35 = arith.constant 0 : i32
        %dma_wait3A_36 = tpu.memref_slice %arg7[%dma_wait3A_35] : memref<10240xf32, #tpu.memory_space<vmem_shared>> -> memref<10240xf32, #tpu.memory_space<vmem_shared>>
        tpu.wait_indirect_dma semaphore(%run_scoped3A : memref<!tpu.dma_semaphore, #tpu.memory_space<semaphore_mem>>) src(%arg6 : memref<128xf32, #tpu.memory_space<vmem>>) dst(%dma_wait3A_36 : memref<10240xf32, #tpu.memory_space<vmem_shared>>)
        tpu.yield
      }) : () -> ()
    }
    %scan3A_18 = arith.constant 80 : i32
    %barrier3A_19 = arith.constant 0 : index
    tpu.barrier barrier_id(%barrier3A_19)
    %mul3A_20 = arith.constant 640 : i32
    %mul3A_21 = arith.muli %arg1, %mul3A_20 : i32
    %mul3A_22 = arith.constant 640 : i32
    %mul3A_23 = arith.muli %arg1, %mul3A_22 : i32
    "tpu.region"() ({
      %run_scoped3A = tpu.sem_alloc : memref<!tpu.dma_semaphore, #tpu.memory_space<semaphore_mem>>
      %dma_start3A = tpu.memref_slice %arg3[%arg0, %mul3A_23] : memref<2x10240xf32, #tpu.memory_space<hbm>> -> memref<1x640xf32, #tpu.memory_space<hbm>>
      %dma_start3A_24 = tpu.memref_squeeze %dma_start3A : memref<1x640xf32, #tpu.memory_space<hbm>> -> memref<640xf32, #tpu.memory_space<hbm>>
      %dma_start3A_25 = tpu.memref_slice %arg7[%mul3A_21] : memref<10240xf32, #tpu.memory_space<vmem_shared>> -> memref<640xf32, #tpu.memory_space<vmem_shared>>
      tpu.enqueue_dma source(%dma_start3A_25 : memref<640xf32, #tpu.memory_space<vmem_shared>>) target(%dma_start3A_24 : memref<640xf32, #tpu.memory_space<hbm>>) target_semaphore(%run_scoped3A : memref<!tpu.dma_semaphore, #tpu.memory_space<semaphore_mem>>)
      %dma_wait3A = tpu.memref_slice %arg3[%arg0, %mul3A_23] : memref<2x10240xf32, #tpu.memory_space<hbm>> -> memref<1x640xf32, #tpu.memory_space<hbm>>
      %dma_wait3A_26 = tpu.memref_squeeze %dma_wait3A : memref<1x640xf32, #tpu.memory_space<hbm>> -> memref<640xf32, #tpu.memory_space<hbm>>
      %dma_wait3A_27 = tpu.memref_slice %arg7[%mul3A_21] : memref<10240xf32, #tpu.memory_space<vmem_shared>> -> memref<640xf32, #tpu.memory_space<vmem_shared>>
      tpu.wait_dma2 semaphore(%run_scoped3A : memref<!tpu.dma_semaphore, #tpu.memory_space<semaphore_mem>>) src(%dma_wait3A_27 : memref<640xf32, #tpu.memory_space<vmem_shared>>) dst(%dma_wait3A_26 : memref<640xf32, #tpu.memory_space<hbm>>)
      tpu.yield
    }) : () -> ()
    return
  }
}

#map = affine_map<(d0, d1) -> (0, 0)>
#map1 = affine_map<(d0, d1) -> (0, 0, 0)>
module attributes {stable_mosaic.version = 14 : i64} {
  func.func @msg_kernel(%arg0: i32, %arg1: i32, %arg2: memref<10000x128xf32, #tpu.memory_space<hbm>>, %arg3: memref<2560x128xi32, #tpu.memory_space<hbm>>, %arg4: memref<2560x128xi32, #tpu.memory_space<hbm>>, %arg5: memref<2x10240x128xf32, #tpu.memory_space<hbm>>, %arg6: memref<120x128xi32, #tpu.memory_space<vmem>>, %arg7: memref<120x128xi32, #tpu.memory_space<vmem>>, %arg8: memref<128x128xf32, #tpu.memory_space<vmem>>, %arg9: memref<10240x128xf32, #tpu.memory_space<vmem_shared>>) attributes {dimension_semantics = [#tpu.dimension_semantics<core_parallel>, #tpu.dimension_semantics<subcore_parallel>], iteration_bounds = array<i64: 2, 16>, scalar_prefetch = 0 : i64, scratch_operands = 4 : i64, tpu.core_type = #tpu.core_type<sc_vector_subcore>, window_params = [{transform_indices = #map}, {transform_indices = #map}, {transform_indices = #map}, {transform_indices = #map1}]} {
    %mul3A = arith.constant 16 : i32
    %mul3A_0 = arith.muli %arg0, %mul3A : i32
    %add3A = arith.addi %mul3A_0, %arg1 : i32
    %scan3A = arith.constant 0 : i32
    %scan3A_1 = arith.constant 128 : i32
    %scan3A_2 = arith.addi %scan3A, %scan3A_1 : i32
    %scan3A_3 = arith.constant 1 : i32
    scf.for %scan3A_25 = %scan3A to %scan3A_2 step %scan3A_3  : i32 {
      %mul3A_26 = arith.constant 1 : i32
      %mul3A_27 = arith.muli %scan3A_25, %mul3A_26 : i32
      %add3A_28 = arith.constant 0 : i32
      %add3A_29 = arith.addi %add3A_28, %mul3A_27 : i32
      %scan3A_30 = arith.constant 0 : i32
      %scan3A_31 = arith.constant 8 : i32
      %scan3A_32 = arith.addi %scan3A_30, %scan3A_31 : i32
      %scan3A_33 = arith.constant 1 : i32
      scf.for %scan3A_35 = %scan3A_30 to %scan3A_32 step %scan3A_33  : i32 {
        %mul3A_36 = arith.constant 16 : i32
        %mul3A_37 = arith.muli %scan3A_35, %mul3A_36 : i32
        %add3A_38 = arith.constant 0 : i32
        %add3A_39 = arith.addi %add3A_38, %mul3A_37 : i32
        %broadcast_in_dim3A = arith.constant 0.000000e+00 : f32
        %broadcast_in_dim3A_40 = vector.broadcast %broadcast_in_dim3A : f32 to vector<16xf32>
        %swap3A = arith.index_cast %add3A_29 : i32 to index
        %swap3A_41 = arith.index_cast %add3A_39 : i32 to index
        %swap3A_42 = tpu.vector_load %arg8[%swap3A, %swap3A_41] {strides = array<i32>} : memref<128x128xf32, #tpu.memory_space<vmem>>, vector<1x16xf32>,
        %swap3A_43 = vector.shape_cast %swap3A_42 : vector<1x16xf32> to vector<16xf32>
        %swap3A_44 = vector.shape_cast %broadcast_in_dim3A_40 : vector<16xf32> to vector<1x16xf32>
        tpu.vector_store %arg8[%swap3A, %swap3A_41], %swap3A_44 {strides = array<i32>} : memref<128x128xf32, #tpu.memory_space<vmem>>, vector<1x16xf32>,
      }
      %scan3A_34 = arith.constant 8 : i32
    }
    %scan3A_4 = arith.constant 128 : i32
    %mul3A_5 = arith.constant 640 : i32
    %mul3A_6 = arith.muli %arg1, %mul3A_5 : i32
    %scan3A_7 = arith.constant 0 : i32
    %scan3A_8 = arith.constant 5 : i32
    %scan3A_9 = arith.addi %scan3A_7, %scan3A_8 : i32
    %scan3A_10 = arith.constant 1 : i32
    scf.for %scan3A_25 = %scan3A_7 to %scan3A_9 step %scan3A_10  : i32 {
      %mul3A_26 = arith.constant 128 : i32
      %mul3A_27 = arith.muli %scan3A_25, %mul3A_26 : i32
      %add3A_28 = arith.constant 0 : i32
      %add3A_29 = arith.addi %add3A_28, %mul3A_27 : i32
      %add3A_30 = arith.addi %mul3A_6, %add3A_29 : i32
      "tpu.region"() ({
        %run_scoped3A = tpu.sem_alloc : memref<!tpu.dma_semaphore, #tpu.memory_space<semaphore_mem>>
        %dma_start3A = arith.constant 0 : i32
        %dma_start3A_31 = tpu.memref_slice %arg9[%add3A_30, %dma_start3A] : memref<10240x128xf32, #tpu.memory_space<vmem_shared>> -> memref<128x128xf32, #tpu.memory_space<vmem_shared>>
        %dma_start3A_32 = arith.constant 0 : i32
        %dma_start3A_33 = tpu.memref_slice %arg9[%add3A_30, %dma_start3A_32] : memref<10240x128xf32, #tpu.memory_space<vmem_shared>> -> memref<128x128xf32, #tpu.memory_space<vmem_shared>>
        tpu.enqueue_dma source(%arg8 : memref<128x128xf32, #tpu.memory_space<vmem>>) target(%dma_start3A_33 : memref<128x128xf32, #tpu.memory_space<vmem_shared>>) target_semaphore(%run_scoped3A : memref<!tpu.dma_semaphore, #tpu.memory_space<semaphore_mem>>)
        %dma_wait3A = arith.constant 0 : i32
        %dma_wait3A_34 = tpu.memref_slice %arg9[%add3A_30, %dma_wait3A] : memref<10240x128xf32, #tpu.memory_space<vmem_shared>> -> memref<128x128xf32, #tpu.memory_space<vmem_shared>>
        %dma_wait3A_35 = arith.constant 0 : i32
        %dma_wait3A_36 = tpu.memref_slice %arg9[%add3A_30, %dma_wait3A_35] : memref<10240x128xf32, #tpu.memory_space<vmem_shared>> -> memref<128x128xf32, #tpu.memory_space<vmem_shared>>
        tpu.wait_dma2 semaphore(%run_scoped3A : memref<!tpu.dma_semaphore, #tpu.memory_space<semaphore_mem>>) src(%arg8 : memref<128x128xf32, #tpu.memory_space<vmem>>) dst(%dma_wait3A_36 : memref<128x128xf32, #tpu.memory_space<vmem_shared>>)
        tpu.yield
      }) : () -> ()
    }
    %scan3A_11 = arith.constant 5 : i32
    %barrier3A = arith.constant 0 : index
    tpu.barrier barrier_id(%barrier3A)
    %eq3A = arith.constant 0 : i32
    %eq3A_12 = arith.cmpi eq, %arg0, %eq3A : i32
    %convert_element_type3A = arith.extui %eq3A_12 : i1 to i32
    %cond3A = arith.constant 0 : i32
    %cond3A_13 = arith.cmpi ne, %convert_element_type3A, %cond3A : i32
    scf.if %cond3A_13 {
      %mul3A_25 = arith.constant 120 : i32
      %mul3A_26 = arith.muli %arg1, %mul3A_25 : i32
      %multiple_of3A = tpu.assume_multiple %mul3A_26, 8 : i32
      "tpu.region"() ({
        %run_scoped3A = tpu.sem_alloc : memref<!tpu.dma_semaphore, #tpu.memory_space<semaphore_mem>>
        %dma_start3A = arith.constant 0 : i32
        %dma_start3A_32 = arith.constant 0 : i32
        %dma_start3A_33 = tpu.memref_slice %arg6[%dma_start3A, %dma_start3A_32] : memref<120x128xi32, #tpu.memory_space<vmem>> -> memref<120x128xi32, #tpu.memory_space<vmem>>
        %dma_start3A_34 = arith.constant 0 : i32
        %dma_start3A_35 = tpu.memref_slice %arg3[%multiple_of3A, %dma_start3A_34] : memref<2560x128xi32, #tpu.memory_space<hbm>> -> memref<120x128xi32, #tpu.memory_space<hbm>>
        %dma_start3A_36 = arith.constant 0 : i32
        %dma_start3A_37 = arith.constant 0 : i32
        %dma_start3A_38 = tpu.memref_slice %arg6[%dma_start3A_36, %dma_start3A_37] : memref<120x128xi32, #tpu.memory_space<vmem>> -> memref<120x128xi32, #tpu.memory_space<vmem>>
        %dma_start3A_39 = arith.constant 0 : i32
        %dma_start3A_40 = tpu.memref_slice %arg3[%multiple_of3A, %dma_start3A_39] : memref<2560x128xi32, #tpu.memory_space<hbm>> -> memref<120x128xi32, #tpu.memory_space<hbm>>
        tpu.enqueue_dma source(%dma_start3A_40 : memref<120x128xi32, #tpu.memory_space<hbm>>) target(%dma_start3A_38 : memref<120x128xi32, #tpu.memory_space<vmem>>) target_semaphore(%run_scoped3A : memref<!tpu.dma_semaphore, #tpu.memory_space<semaphore_mem>>)
        %dma_wait3A = arith.constant 0 : i32
        %dma_wait3A_41 = arith.constant 0 : i32
        %dma_wait3A_42 = tpu.memref_slice %arg6[%dma_wait3A, %dma_wait3A_41] : memref<120x128xi32, #tpu.memory_space<vmem>> -> memref<120x128xi32, #tpu.memory_space<vmem>>
        %dma_wait3A_43 = arith.constant 0 : i32
        %dma_wait3A_44 = tpu.memref_slice %arg3[%multiple_of3A, %dma_wait3A_43] : memref<2560x128xi32, #tpu.memory_space<hbm>> -> memref<120x128xi32, #tpu.memory_space<hbm>>
        %dma_wait3A_45 = arith.constant 0 : i32
        %dma_wait3A_46 = arith.constant 0 : i32
        %dma_wait3A_47 = tpu.memref_slice %arg6[%dma_wait3A_45, %dma_wait3A_46] : memref<120x128xi32, #tpu.memory_space<vmem>> -> memref<120x128xi32, #tpu.memory_space<vmem>>
        %dma_wait3A_48 = arith.constant 0 : i32
        %dma_wait3A_49 = tpu.memref_slice %arg3[%multiple_of3A, %dma_wait3A_48] : memref<2560x128xi32, #tpu.memory_space<hbm>> -> memref<120x128xi32, #tpu.memory_space<hbm>>
        tpu.wait_dma2 semaphore(%run_scoped3A : memref<!tpu.dma_semaphore, #tpu.memory_space<semaphore_mem>>) src(%dma_wait3A_49 : memref<120x128xi32, #tpu.memory_space<hbm>>) dst(%dma_wait3A_47 : memref<120x128xi32, #tpu.memory_space<vmem>>)
        tpu.yield
      }) : () -> ()
      "tpu.region"() ({
        %run_scoped3A = tpu.sem_alloc : memref<!tpu.dma_semaphore, #tpu.memory_space<semaphore_mem>>
        %dma_start3A = arith.constant 0 : i32
        %dma_start3A_32 = arith.constant 0 : i32
        %dma_start3A_33 = tpu.memref_slice %arg7[%dma_start3A, %dma_start3A_32] : memref<120x128xi32, #tpu.memory_space<vmem>> -> memref<120x128xi32, #tpu.memory_space<vmem>>
        %dma_start3A_34 = arith.constant 0 : i32
        %dma_start3A_35 = tpu.memref_slice %arg4[%multiple_of3A, %dma_start3A_34] : memref<2560x128xi32, #tpu.memory_space<hbm>> -> memref<120x128xi32, #tpu.memory_space<hbm>>
        %dma_start3A_36 = arith.constant 0 : i32
        %dma_start3A_37 = arith.constant 0 : i32
        %dma_start3A_38 = tpu.memref_slice %arg7[%dma_start3A_36, %dma_start3A_37] : memref<120x128xi32, #tpu.memory_space<vmem>> -> memref<120x128xi32, #tpu.memory_space<vmem>>
        %dma_start3A_39 = arith.constant 0 : i32
        %dma_start3A_40 = tpu.memref_slice %arg4[%multiple_of3A, %dma_start3A_39] : memref<2560x128xi32, #tpu.memory_space<hbm>> -> memref<120x128xi32, #tpu.memory_space<hbm>>
        tpu.enqueue_dma source(%dma_start3A_40 : memref<120x128xi32, #tpu.memory_space<hbm>>) target(%dma_start3A_38 : memref<120x128xi32, #tpu.memory_space<vmem>>) target_semaphore(%run_scoped3A : memref<!tpu.dma_semaphore, #tpu.memory_space<semaphore_mem>>)
        %dma_wait3A = arith.constant 0 : i32
        %dma_wait3A_41 = arith.constant 0 : i32
        %dma_wait3A_42 = tpu.memref_slice %arg7[%dma_wait3A, %dma_wait3A_41] : memref<120x128xi32, #tpu.memory_space<vmem>> -> memref<120x128xi32, #tpu.memory_space<vmem>>
        %dma_wait3A_43 = arith.constant 0 : i32
        %dma_wait3A_44 = tpu.memref_slice %arg4[%multiple_of3A, %dma_wait3A_43] : memref<2560x128xi32, #tpu.memory_space<hbm>> -> memref<120x128xi32, #tpu.memory_space<hbm>>
        %dma_wait3A_45 = arith.constant 0 : i32
        %dma_wait3A_46 = arith.constant 0 : i32
        %dma_wait3A_47 = tpu.memref_slice %arg7[%dma_wait3A_45, %dma_wait3A_46] : memref<120x128xi32, #tpu.memory_space<vmem>> -> memref<120x128xi32, #tpu.memory_space<vmem>>
        %dma_wait3A_48 = arith.constant 0 : i32
        %dma_wait3A_49 = tpu.memref_slice %arg4[%multiple_of3A, %dma_wait3A_48] : memref<2560x128xi32, #tpu.memory_space<hbm>> -> memref<120x128xi32, #tpu.memory_space<hbm>>
        tpu.wait_dma2 semaphore(%run_scoped3A : memref<!tpu.dma_semaphore, #tpu.memory_space<semaphore_mem>>) src(%dma_wait3A_49 : memref<120x128xi32, #tpu.memory_space<hbm>>) dst(%dma_wait3A_47 : memref<120x128xi32, #tpu.memory_space<vmem>>)
        tpu.yield
      }) : () -> ()
      %scan3A_27 = arith.constant 0 : i32
      %scan3A_28 = arith.constant 120 : i32
      %scan3A_29 = arith.addi %scan3A_27, %scan3A_28 : i32
      %scan3A_30 = arith.constant 1 : i32
      scf.for %scan3A_32 = %scan3A_27 to %scan3A_29 step %scan3A_30  : i32 {
        %mul3A_33 = arith.constant 1 : i32
        %mul3A_34 = arith.muli %scan3A_32, %mul3A_33 : i32
        %add3A_35 = arith.constant 0 : i32
        %add3A_36 = arith.addi %add3A_35, %mul3A_34 : i32
        "tpu.region"() ({
          %run_scoped3A = tpu.sem_alloc : memref<!tpu.dma_semaphore, #tpu.memory_space<semaphore_mem>>
          %dma_start3A = arith.constant 0 : i32
          %dma_start3A_37 = tpu.memref_slice %arg6[%add3A_36, %dma_start3A] : memref<120x128xi32, #tpu.memory_space<vmem>> -> memref<1x128xi32, #tpu.memory_space<vmem>>
          %dma_start3A_38 = tpu.memref_squeeze %dma_start3A_37 : memref<1x128xi32, #tpu.memory_space<vmem>> -> memref<128xi32, #tpu.memory_space<vmem>>
          %dma_start3A_39 = arith.constant 0 : i32
          %dma_start3A_40 = arith.constant 0 : i32
          %dma_start3A_41 = tpu.memref_slice %arg2[%dma_start3A_39, %dma_start3A_40] : memref<10000x128xf32, #tpu.memory_space<hbm>> -> memref<10000x128xf32, #tpu.memory_space<hbm>>
          tpu.enqueue_indirect_dma source(%dma_start3A_41 : memref<10000x128xf32, #tpu.memory_space<hbm>>) target(%arg8 : memref<128x128xf32, #tpu.memory_space<vmem>>) offsets(%dma_start3A_38 : memref<128xi32, #tpu.memory_space<vmem>>) semaphore(%run_scoped3A : memref<!tpu.dma_semaphore, #tpu.memory_space<semaphore_mem>>)
          %dma_wait3A = arith.constant 0 : i32
          %dma_wait3A_42 = tpu.memref_slice %arg6[%add3A_36, %dma_wait3A] : memref<120x128xi32, #tpu.memory_space<vmem>> -> memref<1x128xi32, #tpu.memory_space<vmem>>
          %dma_wait3A_43 = tpu.memref_squeeze %dma_wait3A_42 : memref<1x128xi32, #tpu.memory_space<vmem>> -> memref<128xi32, #tpu.memory_space<vmem>>
          %dma_wait3A_44 = arith.constant 0 : i32
          %dma_wait3A_45 = arith.constant 0 : i32
          %dma_wait3A_46 = tpu.memref_slice %arg2[%dma_wait3A_44, %dma_wait3A_45] : memref<10000x128xf32, #tpu.memory_space<hbm>> -> memref<10000x128xf32, #tpu.memory_space<hbm>>
          tpu.wait_indirect_dma semaphore(%run_scoped3A : memref<!tpu.dma_semaphore, #tpu.memory_space<semaphore_mem>>) src(%dma_wait3A_46 : memref<10000x128xf32, #tpu.memory_space<hbm>>) dst(%arg8 : memref<128x128xf32, #tpu.memory_space<vmem>>)
          tpu.yield
        }) : () -> ()
        "tpu.region"() ({
          %run_scoped3A = tpu.sem_alloc : memref<!tpu.dma_semaphore, #tpu.memory_space<semaphore_mem>>
          %dma_start3A = arith.constant 0 : i32
          %dma_start3A_37 = tpu.memref_slice %arg7[%add3A_36, %dma_start3A] : memref<120x128xi32, #tpu.memory_space<vmem>> -> memref<1x128xi32, #tpu.memory_space<vmem>>
          %dma_start3A_38 = tpu.memref_squeeze %dma_start3A_37 : memref<1x128xi32, #tpu.memory_space<vmem>> -> memref<128xi32, #tpu.memory_space<vmem>>
          %dma_start3A_39 = arith.constant 0 : i32
          %dma_start3A_40 = arith.constant 0 : i32
          %dma_start3A_41 = tpu.memref_slice %arg9[%dma_start3A_39, %dma_start3A_40] : memref<10240x128xf32, #tpu.memory_space<vmem_shared>> -> memref<10240x128xf32, #tpu.memory_space<vmem_shared>>
          tpu.enqueue_indirect_dma source(%arg8 : memref<128x128xf32, #tpu.memory_space<vmem>>) target(%dma_start3A_41 : memref<10240x128xf32, #tpu.memory_space<vmem_shared>>) offsets(%dma_start3A_38 : memref<128xi32, #tpu.memory_space<vmem>>) semaphore(%run_scoped3A : memref<!tpu.dma_semaphore, #tpu.memory_space<semaphore_mem>>) {add = true}
          %dma_wait3A = arith.constant 0 : i32
          %dma_wait3A_42 = tpu.memref_slice %arg7[%add3A_36, %dma_wait3A] : memref<120x128xi32, #tpu.memory_space<vmem>> -> memref<1x128xi32, #tpu.memory_space<vmem>>
          %dma_wait3A_43 = tpu.memref_squeeze %dma_wait3A_42 : memref<1x128xi32, #tpu.memory_space<vmem>> -> memref<128xi32, #tpu.memory_space<vmem>>
          %dma_wait3A_44 = arith.constant 0 : i32
          %dma_wait3A_45 = arith.constant 0 : i32
          %dma_wait3A_46 = tpu.memref_slice %arg9[%dma_wait3A_44, %dma_wait3A_45] : memref<10240x128xf32, #tpu.memory_space<vmem_shared>> -> memref<10240x128xf32, #tpu.memory_space<vmem_shared>>
          tpu.wait_indirect_dma semaphore(%run_scoped3A : memref<!tpu.dma_semaphore, #tpu.memory_space<semaphore_mem>>) src(%arg8 : memref<128x128xf32, #tpu.memory_space<vmem>>) dst(%dma_wait3A_46 : memref<10240x128xf32, #tpu.memory_space<vmem_shared>>)
          tpu.yield
        }) : () -> ()
      }
      %scan3A_31 = arith.constant 120 : i32
    } else {
    }
    %eq3A_14 = arith.constant 1 : i32
    %eq3A_15 = arith.cmpi eq, %arg0, %eq3A_14 : i32
    %convert_element_type3A_16 = arith.extui %eq3A_15 : i1 to i32
    %cond3A_17 = arith.constant 0 : i32
    %cond3A_18 = arith.cmpi ne, %convert_element_type3A_16, %cond3A_17 : i32
    scf.if %cond3A_18 {
      %mul3A_25 = arith.constant 40 : i32
      %mul3A_26 = arith.muli %arg1, %mul3A_25 : i32
      %add3A_27 = arith.constant 1920 : i32
      %add3A_28 = arith.addi %add3A_27, %mul3A_26 : i32
      %multiple_of3A = tpu.assume_multiple %add3A_28, 8 : i32
      "tpu.region"() ({
        %run_scoped3A = tpu.sem_alloc : memref<!tpu.dma_semaphore, #tpu.memory_space<semaphore_mem>>
        %dma_start3A = arith.constant 0 : i32
        %dma_start3A_34 = arith.constant 0 : i32
        %dma_start3A_35 = tpu.memref_slice %arg6[%dma_start3A, %dma_start3A_34] : memref<120x128xi32, #tpu.memory_space<vmem>> -> memref<40x128xi32, #tpu.memory_space<vmem>>
        %dma_start3A_36 = arith.constant 0 : i32
        %dma_start3A_37 = tpu.memref_slice %arg3[%multiple_of3A, %dma_start3A_36] : memref<2560x128xi32, #tpu.memory_space<hbm>> -> memref<40x128xi32, #tpu.memory_space<hbm>>
        %dma_start3A_38 = arith.constant 0 : i32
        %dma_start3A_39 = arith.constant 0 : i32
        %dma_start3A_40 = tpu.memref_slice %arg6[%dma_start3A_38, %dma_start3A_39] : memref<120x128xi32, #tpu.memory_space<vmem>> -> memref<40x128xi32, #tpu.memory_space<vmem>>
        %dma_start3A_41 = arith.constant 0 : i32
        %dma_start3A_42 = tpu.memref_slice %arg3[%multiple_of3A, %dma_start3A_41] : memref<2560x128xi32, #tpu.memory_space<hbm>> -> memref<40x128xi32, #tpu.memory_space<hbm>>
        tpu.enqueue_dma source(%dma_start3A_42 : memref<40x128xi32, #tpu.memory_space<hbm>>) target(%dma_start3A_40 : memref<40x128xi32, #tpu.memory_space<vmem>>) target_semaphore(%run_scoped3A : memref<!tpu.dma_semaphore, #tpu.memory_space<semaphore_mem>>)
        %dma_wait3A = arith.constant 0 : i32
        %dma_wait3A_43 = arith.constant 0 : i32
        %dma_wait3A_44 = tpu.memref_slice %arg6[%dma_wait3A, %dma_wait3A_43] : memref<120x128xi32, #tpu.memory_space<vmem>> -> memref<40x128xi32, #tpu.memory_space<vmem>>
        %dma_wait3A_45 = arith.constant 0 : i32
        %dma_wait3A_46 = tpu.memref_slice %arg3[%multiple_of3A, %dma_wait3A_45] : memref<2560x128xi32, #tpu.memory_space<hbm>> -> memref<40x128xi32, #tpu.memory_space<hbm>>
        %dma_wait3A_47 = arith.constant 0 : i32
        %dma_wait3A_48 = arith.constant 0 : i32
        %dma_wait3A_49 = tpu.memref_slice %arg6[%dma_wait3A_47, %dma_wait3A_48] : memref<120x128xi32, #tpu.memory_space<vmem>> -> memref<40x128xi32, #tpu.memory_space<vmem>>
        %dma_wait3A_50 = arith.constant 0 : i32
        %dma_wait3A_51 = tpu.memref_slice %arg3[%multiple_of3A, %dma_wait3A_50] : memref<2560x128xi32, #tpu.memory_space<hbm>> -> memref<40x128xi32, #tpu.memory_space<hbm>>
        tpu.wait_dma2 semaphore(%run_scoped3A : memref<!tpu.dma_semaphore, #tpu.memory_space<semaphore_mem>>) src(%dma_wait3A_51 : memref<40x128xi32, #tpu.memory_space<hbm>>) dst(%dma_wait3A_49 : memref<40x128xi32, #tpu.memory_space<vmem>>)
        tpu.yield
      }) : () -> ()
      "tpu.region"() ({
        %run_scoped3A = tpu.sem_alloc : memref<!tpu.dma_semaphore, #tpu.memory_space<semaphore_mem>>
        %dma_start3A = arith.constant 0 : i32
        %dma_start3A_34 = arith.constant 0 : i32
        %dma_start3A_35 = tpu.memref_slice %arg7[%dma_start3A, %dma_start3A_34] : memref<120x128xi32, #tpu.memory_space<vmem>> -> memref<40x128xi32, #tpu.memory_space<vmem>>
        %dma_start3A_36 = arith.constant 0 : i32
        %dma_start3A_37 = tpu.memref_slice %arg4[%multiple_of3A, %dma_start3A_36] : memref<2560x128xi32, #tpu.memory_space<hbm>> -> memref<40x128xi32, #tpu.memory_space<hbm>>
        %dma_start3A_38 = arith.constant 0 : i32
        %dma_start3A_39 = arith.constant 0 : i32
        %dma_start3A_40 = tpu.memref_slice %arg7[%dma_start3A_38, %dma_start3A_39] : memref<120x128xi32, #tpu.memory_space<vmem>> -> memref<40x128xi32, #tpu.memory_space<vmem>>
        %dma_start3A_41 = arith.constant 0 : i32
        %dma_start3A_42 = tpu.memref_slice %arg4[%multiple_of3A, %dma_start3A_41] : memref<2560x128xi32, #tpu.memory_space<hbm>> -> memref<40x128xi32, #tpu.memory_space<hbm>>
        tpu.enqueue_dma source(%dma_start3A_42 : memref<40x128xi32, #tpu.memory_space<hbm>>) target(%dma_start3A_40 : memref<40x128xi32, #tpu.memory_space<vmem>>) target_semaphore(%run_scoped3A : memref<!tpu.dma_semaphore, #tpu.memory_space<semaphore_mem>>)
        %dma_wait3A = arith.constant 0 : i32
        %dma_wait3A_43 = arith.constant 0 : i32
        %dma_wait3A_44 = tpu.memref_slice %arg7[%dma_wait3A, %dma_wait3A_43] : memref<120x128xi32, #tpu.memory_space<vmem>> -> memref<40x128xi32, #tpu.memory_space<vmem>>
        %dma_wait3A_45 = arith.constant 0 : i32
        %dma_wait3A_46 = tpu.memref_slice %arg4[%multiple_of3A, %dma_wait3A_45] : memref<2560x128xi32, #tpu.memory_space<hbm>> -> memref<40x128xi32, #tpu.memory_space<hbm>>
        %dma_wait3A_47 = arith.constant 0 : i32
        %dma_wait3A_48 = arith.constant 0 : i32
        %dma_wait3A_49 = tpu.memref_slice %arg7[%dma_wait3A_47, %dma_wait3A_48] : memref<120x128xi32, #tpu.memory_space<vmem>> -> memref<40x128xi32, #tpu.memory_space<vmem>>
        %dma_wait3A_50 = arith.constant 0 : i32
        %dma_wait3A_51 = tpu.memref_slice %arg4[%multiple_of3A, %dma_wait3A_50] : memref<2560x128xi32, #tpu.memory_space<hbm>> -> memref<40x128xi32, #tpu.memory_space<hbm>>
        tpu.wait_dma2 semaphore(%run_scoped3A : memref<!tpu.dma_semaphore, #tpu.memory_space<semaphore_mem>>) src(%dma_wait3A_51 : memref<40x128xi32, #tpu.memory_space<hbm>>) dst(%dma_wait3A_49 : memref<40x128xi32, #tpu.memory_space<vmem>>)
        tpu.yield
      }) : () -> ()
      %scan3A_29 = arith.constant 0 : i32
      %scan3A_30 = arith.constant 40 : i32
      %scan3A_31 = arith.addi %scan3A_29, %scan3A_30 : i32
      %scan3A_32 = arith.constant 1 : i32
      scf.for %scan3A_34 = %scan3A_29 to %scan3A_31 step %scan3A_32  : i32 {
        %mul3A_35 = arith.constant 1 : i32
        %mul3A_36 = arith.muli %scan3A_34, %mul3A_35 : i32
        %add3A_37 = arith.constant 0 : i32
        %add3A_38 = arith.addi %add3A_37, %mul3A_36 : i32
        "tpu.region"() ({
          %run_scoped3A = tpu.sem_alloc : memref<!tpu.dma_semaphore, #tpu.memory_space<semaphore_mem>>
          %dma_start3A = arith.constant 0 : i32
          %dma_start3A_39 = tpu.memref_slice %arg6[%add3A_38, %dma_start3A] : memref<120x128xi32, #tpu.memory_space<vmem>> -> memref<1x128xi32, #tpu.memory_space<vmem>>
          %dma_start3A_40 = tpu.memref_squeeze %dma_start3A_39 : memref<1x128xi32, #tpu.memory_space<vmem>> -> memref<128xi32, #tpu.memory_space<vmem>>
          %dma_start3A_41 = arith.constant 0 : i32
          %dma_start3A_42 = arith.constant 0 : i32
          %dma_start3A_43 = tpu.memref_slice %arg2[%dma_start3A_41, %dma_start3A_42] : memref<10000x128xf32, #tpu.memory_space<hbm>> -> memref<10000x128xf32, #tpu.memory_space<hbm>>
          tpu.enqueue_indirect_dma source(%dma_start3A_43 : memref<10000x128xf32, #tpu.memory_space<hbm>>) target(%arg8 : memref<128x128xf32, #tpu.memory_space<vmem>>) offsets(%dma_start3A_40 : memref<128xi32, #tpu.memory_space<vmem>>) semaphore(%run_scoped3A : memref<!tpu.dma_semaphore, #tpu.memory_space<semaphore_mem>>)
          %dma_wait3A = arith.constant 0 : i32
          %dma_wait3A_44 = tpu.memref_slice %arg6[%add3A_38, %dma_wait3A] : memref<120x128xi32, #tpu.memory_space<vmem>> -> memref<1x128xi32, #tpu.memory_space<vmem>>
          %dma_wait3A_45 = tpu.memref_squeeze %dma_wait3A_44 : memref<1x128xi32, #tpu.memory_space<vmem>> -> memref<128xi32, #tpu.memory_space<vmem>>
          %dma_wait3A_46 = arith.constant 0 : i32
          %dma_wait3A_47 = arith.constant 0 : i32
          %dma_wait3A_48 = tpu.memref_slice %arg2[%dma_wait3A_46, %dma_wait3A_47] : memref<10000x128xf32, #tpu.memory_space<hbm>> -> memref<10000x128xf32, #tpu.memory_space<hbm>>
          tpu.wait_indirect_dma semaphore(%run_scoped3A : memref<!tpu.dma_semaphore, #tpu.memory_space<semaphore_mem>>) src(%dma_wait3A_48 : memref<10000x128xf32, #tpu.memory_space<hbm>>) dst(%arg8 : memref<128x128xf32, #tpu.memory_space<vmem>>)
          tpu.yield
        }) : () -> ()
        "tpu.region"() ({
          %run_scoped3A = tpu.sem_alloc : memref<!tpu.dma_semaphore, #tpu.memory_space<semaphore_mem>>
          %dma_start3A = arith.constant 0 : i32
          %dma_start3A_39 = tpu.memref_slice %arg7[%add3A_38, %dma_start3A] : memref<120x128xi32, #tpu.memory_space<vmem>> -> memref<1x128xi32, #tpu.memory_space<vmem>>
          %dma_start3A_40 = tpu.memref_squeeze %dma_start3A_39 : memref<1x128xi32, #tpu.memory_space<vmem>> -> memref<128xi32, #tpu.memory_space<vmem>>
          %dma_start3A_41 = arith.constant 0 : i32
          %dma_start3A_42 = arith.constant 0 : i32
          %dma_start3A_43 = tpu.memref_slice %arg9[%dma_start3A_41, %dma_start3A_42] : memref<10240x128xf32, #tpu.memory_space<vmem_shared>> -> memref<10240x128xf32, #tpu.memory_space<vmem_shared>>
          tpu.enqueue_indirect_dma source(%arg8 : memref<128x128xf32, #tpu.memory_space<vmem>>) target(%dma_start3A_43 : memref<10240x128xf32, #tpu.memory_space<vmem_shared>>) offsets(%dma_start3A_40 : memref<128xi32, #tpu.memory_space<vmem>>) semaphore(%run_scoped3A : memref<!tpu.dma_semaphore, #tpu.memory_space<semaphore_mem>>) {add = true}
          %dma_wait3A = arith.constant 0 : i32
          %dma_wait3A_44 = tpu.memref_slice %arg7[%add3A_38, %dma_wait3A] : memref<120x128xi32, #tpu.memory_space<vmem>> -> memref<1x128xi32, #tpu.memory_space<vmem>>
          %dma_wait3A_45 = tpu.memref_squeeze %dma_wait3A_44 : memref<1x128xi32, #tpu.memory_space<vmem>> -> memref<128xi32, #tpu.memory_space<vmem>>
          %dma_wait3A_46 = arith.constant 0 : i32
          %dma_wait3A_47 = arith.constant 0 : i32
          %dma_wait3A_48 = tpu.memref_slice %arg9[%dma_wait3A_46, %dma_wait3A_47] : memref<10240x128xf32, #tpu.memory_space<vmem_shared>> -> memref<10240x128xf32, #tpu.memory_space<vmem_shared>>
          tpu.wait_indirect_dma semaphore(%run_scoped3A : memref<!tpu.dma_semaphore, #tpu.memory_space<semaphore_mem>>) src(%arg8 : memref<128x128xf32, #tpu.memory_space<vmem>>) dst(%dma_wait3A_48 : memref<10240x128xf32, #tpu.memory_space<vmem_shared>>)
          tpu.yield
        }) : () -> ()
      }
      %scan3A_33 = arith.constant 40 : i32
    } else {
    }
    %barrier3A_19 = arith.constant 0 : index
    tpu.barrier barrier_id(%barrier3A_19)
    %scan3A_20 = arith.constant 0 : i32
    %scan3A_21 = arith.constant 5 : i32
    %scan3A_22 = arith.addi %scan3A_20, %scan3A_21 : i32
    %scan3A_23 = arith.constant 1 : i32
    scf.for %scan3A_25 = %scan3A_20 to %scan3A_22 step %scan3A_23  : i32 {
      %mul3A_26 = arith.constant 128 : i32
      %mul3A_27 = arith.muli %scan3A_25, %mul3A_26 : i32
      %add3A_28 = arith.constant 0 : i32
      %add3A_29 = arith.addi %add3A_28, %mul3A_27 : i32
      %add3A_30 = arith.addi %mul3A_6, %add3A_29 : i32
      %add3A_31 = arith.addi %mul3A_6, %add3A_29 : i32
      "tpu.region"() ({
        %run_scoped3A = tpu.sem_alloc : memref<!tpu.dma_semaphore, #tpu.memory_space<semaphore_mem>>
        %dma_start3A = arith.constant 0 : i32
        %dma_start3A_32 = tpu.memref_slice %arg5[%arg0, %add3A_31, %dma_start3A] : memref<2x10240x128xf32, #tpu.memory_space<hbm>> -> memref<1x128x128xf32, #tpu.memory_space<hbm>>
        %dma_start3A_33 = tpu.memref_squeeze %dma_start3A_32 : memref<1x128x128xf32, #tpu.memory_space<hbm>> -> memref<128x128xf32, #tpu.memory_space<hbm>>
        %dma_start3A_34 = arith.constant 0 : i32
        %dma_start3A_35 = tpu.memref_slice %arg9[%add3A_30, %dma_start3A_34] : memref<10240x128xf32, #tpu.memory_space<vmem_shared>> -> memref<128x128xf32, #tpu.memory_space<vmem_shared>>
        tpu.enqueue_dma source(%dma_start3A_35 : memref<128x128xf32, #tpu.memory_space<vmem_shared>>) target(%dma_start3A_33 : memref<128x128xf32, #tpu.memory_space<hbm>>) target_semaphore(%run_scoped3A : memref<!tpu.dma_semaphore, #tpu.memory_space<semaphore_mem>>)
        %dma_wait3A = arith.constant 0 : i32
        %dma_wait3A_36 = tpu.memref_slice %arg5[%arg0, %add3A_31, %dma_wait3A] : memref<2x10240x128xf32, #tpu.memory_space<hbm>> -> memref<1x128x128xf32, #tpu.memory_space<hbm>>
        %dma_wait3A_37 = tpu.memref_squeeze %dma_wait3A_36 : memref<1x128x128xf32, #tpu.memory_space<hbm>> -> memref<128x128xf32, #tpu.memory_space<hbm>>
        %dma_wait3A_38 = arith.constant 0 : i32
        %dma_wait3A_39 = tpu.memref_slice %arg9[%add3A_30, %dma_wait3A_38] : memref<10240x128xf32, #tpu.memory_space<vmem_shared>> -> memref<128x128xf32, #tpu.memory_space<vmem_shared>>
        tpu.wait_dma2 semaphore(%run_scoped3A : memref<!tpu.dma_semaphore, #tpu.memory_space<semaphore_mem>>) src(%dma_wait3A_39 : memref<128x128xf32, #tpu.memory_space<vmem_shared>>) dst(%dma_wait3A_37 : memref<128x128xf32, #tpu.memory_space<hbm>>)
        tpu.yield
      }) : () -> ()
    }
    %scan3A_24 = arith.constant 5 : i32
    return
  }
}

#map = affine_map<(d0, d1) -> (0, 0)>
#map1 = affine_map<(d0, d1) -> (0, 0, 0)>
module attributes {stable_mosaic.version = 14 : i64} {
  func.func @msg_kernel(%arg0: i32, %arg1: i32, %arg2: memref<10000x128xf32, #tpu.memory_space<hbm>>, %arg3: memref<2560x128xi32, #tpu.memory_space<hbm>>, %arg4: memref<2560x128xi32, #tpu.memory_space<hbm>>, %arg5: memref<2x10240x128xf32, #tpu.memory_space<hbm>>, %arg6: memref<120x128xi32, #tpu.memory_space<vmem>>, %arg7: memref<120x128xi32, #tpu.memory_space<vmem>>, %arg8: memref<128x128xf32, #tpu.memory_space<vmem>>, %arg9: memref<10240x128xf32, #tpu.memory_space<vmem_shared>>) attributes {dimension_semantics = [#tpu.dimension_semantics<core_parallel>, #tpu.dimension_semantics<subcore_parallel>], iteration_bounds = array<i64: 2, 16>, scalar_prefetch = 0 : i64, scratch_operands = 4 : i64, tpu.core_type = #tpu.core_type<sc_vector_subcore>, window_params = [{transform_indices = #map}, {transform_indices = #map}, {transform_indices = #map}, {transform_indices = #map1}]} {
    %mul3A = arith.constant 16 : i32
    %mul3A_0 = arith.muli %arg0, %mul3A : i32
    %add3A = arith.addi %mul3A_0, %arg1 : i32
    %scan3A = arith.constant 0 : i32
    %scan3A_1 = arith.constant 128 : i32
    %scan3A_2 = arith.addi %scan3A, %scan3A_1 : i32
    %scan3A_3 = arith.constant 1 : i32
    scf.for %scan3A_25 = %scan3A to %scan3A_2 step %scan3A_3  : i32 {
      %mul3A_26 = arith.constant 1 : i32
      %mul3A_27 = arith.muli %scan3A_25, %mul3A_26 : i32
      %add3A_28 = arith.constant 0 : i32
      %add3A_29 = arith.addi %add3A_28, %mul3A_27 : i32
      %scan3A_30 = arith.constant 0 : i32
      %scan3A_31 = arith.constant 8 : i32
      %scan3A_32 = arith.addi %scan3A_30, %scan3A_31 : i32
      %scan3A_33 = arith.constant 1 : i32
      scf.for %scan3A_35 = %scan3A_30 to %scan3A_32 step %scan3A_33  : i32 {
        %mul3A_36 = arith.constant 16 : i32
        %mul3A_37 = arith.muli %scan3A_35, %mul3A_36 : i32
        %add3A_38 = arith.constant 0 : i32
        %add3A_39 = arith.addi %add3A_38, %mul3A_37 : i32
        %broadcast_in_dim3A = arith.constant 0.000000e+00 : f32
        %broadcast_in_dim3A_40 = vector.broadcast %broadcast_in_dim3A : f32 to vector<16xf32>
        %swap3A = arith.index_cast %add3A_29 : i32 to index
        %swap3A_41 = arith.index_cast %add3A_39 : i32 to index
        %swap3A_42 = tpu.vector_load %arg8[%swap3A, %swap3A_41] {strides = array<i32>} : memref<128x128xf32, #tpu.memory_space<vmem>>, vector<1x16xf32>,
        %swap3A_43 = vector.shape_cast %swap3A_42 : vector<1x16xf32> to vector<16xf32>
        %swap3A_44 = vector.shape_cast %broadcast_in_dim3A_40 : vector<16xf32> to vector<1x16xf32>
        tpu.vector_store %arg8[%swap3A, %swap3A_41], %swap3A_44 {strides = array<i32>} : memref<128x128xf32, #tpu.memory_space<vmem>>, vector<1x16xf32>,
      }
      %scan3A_34 = arith.constant 8 : i32
    }
    %scan3A_4 = arith.constant 128 : i32
    %mul3A_5 = arith.constant 640 : i32
    %mul3A_6 = arith.muli %arg1, %mul3A_5 : i32
    %scan3A_7 = arith.constant 0 : i32
    %scan3A_8 = arith.constant 5 : i32
    %scan3A_9 = arith.addi %scan3A_7, %scan3A_8 : i32
    %scan3A_10 = arith.constant 1 : i32
    scf.for %scan3A_25 = %scan3A_7 to %scan3A_9 step %scan3A_10  : i32 {
      %mul3A_26 = arith.constant 128 : i32
      %mul3A_27 = arith.muli %scan3A_25, %mul3A_26 : i32
      %add3A_28 = arith.constant 0 : i32
      %add3A_29 = arith.addi %add3A_28, %mul3A_27 : i32
      %add3A_30 = arith.addi %mul3A_6, %add3A_29 : i32
      "tpu.region"() ({
        %run_scoped3A = tpu.sem_alloc : memref<!tpu.dma_semaphore, #tpu.memory_space<semaphore_mem>>
        %dma_start3A = arith.constant 0 : i32
        %dma_start3A_31 = tpu.memref_slice %arg9[%add3A_30, %dma_start3A] : memref<10240x128xf32, #tpu.memory_space<vmem_shared>> -> memref<128x128xf32, #tpu.memory_space<vmem_shared>>
        %dma_start3A_32 = arith.constant 0 : i32
        %dma_start3A_33 = tpu.memref_slice %arg9[%add3A_30, %dma_start3A_32] : memref<10240x128xf32, #tpu.memory_space<vmem_shared>> -> memref<128x128xf32, #tpu.memory_space<vmem_shared>>
        tpu.enqueue_dma source(%arg8 : memref<128x128xf32, #tpu.memory_space<vmem>>) target(%dma_start3A_33 : memref<128x128xf32, #tpu.memory_space<vmem_shared>>) target_semaphore(%run_scoped3A : memref<!tpu.dma_semaphore, #tpu.memory_space<semaphore_mem>>)
        %dma_wait3A = arith.constant 0 : i32
        %dma_wait3A_34 = tpu.memref_slice %arg9[%add3A_30, %dma_wait3A] : memref<10240x128xf32, #tpu.memory_space<vmem_shared>> -> memref<128x128xf32, #tpu.memory_space<vmem_shared>>
        %dma_wait3A_35 = arith.constant 0 : i32
        %dma_wait3A_36 = tpu.memref_slice %arg9[%add3A_30, %dma_wait3A_35] : memref<10240x128xf32, #tpu.memory_space<vmem_shared>> -> memref<128x128xf32, #tpu.memory_space<vmem_shared>>
        tpu.wait_dma2 semaphore(%run_scoped3A : memref<!tpu.dma_semaphore, #tpu.memory_space<semaphore_mem>>) src(%arg8 : memref<128x128xf32, #tpu.memory_space<vmem>>) dst(%dma_wait3A_36 : memref<128x128xf32, #tpu.memory_space<vmem_shared>>)
        tpu.yield
      }) : () -> ()
    }
    %scan3A_11 = arith.constant 5 : i32
    %barrier3A = arith.constant 0 : index
    tpu.barrier barrier_id(%barrier3A)
    %eq3A = arith.constant 0 : i32
    %eq3A_12 = arith.cmpi eq, %arg0, %eq3A : i32
    %convert_element_type3A = arith.extui %eq3A_12 : i1 to i32
    %cond3A = arith.constant 0 : i32
    %cond3A_13 = arith.cmpi ne, %convert_element_type3A, %cond3A : i32
    scf.if %cond3A_13 {
      %mul3A_25 = arith.constant 120 : i32
      %mul3A_26 = arith.muli %arg1, %mul3A_25 : i32
      %multiple_of3A = tpu.assume_multiple %mul3A_26, 8 : i32
      "tpu.region"() ({
        %run_scoped3A = tpu.sem_alloc : memref<!tpu.dma_semaphore, #tpu.memory_space<semaphore_mem>>
        %dma_start3A = arith.constant 0 : i32
        %dma_start3A_32 = arith.constant 0 : i32
        %dma_start3A_33 = tpu.memref_slice %arg6[%dma_start3A, %dma_start3A_32] : memref<120x128xi32, #tpu.memory_space<vmem>> -> memref<120x128xi32, #tpu.memory_space<vmem>>
        %dma_start3A_34 = arith.constant 0 : i32
        %dma_start3A_35 = tpu.memref_slice %arg3[%multiple_of3A, %dma_start3A_34] : memref<2560x128xi32, #tpu.memory_space<hbm>> -> memref<120x128xi32, #tpu.memory_space<hbm>>
        %dma_start3A_36 = arith.constant 0 : i32
        %dma_start3A_37 = arith.constant 0 : i32
        %dma_start3A_38 = tpu.memref_slice %arg6[%dma_start3A_36, %dma_start3A_37] : memref<120x128xi32, #tpu.memory_space<vmem>> -> memref<120x128xi32, #tpu.memory_space<vmem>>
        %dma_start3A_39 = arith.constant 0 : i32
        %dma_start3A_40 = tpu.memref_slice %arg3[%multiple_of3A, %dma_start3A_39] : memref<2560x128xi32, #tpu.memory_space<hbm>> -> memref<120x128xi32, #tpu.memory_space<hbm>>
        tpu.enqueue_dma source(%dma_start3A_40 : memref<120x128xi32, #tpu.memory_space<hbm>>) target(%dma_start3A_38 : memref<120x128xi32, #tpu.memory_space<vmem>>) target_semaphore(%run_scoped3A : memref<!tpu.dma_semaphore, #tpu.memory_space<semaphore_mem>>)
        %dma_wait3A = arith.constant 0 : i32
        %dma_wait3A_41 = arith.constant 0 : i32
        %dma_wait3A_42 = tpu.memref_slice %arg6[%dma_wait3A, %dma_wait3A_41] : memref<120x128xi32, #tpu.memory_space<vmem>> -> memref<120x128xi32, #tpu.memory_space<vmem>>
        %dma_wait3A_43 = arith.constant 0 : i32
        %dma_wait3A_44 = tpu.memref_slice %arg3[%multiple_of3A, %dma_wait3A_43] : memref<2560x128xi32, #tpu.memory_space<hbm>> -> memref<120x128xi32, #tpu.memory_space<hbm>>
        %dma_wait3A_45 = arith.constant 0 : i32
        %dma_wait3A_46 = arith.constant 0 : i32
        %dma_wait3A_47 = tpu.memref_slice %arg6[%dma_wait3A_45, %dma_wait3A_46] : memref<120x128xi32, #tpu.memory_space<vmem>> -> memref<120x128xi32, #tpu.memory_space<vmem>>
        %dma_wait3A_48 = arith.constant 0 : i32
        %dma_wait3A_49 = tpu.memref_slice %arg3[%multiple_of3A, %dma_wait3A_48] : memref<2560x128xi32, #tpu.memory_space<hbm>> -> memref<120x128xi32, #tpu.memory_space<hbm>>
        tpu.wait_dma2 semaphore(%run_scoped3A : memref<!tpu.dma_semaphore, #tpu.memory_space<semaphore_mem>>) src(%dma_wait3A_49 : memref<120x128xi32, #tpu.memory_space<hbm>>) dst(%dma_wait3A_47 : memref<120x128xi32, #tpu.memory_space<vmem>>)
        tpu.yield
      }) : () -> ()
      "tpu.region"() ({
        %run_scoped3A = tpu.sem_alloc : memref<!tpu.dma_semaphore, #tpu.memory_space<semaphore_mem>>
        %dma_start3A = arith.constant 0 : i32
        %dma_start3A_32 = arith.constant 0 : i32
        %dma_start3A_33 = tpu.memref_slice %arg7[%dma_start3A, %dma_start3A_32] : memref<120x128xi32, #tpu.memory_space<vmem>> -> memref<120x128xi32, #tpu.memory_space<vmem>>
        %dma_start3A_34 = arith.constant 0 : i32
        %dma_start3A_35 = tpu.memref_slice %arg4[%multiple_of3A, %dma_start3A_34] : memref<2560x128xi32, #tpu.memory_space<hbm>> -> memref<120x128xi32, #tpu.memory_space<hbm>>
        %dma_start3A_36 = arith.constant 0 : i32
        %dma_start3A_37 = arith.constant 0 : i32
        %dma_start3A_38 = tpu.memref_slice %arg7[%dma_start3A_36, %dma_start3A_37] : memref<120x128xi32, #tpu.memory_space<vmem>> -> memref<120x128xi32, #tpu.memory_space<vmem>>
        %dma_start3A_39 = arith.constant 0 : i32
        %dma_start3A_40 = tpu.memref_slice %arg4[%multiple_of3A, %dma_start3A_39] : memref<2560x128xi32, #tpu.memory_space<hbm>> -> memref<120x128xi32, #tpu.memory_space<hbm>>
        tpu.enqueue_dma source(%dma_start3A_40 : memref<120x128xi32, #tpu.memory_space<hbm>>) target(%dma_start3A_38 : memref<120x128xi32, #tpu.memory_space<vmem>>) target_semaphore(%run_scoped3A : memref<!tpu.dma_semaphore, #tpu.memory_space<semaphore_mem>>)
        %dma_wait3A = arith.constant 0 : i32
        %dma_wait3A_41 = arith.constant 0 : i32
        %dma_wait3A_42 = tpu.memref_slice %arg7[%dma_wait3A, %dma_wait3A_41] : memref<120x128xi32, #tpu.memory_space<vmem>> -> memref<120x128xi32, #tpu.memory_space<vmem>>
        %dma_wait3A_43 = arith.constant 0 : i32
        %dma_wait3A_44 = tpu.memref_slice %arg4[%multiple_of3A, %dma_wait3A_43] : memref<2560x128xi32, #tpu.memory_space<hbm>> -> memref<120x128xi32, #tpu.memory_space<hbm>>
        %dma_wait3A_45 = arith.constant 0 : i32
        %dma_wait3A_46 = arith.constant 0 : i32
        %dma_wait3A_47 = tpu.memref_slice %arg7[%dma_wait3A_45, %dma_wait3A_46] : memref<120x128xi32, #tpu.memory_space<vmem>> -> memref<120x128xi32, #tpu.memory_space<vmem>>
        %dma_wait3A_48 = arith.constant 0 : i32
        %dma_wait3A_49 = tpu.memref_slice %arg4[%multiple_of3A, %dma_wait3A_48] : memref<2560x128xi32, #tpu.memory_space<hbm>> -> memref<120x128xi32, #tpu.memory_space<hbm>>
        tpu.wait_dma2 semaphore(%run_scoped3A : memref<!tpu.dma_semaphore, #tpu.memory_space<semaphore_mem>>) src(%dma_wait3A_49 : memref<120x128xi32, #tpu.memory_space<hbm>>) dst(%dma_wait3A_47 : memref<120x128xi32, #tpu.memory_space<vmem>>)
        tpu.yield
      }) : () -> ()
      %scan3A_27 = arith.constant 0 : i32
      %scan3A_28 = arith.constant 120 : i32
      %scan3A_29 = arith.addi %scan3A_27, %scan3A_28 : i32
      %scan3A_30 = arith.constant 1 : i32
      scf.for %scan3A_32 = %scan3A_27 to %scan3A_29 step %scan3A_30  : i32 {
        %mul3A_33 = arith.constant 1 : i32
        %mul3A_34 = arith.muli %scan3A_32, %mul3A_33 : i32
        %add3A_35 = arith.constant 0 : i32
        %add3A_36 = arith.addi %add3A_35, %mul3A_34 : i32
        "tpu.region"() ({
          %run_scoped3A = tpu.sem_alloc : memref<!tpu.dma_semaphore, #tpu.memory_space<semaphore_mem>>
          %dma_start3A = arith.constant 0 : i32
          %dma_start3A_37 = tpu.memref_slice %arg6[%add3A_36, %dma_start3A] : memref<120x128xi32, #tpu.memory_space<vmem>> -> memref<1x128xi32, #tpu.memory_space<vmem>>
          %dma_start3A_38 = tpu.memref_squeeze %dma_start3A_37 : memref<1x128xi32, #tpu.memory_space<vmem>> -> memref<128xi32, #tpu.memory_space<vmem>>
          %dma_start3A_39 = arith.constant 0 : i32
          %dma_start3A_40 = arith.constant 0 : i32
          %dma_start3A_41 = tpu.memref_slice %arg2[%dma_start3A_39, %dma_start3A_40] : memref<10000x128xf32, #tpu.memory_space<hbm>> -> memref<10000x128xf32, #tpu.memory_space<hbm>>
          tpu.enqueue_indirect_dma source(%dma_start3A_41 : memref<10000x128xf32, #tpu.memory_space<hbm>>) target(%arg8 : memref<128x128xf32, #tpu.memory_space<vmem>>) offsets(%dma_start3A_38 : memref<128xi32, #tpu.memory_space<vmem>>) semaphore(%run_scoped3A : memref<!tpu.dma_semaphore, #tpu.memory_space<semaphore_mem>>)
          %dma_wait3A = arith.constant 0 : i32
          %dma_wait3A_42 = tpu.memref_slice %arg6[%add3A_36, %dma_wait3A] : memref<120x128xi32, #tpu.memory_space<vmem>> -> memref<1x128xi32, #tpu.memory_space<vmem>>
          %dma_wait3A_43 = tpu.memref_squeeze %dma_wait3A_42 : memref<1x128xi32, #tpu.memory_space<vmem>> -> memref<128xi32, #tpu.memory_space<vmem>>
          %dma_wait3A_44 = arith.constant 0 : i32
          %dma_wait3A_45 = arith.constant 0 : i32
          %dma_wait3A_46 = tpu.memref_slice %arg2[%dma_wait3A_44, %dma_wait3A_45] : memref<10000x128xf32, #tpu.memory_space<hbm>> -> memref<10000x128xf32, #tpu.memory_space<hbm>>
          tpu.wait_indirect_dma semaphore(%run_scoped3A : memref<!tpu.dma_semaphore, #tpu.memory_space<semaphore_mem>>) src(%dma_wait3A_46 : memref<10000x128xf32, #tpu.memory_space<hbm>>) dst(%arg8 : memref<128x128xf32, #tpu.memory_space<vmem>>)
          tpu.yield
        }) : () -> ()
        "tpu.region"() ({
          %run_scoped3A = tpu.sem_alloc : memref<!tpu.dma_semaphore, #tpu.memory_space<semaphore_mem>>
          %dma_start3A = arith.constant 0 : i32
          %dma_start3A_37 = tpu.memref_slice %arg7[%add3A_36, %dma_start3A] : memref<120x128xi32, #tpu.memory_space<vmem>> -> memref<1x128xi32, #tpu.memory_space<vmem>>
          %dma_start3A_38 = tpu.memref_squeeze %dma_start3A_37 : memref<1x128xi32, #tpu.memory_space<vmem>> -> memref<128xi32, #tpu.memory_space<vmem>>
          %dma_start3A_39 = arith.constant 0 : i32
          %dma_start3A_40 = arith.constant 0 : i32
          %dma_start3A_41 = tpu.memref_slice %arg9[%dma_start3A_39, %dma_start3A_40] : memref<10240x128xf32, #tpu.memory_space<vmem_shared>> -> memref<10240x128xf32, #tpu.memory_space<vmem_shared>>
          tpu.enqueue_indirect_dma source(%arg8 : memref<128x128xf32, #tpu.memory_space<vmem>>) target(%dma_start3A_41 : memref<10240x128xf32, #tpu.memory_space<vmem_shared>>) offsets(%dma_start3A_38 : memref<128xi32, #tpu.memory_space<vmem>>) semaphore(%run_scoped3A : memref<!tpu.dma_semaphore, #tpu.memory_space<semaphore_mem>>) {add = true}
          %dma_wait3A = arith.constant 0 : i32
          %dma_wait3A_42 = tpu.memref_slice %arg7[%add3A_36, %dma_wait3A] : memref<120x128xi32, #tpu.memory_space<vmem>> -> memref<1x128xi32, #tpu.memory_space<vmem>>
          %dma_wait3A_43 = tpu.memref_squeeze %dma_wait3A_42 : memref<1x128xi32, #tpu.memory_space<vmem>> -> memref<128xi32, #tpu.memory_space<vmem>>
          %dma_wait3A_44 = arith.constant 0 : i32
          %dma_wait3A_45 = arith.constant 0 : i32
          %dma_wait3A_46 = tpu.memref_slice %arg9[%dma_wait3A_44, %dma_wait3A_45] : memref<10240x128xf32, #tpu.memory_space<vmem_shared>> -> memref<10240x128xf32, #tpu.memory_space<vmem_shared>>
          tpu.wait_indirect_dma semaphore(%run_scoped3A : memref<!tpu.dma_semaphore, #tpu.memory_space<semaphore_mem>>) src(%arg8 : memref<128x128xf32, #tpu.memory_space<vmem>>) dst(%dma_wait3A_46 : memref<10240x128xf32, #tpu.memory_space<vmem_shared>>)
          tpu.yield
        }) : () -> ()
      }
      %scan3A_31 = arith.constant 120 : i32
    } else {
    }
    %eq3A_14 = arith.constant 1 : i32
    %eq3A_15 = arith.cmpi eq, %arg0, %eq3A_14 : i32
    %convert_element_type3A_16 = arith.extui %eq3A_15 : i1 to i32
    %cond3A_17 = arith.constant 0 : i32
    %cond3A_18 = arith.cmpi ne, %convert_element_type3A_16, %cond3A_17 : i32
    scf.if %cond3A_18 {
      %mul3A_25 = arith.constant 40 : i32
      %mul3A_26 = arith.muli %arg1, %mul3A_25 : i32
      %add3A_27 = arith.constant 1920 : i32
      %add3A_28 = arith.addi %add3A_27, %mul3A_26 : i32
      %multiple_of3A = tpu.assume_multiple %add3A_28, 8 : i32
      "tpu.region"() ({
        %run_scoped3A = tpu.sem_alloc : memref<!tpu.dma_semaphore, #tpu.memory_space<semaphore_mem>>
        %dma_start3A = arith.constant 0 : i32
        %dma_start3A_34 = arith.constant 0 : i32
        %dma_start3A_35 = tpu.memref_slice %arg6[%dma_start3A, %dma_start3A_34] : memref<120x128xi32, #tpu.memory_space<vmem>> -> memref<40x128xi32, #tpu.memory_space<vmem>>
        %dma_start3A_36 = arith.constant 0 : i32
        %dma_start3A_37 = tpu.memref_slice %arg3[%multiple_of3A, %dma_start3A_36] : memref<2560x128xi32, #tpu.memory_space<hbm>> -> memref<40x128xi32, #tpu.memory_space<hbm>>
        %dma_start3A_38 = arith.constant 0 : i32
        %dma_start3A_39 = arith.constant 0 : i32
        %dma_start3A_40 = tpu.memref_slice %arg6[%dma_start3A_38, %dma_start3A_39] : memref<120x128xi32, #tpu.memory_space<vmem>> -> memref<40x128xi32, #tpu.memory_space<vmem>>
        %dma_start3A_41 = arith.constant 0 : i32
        %dma_start3A_42 = tpu.memref_slice %arg3[%multiple_of3A, %dma_start3A_41] : memref<2560x128xi32, #tpu.memory_space<hbm>> -> memref<40x128xi32, #tpu.memory_space<hbm>>
        tpu.enqueue_dma source(%dma_start3A_42 : memref<40x128xi32, #tpu.memory_space<hbm>>) target(%dma_start3A_40 : memref<40x128xi32, #tpu.memory_space<vmem>>) target_semaphore(%run_scoped3A : memref<!tpu.dma_semaphore, #tpu.memory_space<semaphore_mem>>)
        %dma_wait3A = arith.constant 0 : i32
        %dma_wait3A_43 = arith.constant 0 : i32
        %dma_wait3A_44 = tpu.memref_slice %arg6[%dma_wait3A, %dma_wait3A_43] : memref<120x128xi32, #tpu.memory_space<vmem>> -> memref<40x128xi32, #tpu.memory_space<vmem>>
        %dma_wait3A_45 = arith.constant 0 : i32
        %dma_wait3A_46 = tpu.memref_slice %arg3[%multiple_of3A, %dma_wait3A_45] : memref<2560x128xi32, #tpu.memory_space<hbm>> -> memref<40x128xi32, #tpu.memory_space<hbm>>
        %dma_wait3A_47 = arith.constant 0 : i32
        %dma_wait3A_48 = arith.constant 0 : i32
        %dma_wait3A_49 = tpu.memref_slice %arg6[%dma_wait3A_47, %dma_wait3A_48] : memref<120x128xi32, #tpu.memory_space<vmem>> -> memref<40x128xi32, #tpu.memory_space<vmem>>
        %dma_wait3A_50 = arith.constant 0 : i32
        %dma_wait3A_51 = tpu.memref_slice %arg3[%multiple_of3A, %dma_wait3A_50] : memref<2560x128xi32, #tpu.memory_space<hbm>> -> memref<40x128xi32, #tpu.memory_space<hbm>>
        tpu.wait_dma2 semaphore(%run_scoped3A : memref<!tpu.dma_semaphore, #tpu.memory_space<semaphore_mem>>) src(%dma_wait3A_51 : memref<40x128xi32, #tpu.memory_space<hbm>>) dst(%dma_wait3A_49 : memref<40x128xi32, #tpu.memory_space<vmem>>)
        tpu.yield
      }) : () -> ()
      "tpu.region"() ({
        %run_scoped3A = tpu.sem_alloc : memref<!tpu.dma_semaphore, #tpu.memory_space<semaphore_mem>>
        %dma_start3A = arith.constant 0 : i32
        %dma_start3A_34 = arith.constant 0 : i32
        %dma_start3A_35 = tpu.memref_slice %arg7[%dma_start3A, %dma_start3A_34] : memref<120x128xi32, #tpu.memory_space<vmem>> -> memref<40x128xi32, #tpu.memory_space<vmem>>
        %dma_start3A_36 = arith.constant 0 : i32
        %dma_start3A_37 = tpu.memref_slice %arg4[%multiple_of3A, %dma_start3A_36] : memref<2560x128xi32, #tpu.memory_space<hbm>> -> memref<40x128xi32, #tpu.memory_space<hbm>>
        %dma_start3A_38 = arith.constant 0 : i32
        %dma_start3A_39 = arith.constant 0 : i32
        %dma_start3A_40 = tpu.memref_slice %arg7[%dma_start3A_38, %dma_start3A_39] : memref<120x128xi32, #tpu.memory_space<vmem>> -> memref<40x128xi32, #tpu.memory_space<vmem>>
        %dma_start3A_41 = arith.constant 0 : i32
        %dma_start3A_42 = tpu.memref_slice %arg4[%multiple_of3A, %dma_start3A_41] : memref<2560x128xi32, #tpu.memory_space<hbm>> -> memref<40x128xi32, #tpu.memory_space<hbm>>
        tpu.enqueue_dma source(%dma_start3A_42 : memref<40x128xi32, #tpu.memory_space<hbm>>) target(%dma_start3A_40 : memref<40x128xi32, #tpu.memory_space<vmem>>) target_semaphore(%run_scoped3A : memref<!tpu.dma_semaphore, #tpu.memory_space<semaphore_mem>>)
        %dma_wait3A = arith.constant 0 : i32
        %dma_wait3A_43 = arith.constant 0 : i32
        %dma_wait3A_44 = tpu.memref_slice %arg7[%dma_wait3A, %dma_wait3A_43] : memref<120x128xi32, #tpu.memory_space<vmem>> -> memref<40x128xi32, #tpu.memory_space<vmem>>
        %dma_wait3A_45 = arith.constant 0 : i32
        %dma_wait3A_46 = tpu.memref_slice %arg4[%multiple_of3A, %dma_wait3A_45] : memref<2560x128xi32, #tpu.memory_space<hbm>> -> memref<40x128xi32, #tpu.memory_space<hbm>>
        %dma_wait3A_47 = arith.constant 0 : i32
        %dma_wait3A_48 = arith.constant 0 : i32
        %dma_wait3A_49 = tpu.memref_slice %arg7[%dma_wait3A_47, %dma_wait3A_48] : memref<120x128xi32, #tpu.memory_space<vmem>> -> memref<40x128xi32, #tpu.memory_space<vmem>>
        %dma_wait3A_50 = arith.constant 0 : i32
        %dma_wait3A_51 = tpu.memref_slice %arg4[%multiple_of3A, %dma_wait3A_50] : memref<2560x128xi32, #tpu.memory_space<hbm>> -> memref<40x128xi32, #tpu.memory_space<hbm>>
        tpu.wait_dma2 semaphore(%run_scoped3A : memref<!tpu.dma_semaphore, #tpu.memory_space<semaphore_mem>>) src(%dma_wait3A_51 : memref<40x128xi32, #tpu.memory_space<hbm>>) dst(%dma_wait3A_49 : memref<40x128xi32, #tpu.memory_space<vmem>>)
        tpu.yield
      }) : () -> ()
      %scan3A_29 = arith.constant 0 : i32
      %scan3A_30 = arith.constant 40 : i32
      %scan3A_31 = arith.addi %scan3A_29, %scan3A_30 : i32
      %scan3A_32 = arith.constant 1 : i32
      scf.for %scan3A_34 = %scan3A_29 to %scan3A_31 step %scan3A_32  : i32 {
        %mul3A_35 = arith.constant 1 : i32
        %mul3A_36 = arith.muli %scan3A_34, %mul3A_35 : i32
        %add3A_37 = arith.constant 0 : i32
        %add3A_38 = arith.addi %add3A_37, %mul3A_36 : i32
        "tpu.region"() ({
          %run_scoped3A = tpu.sem_alloc : memref<!tpu.dma_semaphore, #tpu.memory_space<semaphore_mem>>
          %dma_start3A = arith.constant 0 : i32
          %dma_start3A_39 = tpu.memref_slice %arg6[%add3A_38, %dma_start3A] : memref<120x128xi32, #tpu.memory_space<vmem>> -> memref<1x128xi32, #tpu.memory_space<vmem>>
          %dma_start3A_40 = tpu.memref_squeeze %dma_start3A_39 : memref<1x128xi32, #tpu.memory_space<vmem>> -> memref<128xi32, #tpu.memory_space<vmem>>
          %dma_start3A_41 = arith.constant 0 : i32
          %dma_start3A_42 = arith.constant 0 : i32
          %dma_start3A_43 = tpu.memref_slice %arg2[%dma_start3A_41, %dma_start3A_42] : memref<10000x128xf32, #tpu.memory_space<hbm>> -> memref<10000x128xf32, #tpu.memory_space<hbm>>
          tpu.enqueue_indirect_dma source(%dma_start3A_43 : memref<10000x128xf32, #tpu.memory_space<hbm>>) target(%arg8 : memref<128x128xf32, #tpu.memory_space<vmem>>) offsets(%dma_start3A_40 : memref<128xi32, #tpu.memory_space<vmem>>) semaphore(%run_scoped3A : memref<!tpu.dma_semaphore, #tpu.memory_space<semaphore_mem>>)
          %dma_wait3A = arith.constant 0 : i32
          %dma_wait3A_44 = tpu.memref_slice %arg6[%add3A_38, %dma_wait3A] : memref<120x128xi32, #tpu.memory_space<vmem>> -> memref<1x128xi32, #tpu.memory_space<vmem>>
          %dma_wait3A_45 = tpu.memref_squeeze %dma_wait3A_44 : memref<1x128xi32, #tpu.memory_space<vmem>> -> memref<128xi32, #tpu.memory_space<vmem>>
          %dma_wait3A_46 = arith.constant 0 : i32
          %dma_wait3A_47 = arith.constant 0 : i32
          %dma_wait3A_48 = tpu.memref_slice %arg2[%dma_wait3A_46, %dma_wait3A_47] : memref<10000x128xf32, #tpu.memory_space<hbm>> -> memref<10000x128xf32, #tpu.memory_space<hbm>>
          tpu.wait_indirect_dma semaphore(%run_scoped3A : memref<!tpu.dma_semaphore, #tpu.memory_space<semaphore_mem>>) src(%dma_wait3A_48 : memref<10000x128xf32, #tpu.memory_space<hbm>>) dst(%arg8 : memref<128x128xf32, #tpu.memory_space<vmem>>)
          tpu.yield
        }) : () -> ()
        "tpu.region"() ({
          %run_scoped3A = tpu.sem_alloc : memref<!tpu.dma_semaphore, #tpu.memory_space<semaphore_mem>>
          %dma_start3A = arith.constant 0 : i32
          %dma_start3A_39 = tpu.memref_slice %arg7[%add3A_38, %dma_start3A] : memref<120x128xi32, #tpu.memory_space<vmem>> -> memref<1x128xi32, #tpu.memory_space<vmem>>
          %dma_start3A_40 = tpu.memref_squeeze %dma_start3A_39 : memref<1x128xi32, #tpu.memory_space<vmem>> -> memref<128xi32, #tpu.memory_space<vmem>>
          %dma_start3A_41 = arith.constant 0 : i32
          %dma_start3A_42 = arith.constant 0 : i32
          %dma_start3A_43 = tpu.memref_slice %arg9[%dma_start3A_41, %dma_start3A_42] : memref<10240x128xf32, #tpu.memory_space<vmem_shared>> -> memref<10240x128xf32, #tpu.memory_space<vmem_shared>>
          tpu.enqueue_indirect_dma source(%arg8 : memref<128x128xf32, #tpu.memory_space<vmem>>) target(%dma_start3A_43 : memref<10240x128xf32, #tpu.memory_space<vmem_shared>>) offsets(%dma_start3A_40 : memref<128xi32, #tpu.memory_space<vmem>>) semaphore(%run_scoped3A : memref<!tpu.dma_semaphore, #tpu.memory_space<semaphore_mem>>) {add = true}
          %dma_wait3A = arith.constant 0 : i32
          %dma_wait3A_44 = tpu.memref_slice %arg7[%add3A_38, %dma_wait3A] : memref<120x128xi32, #tpu.memory_space<vmem>> -> memref<1x128xi32, #tpu.memory_space<vmem>>
          %dma_wait3A_45 = tpu.memref_squeeze %dma_wait3A_44 : memref<1x128xi32, #tpu.memory_space<vmem>> -> memref<128xi32, #tpu.memory_space<vmem>>
          %dma_wait3A_46 = arith.constant 0 : i32
          %dma_wait3A_47 = arith.constant 0 : i32
          %dma_wait3A_48 = tpu.memref_slice %arg9[%dma_wait3A_46, %dma_wait3A_47] : memref<10240x128xf32, #tpu.memory_space<vmem_shared>> -> memref<10240x128xf32, #tpu.memory_space<vmem_shared>>
          tpu.wait_indirect_dma semaphore(%run_scoped3A : memref<!tpu.dma_semaphore, #tpu.memory_space<semaphore_mem>>) src(%arg8 : memref<128x128xf32, #tpu.memory_space<vmem>>) dst(%dma_wait3A_48 : memref<10240x128xf32, #tpu.memory_space<vmem_shared>>)
          tpu.yield
        }) : () -> ()
      }
      %scan3A_33 = arith.constant 40 : i32
    } else {
    }
    %barrier3A_19 = arith.constant 0 : index
    tpu.barrier barrier_id(%barrier3A_19)
    %scan3A_20 = arith.constant 0 : i32
    %scan3A_21 = arith.constant 5 : i32
    %scan3A_22 = arith.addi %scan3A_20, %scan3A_21 : i32
    %scan3A_23 = arith.constant 1 : i32
    scf.for %scan3A_25 = %scan3A_20 to %scan3A_22 step %scan3A_23  : i32 {
      %mul3A_26 = arith.constant 128 : i32
      %mul3A_27 = arith.muli %scan3A_25, %mul3A_26 : i32
      %add3A_28 = arith.constant 0 : i32
      %add3A_29 = arith.addi %add3A_28, %mul3A_27 : i32
      %add3A_30 = arith.addi %mul3A_6, %add3A_29 : i32
      %add3A_31 = arith.addi %mul3A_6, %add3A_29 : i32
      "tpu.region"() ({
        %run_scoped3A = tpu.sem_alloc : memref<!tpu.dma_semaphore, #tpu.memory_space<semaphore_mem>>
        %dma_start3A = arith.constant 0 : i32
        %dma_start3A_32 = tpu.memref_slice %arg5[%arg0, %add3A_31, %dma_start3A] : memref<2x10240x128xf32, #tpu.memory_space<hbm>> -> memref<1x128x128xf32, #tpu.memory_space<hbm>>
        %dma_start3A_33 = tpu.memref_squeeze %dma_start3A_32 : memref<1x128x128xf32, #tpu.memory_space<hbm>> -> memref<128x128xf32, #tpu.memory_space<hbm>>
        %dma_start3A_34 = arith.constant 0 : i32
        %dma_start3A_35 = tpu.memref_slice %arg9[%add3A_30, %dma_start3A_34] : memref<10240x128xf32, #tpu.memory_space<vmem_shared>> -> memref<128x128xf32, #tpu.memory_space<vmem_shared>>
        tpu.enqueue_dma source(%dma_start3A_35 : memref<128x128xf32, #tpu.memory_space<vmem_shared>>) target(%dma_start3A_33 : memref<128x128xf32, #tpu.memory_space<hbm>>) target_semaphore(%run_scoped3A : memref<!tpu.dma_semaphore, #tpu.memory_space<semaphore_mem>>)
        %dma_wait3A = arith.constant 0 : i32
        %dma_wait3A_36 = tpu.memref_slice %arg5[%arg0, %add3A_31, %dma_wait3A] : memref<2x10240x128xf32, #tpu.memory_space<hbm>> -> memref<1x128x128xf32, #tpu.memory_space<hbm>>
        %dma_wait3A_37 = tpu.memref_squeeze %dma_wait3A_36 : memref<1x128x128xf32, #tpu.memory_space<hbm>> -> memref<128x128xf32, #tpu.memory_space<hbm>>
        %dma_wait3A_38 = arith.constant 0 : i32
        %dma_wait3A_39 = tpu.memref_slice %arg9[%add3A_30, %dma_wait3A_38] : memref<10240x128xf32, #tpu.memory_space<vmem_shared>> -> memref<128x128xf32, #tpu.memory_space<vmem_shared>>
        tpu.wait_dma2 semaphore(%run_scoped3A : memref<!tpu.dma_semaphore, #tpu.memory_space<semaphore_mem>>) src(%dma_wait3A_39 : memref<128x128xf32, #tpu.memory_space<vmem_shared>>) dst(%dma_wait3A_37 : memref<128x128xf32, #tpu.memory_space<hbm>>)
        tpu.yield
      }) : () -> ()
    }
    %scan3A_24 = arith.constant 5 : i32
    return
  }
}

#map = affine_map<(d0, d1) -> (0, 0)>
#map1 = affine_map<(d0, d1) -> (0, 0, 0)>
module attributes {stable_mosaic.version = 14 : i64} {
  func.func @msg_kernel(%arg0: i32, %arg1: i32, %arg2: memref<10000x128xf32, #tpu.memory_space<hbm>>, %arg3: memref<2560x128xi32, #tpu.memory_space<hbm>>, %arg4: memref<2560x128xi32, #tpu.memory_space<hbm>>, %arg5: memref<2x10240x128xf32, #tpu.memory_space<hbm>>, %arg6: memref<120x128xi32, #tpu.memory_space<vmem>>, %arg7: memref<120x128xi32, #tpu.memory_space<vmem>>, %arg8: memref<128x128xf32, #tpu.memory_space<vmem>>, %arg9: memref<10240x128xf32, #tpu.memory_space<vmem_shared>>) attributes {dimension_semantics = [#tpu.dimension_semantics<core_parallel>, #tpu.dimension_semantics<subcore_parallel>], iteration_bounds = array<i64: 2, 16>, scalar_prefetch = 0 : i64, scratch_operands = 4 : i64, tpu.core_type = #tpu.core_type<sc_vector_subcore>, window_params = [{transform_indices = #map}, {transform_indices = #map}, {transform_indices = #map}, {transform_indices = #map1}]} {
    %mul3A = arith.constant 16 : i32
    %mul3A_0 = arith.muli %arg0, %mul3A : i32
    %add3A = arith.addi %mul3A_0, %arg1 : i32
    %scan3A = arith.constant 0 : i32
    %scan3A_1 = arith.constant 128 : i32
    %scan3A_2 = arith.addi %scan3A, %scan3A_1 : i32
    %scan3A_3 = arith.constant 1 : i32
    scf.for %scan3A_25 = %scan3A to %scan3A_2 step %scan3A_3  : i32 {
      %mul3A_26 = arith.constant 1 : i32
      %mul3A_27 = arith.muli %scan3A_25, %mul3A_26 : i32
      %add3A_28 = arith.constant 0 : i32
      %add3A_29 = arith.addi %add3A_28, %mul3A_27 : i32
      %scan3A_30 = arith.constant 0 : i32
      %scan3A_31 = arith.constant 8 : i32
      %scan3A_32 = arith.addi %scan3A_30, %scan3A_31 : i32
      %scan3A_33 = arith.constant 1 : i32
      scf.for %scan3A_35 = %scan3A_30 to %scan3A_32 step %scan3A_33  : i32 {
        %mul3A_36 = arith.constant 16 : i32
        %mul3A_37 = arith.muli %scan3A_35, %mul3A_36 : i32
        %add3A_38 = arith.constant 0 : i32
        %add3A_39 = arith.addi %add3A_38, %mul3A_37 : i32
        %broadcast_in_dim3A = arith.constant 0.000000e+00 : f32
        %broadcast_in_dim3A_40 = vector.broadcast %broadcast_in_dim3A : f32 to vector<16xf32>
        %swap3A = arith.index_cast %add3A_29 : i32 to index
        %swap3A_41 = arith.index_cast %add3A_39 : i32 to index
        %swap3A_42 = tpu.vector_load %arg8[%swap3A, %swap3A_41] {strides = array<i32>} : memref<128x128xf32, #tpu.memory_space<vmem>>, vector<1x16xf32>,
        %swap3A_43 = vector.shape_cast %swap3A_42 : vector<1x16xf32> to vector<16xf32>
        %swap3A_44 = vector.shape_cast %broadcast_in_dim3A_40 : vector<16xf32> to vector<1x16xf32>
        tpu.vector_store %arg8[%swap3A, %swap3A_41], %swap3A_44 {strides = array<i32>} : memref<128x128xf32, #tpu.memory_space<vmem>>, vector<1x16xf32>,
      }
      %scan3A_34 = arith.constant 8 : i32
    }
    %scan3A_4 = arith.constant 128 : i32
    %mul3A_5 = arith.constant 640 : i32
    %mul3A_6 = arith.muli %arg1, %mul3A_5 : i32
    %scan3A_7 = arith.constant 0 : i32
    %scan3A_8 = arith.constant 5 : i32
    %scan3A_9 = arith.addi %scan3A_7, %scan3A_8 : i32
    %scan3A_10 = arith.constant 1 : i32
    scf.for %scan3A_25 = %scan3A_7 to %scan3A_9 step %scan3A_10  : i32 {
      %mul3A_26 = arith.constant 128 : i32
      %mul3A_27 = arith.muli %scan3A_25, %mul3A_26 : i32
      %add3A_28 = arith.constant 0 : i32
      %add3A_29 = arith.addi %add3A_28, %mul3A_27 : i32
      %add3A_30 = arith.addi %mul3A_6, %add3A_29 : i32
      "tpu.region"() ({
        %run_scoped3A = tpu.sem_alloc : memref<!tpu.dma_semaphore, #tpu.memory_space<semaphore_mem>>
        %dma_start3A = arith.constant 0 : i32
        %dma_start3A_31 = tpu.memref_slice %arg9[%add3A_30, %dma_start3A] : memref<10240x128xf32, #tpu.memory_space<vmem_shared>> -> memref<128x128xf32, #tpu.memory_space<vmem_shared>>
        %dma_start3A_32 = arith.constant 0 : i32
        %dma_start3A_33 = tpu.memref_slice %arg9[%add3A_30, %dma_start3A_32] : memref<10240x128xf32, #tpu.memory_space<vmem_shared>> -> memref<128x128xf32, #tpu.memory_space<vmem_shared>>
        tpu.enqueue_dma source(%arg8 : memref<128x128xf32, #tpu.memory_space<vmem>>) target(%dma_start3A_33 : memref<128x128xf32, #tpu.memory_space<vmem_shared>>) target_semaphore(%run_scoped3A : memref<!tpu.dma_semaphore, #tpu.memory_space<semaphore_mem>>)
        %dma_wait3A = arith.constant 0 : i32
        %dma_wait3A_34 = tpu.memref_slice %arg9[%add3A_30, %dma_wait3A] : memref<10240x128xf32, #tpu.memory_space<vmem_shared>> -> memref<128x128xf32, #tpu.memory_space<vmem_shared>>
        %dma_wait3A_35 = arith.constant 0 : i32
        %dma_wait3A_36 = tpu.memref_slice %arg9[%add3A_30, %dma_wait3A_35] : memref<10240x128xf32, #tpu.memory_space<vmem_shared>> -> memref<128x128xf32, #tpu.memory_space<vmem_shared>>
        tpu.wait_dma2 semaphore(%run_scoped3A : memref<!tpu.dma_semaphore, #tpu.memory_space<semaphore_mem>>) src(%arg8 : memref<128x128xf32, #tpu.memory_space<vmem>>) dst(%dma_wait3A_36 : memref<128x128xf32, #tpu.memory_space<vmem_shared>>)
        tpu.yield
      }) : () -> ()
    }
    %scan3A_11 = arith.constant 5 : i32
    %barrier3A = arith.constant 0 : index
    tpu.barrier barrier_id(%barrier3A)
    %eq3A = arith.constant 0 : i32
    %eq3A_12 = arith.cmpi eq, %arg0, %eq3A : i32
    %convert_element_type3A = arith.extui %eq3A_12 : i1 to i32
    %cond3A = arith.constant 0 : i32
    %cond3A_13 = arith.cmpi ne, %convert_element_type3A, %cond3A : i32
    scf.if %cond3A_13 {
      %mul3A_25 = arith.constant 120 : i32
      %mul3A_26 = arith.muli %arg1, %mul3A_25 : i32
      %multiple_of3A = tpu.assume_multiple %mul3A_26, 8 : i32
      "tpu.region"() ({
        %run_scoped3A = tpu.sem_alloc : memref<!tpu.dma_semaphore, #tpu.memory_space<semaphore_mem>>
        %dma_start3A = arith.constant 0 : i32
        %dma_start3A_32 = arith.constant 0 : i32
        %dma_start3A_33 = tpu.memref_slice %arg6[%dma_start3A, %dma_start3A_32] : memref<120x128xi32, #tpu.memory_space<vmem>> -> memref<120x128xi32, #tpu.memory_space<vmem>>
        %dma_start3A_34 = arith.constant 0 : i32
        %dma_start3A_35 = tpu.memref_slice %arg3[%multiple_of3A, %dma_start3A_34] : memref<2560x128xi32, #tpu.memory_space<hbm>> -> memref<120x128xi32, #tpu.memory_space<hbm>>
        %dma_start3A_36 = arith.constant 0 : i32
        %dma_start3A_37 = arith.constant 0 : i32
        %dma_start3A_38 = tpu.memref_slice %arg6[%dma_start3A_36, %dma_start3A_37] : memref<120x128xi32, #tpu.memory_space<vmem>> -> memref<120x128xi32, #tpu.memory_space<vmem>>
        %dma_start3A_39 = arith.constant 0 : i32
        %dma_start3A_40 = tpu.memref_slice %arg3[%multiple_of3A, %dma_start3A_39] : memref<2560x128xi32, #tpu.memory_space<hbm>> -> memref<120x128xi32, #tpu.memory_space<hbm>>
        tpu.enqueue_dma source(%dma_start3A_40 : memref<120x128xi32, #tpu.memory_space<hbm>>) target(%dma_start3A_38 : memref<120x128xi32, #tpu.memory_space<vmem>>) target_semaphore(%run_scoped3A : memref<!tpu.dma_semaphore, #tpu.memory_space<semaphore_mem>>)
        %dma_wait3A = arith.constant 0 : i32
        %dma_wait3A_41 = arith.constant 0 : i32
        %dma_wait3A_42 = tpu.memref_slice %arg6[%dma_wait3A, %dma_wait3A_41] : memref<120x128xi32, #tpu.memory_space<vmem>> -> memref<120x128xi32, #tpu.memory_space<vmem>>
        %dma_wait3A_43 = arith.constant 0 : i32
        %dma_wait3A_44 = tpu.memref_slice %arg3[%multiple_of3A, %dma_wait3A_43] : memref<2560x128xi32, #tpu.memory_space<hbm>> -> memref<120x128xi32, #tpu.memory_space<hbm>>
        %dma_wait3A_45 = arith.constant 0 : i32
        %dma_wait3A_46 = arith.constant 0 : i32
        %dma_wait3A_47 = tpu.memref_slice %arg6[%dma_wait3A_45, %dma_wait3A_46] : memref<120x128xi32, #tpu.memory_space<vmem>> -> memref<120x128xi32, #tpu.memory_space<vmem>>
        %dma_wait3A_48 = arith.constant 0 : i32
        %dma_wait3A_49 = tpu.memref_slice %arg3[%multiple_of3A, %dma_wait3A_48] : memref<2560x128xi32, #tpu.memory_space<hbm>> -> memref<120x128xi32, #tpu.memory_space<hbm>>
        tpu.wait_dma2 semaphore(%run_scoped3A : memref<!tpu.dma_semaphore, #tpu.memory_space<semaphore_mem>>) src(%dma_wait3A_49 : memref<120x128xi32, #tpu.memory_space<hbm>>) dst(%dma_wait3A_47 : memref<120x128xi32, #tpu.memory_space<vmem>>)
        tpu.yield
      }) : () -> ()
      "tpu.region"() ({
        %run_scoped3A = tpu.sem_alloc : memref<!tpu.dma_semaphore, #tpu.memory_space<semaphore_mem>>
        %dma_start3A = arith.constant 0 : i32
        %dma_start3A_32 = arith.constant 0 : i32
        %dma_start3A_33 = tpu.memref_slice %arg7[%dma_start3A, %dma_start3A_32] : memref<120x128xi32, #tpu.memory_space<vmem>> -> memref<120x128xi32, #tpu.memory_space<vmem>>
        %dma_start3A_34 = arith.constant 0 : i32
        %dma_start3A_35 = tpu.memref_slice %arg4[%multiple_of3A, %dma_start3A_34] : memref<2560x128xi32, #tpu.memory_space<hbm>> -> memref<120x128xi32, #tpu.memory_space<hbm>>
        %dma_start3A_36 = arith.constant 0 : i32
        %dma_start3A_37 = arith.constant 0 : i32
        %dma_start3A_38 = tpu.memref_slice %arg7[%dma_start3A_36, %dma_start3A_37] : memref<120x128xi32, #tpu.memory_space<vmem>> -> memref<120x128xi32, #tpu.memory_space<vmem>>
        %dma_start3A_39 = arith.constant 0 : i32
        %dma_start3A_40 = tpu.memref_slice %arg4[%multiple_of3A, %dma_start3A_39] : memref<2560x128xi32, #tpu.memory_space<hbm>> -> memref<120x128xi32, #tpu.memory_space<hbm>>
        tpu.enqueue_dma source(%dma_start3A_40 : memref<120x128xi32, #tpu.memory_space<hbm>>) target(%dma_start3A_38 : memref<120x128xi32, #tpu.memory_space<vmem>>) target_semaphore(%run_scoped3A : memref<!tpu.dma_semaphore, #tpu.memory_space<semaphore_mem>>)
        %dma_wait3A = arith.constant 0 : i32
        %dma_wait3A_41 = arith.constant 0 : i32
        %dma_wait3A_42 = tpu.memref_slice %arg7[%dma_wait3A, %dma_wait3A_41] : memref<120x128xi32, #tpu.memory_space<vmem>> -> memref<120x128xi32, #tpu.memory_space<vmem>>
        %dma_wait3A_43 = arith.constant 0 : i32
        %dma_wait3A_44 = tpu.memref_slice %arg4[%multiple_of3A, %dma_wait3A_43] : memref<2560x128xi32, #tpu.memory_space<hbm>> -> memref<120x128xi32, #tpu.memory_space<hbm>>
        %dma_wait3A_45 = arith.constant 0 : i32
        %dma_wait3A_46 = arith.constant 0 : i32
        %dma_wait3A_47 = tpu.memref_slice %arg7[%dma_wait3A_45, %dma_wait3A_46] : memref<120x128xi32, #tpu.memory_space<vmem>> -> memref<120x128xi32, #tpu.memory_space<vmem>>
        %dma_wait3A_48 = arith.constant 0 : i32
        %dma_wait3A_49 = tpu.memref_slice %arg4[%multiple_of3A, %dma_wait3A_48] : memref<2560x128xi32, #tpu.memory_space<hbm>> -> memref<120x128xi32, #tpu.memory_space<hbm>>
        tpu.wait_dma2 semaphore(%run_scoped3A : memref<!tpu.dma_semaphore, #tpu.memory_space<semaphore_mem>>) src(%dma_wait3A_49 : memref<120x128xi32, #tpu.memory_space<hbm>>) dst(%dma_wait3A_47 : memref<120x128xi32, #tpu.memory_space<vmem>>)
        tpu.yield
      }) : () -> ()
      %scan3A_27 = arith.constant 0 : i32
      %scan3A_28 = arith.constant 120 : i32
      %scan3A_29 = arith.addi %scan3A_27, %scan3A_28 : i32
      %scan3A_30 = arith.constant 1 : i32
      scf.for %scan3A_32 = %scan3A_27 to %scan3A_29 step %scan3A_30  : i32 {
        %mul3A_33 = arith.constant 1 : i32
        %mul3A_34 = arith.muli %scan3A_32, %mul3A_33 : i32
        %add3A_35 = arith.constant 0 : i32
        %add3A_36 = arith.addi %add3A_35, %mul3A_34 : i32
        "tpu.region"() ({
          %run_scoped3A = tpu.sem_alloc : memref<!tpu.dma_semaphore, #tpu.memory_space<semaphore_mem>>
          %dma_start3A = arith.constant 0 : i32
          %dma_start3A_37 = tpu.memref_slice %arg6[%add3A_36, %dma_start3A] : memref<120x128xi32, #tpu.memory_space<vmem>> -> memref<1x128xi32, #tpu.memory_space<vmem>>
          %dma_start3A_38 = tpu.memref_squeeze %dma_start3A_37 : memref<1x128xi32, #tpu.memory_space<vmem>> -> memref<128xi32, #tpu.memory_space<vmem>>
          %dma_start3A_39 = arith.constant 0 : i32
          %dma_start3A_40 = arith.constant 0 : i32
          %dma_start3A_41 = tpu.memref_slice %arg2[%dma_start3A_39, %dma_start3A_40] : memref<10000x128xf32, #tpu.memory_space<hbm>> -> memref<10000x128xf32, #tpu.memory_space<hbm>>
          tpu.enqueue_indirect_dma source(%dma_start3A_41 : memref<10000x128xf32, #tpu.memory_space<hbm>>) target(%arg8 : memref<128x128xf32, #tpu.memory_space<vmem>>) offsets(%dma_start3A_38 : memref<128xi32, #tpu.memory_space<vmem>>) semaphore(%run_scoped3A : memref<!tpu.dma_semaphore, #tpu.memory_space<semaphore_mem>>)
          %dma_wait3A = arith.constant 0 : i32
          %dma_wait3A_42 = tpu.memref_slice %arg6[%add3A_36, %dma_wait3A] : memref<120x128xi32, #tpu.memory_space<vmem>> -> memref<1x128xi32, #tpu.memory_space<vmem>>
          %dma_wait3A_43 = tpu.memref_squeeze %dma_wait3A_42 : memref<1x128xi32, #tpu.memory_space<vmem>> -> memref<128xi32, #tpu.memory_space<vmem>>
          %dma_wait3A_44 = arith.constant 0 : i32
          %dma_wait3A_45 = arith.constant 0 : i32
          %dma_wait3A_46 = tpu.memref_slice %arg2[%dma_wait3A_44, %dma_wait3A_45] : memref<10000x128xf32, #tpu.memory_space<hbm>> -> memref<10000x128xf32, #tpu.memory_space<hbm>>
          tpu.wait_indirect_dma semaphore(%run_scoped3A : memref<!tpu.dma_semaphore, #tpu.memory_space<semaphore_mem>>) src(%dma_wait3A_46 : memref<10000x128xf32, #tpu.memory_space<hbm>>) dst(%arg8 : memref<128x128xf32, #tpu.memory_space<vmem>>)
          tpu.yield
        }) : () -> ()
        "tpu.region"() ({
          %run_scoped3A = tpu.sem_alloc : memref<!tpu.dma_semaphore, #tpu.memory_space<semaphore_mem>>
          %dma_start3A = arith.constant 0 : i32
          %dma_start3A_37 = tpu.memref_slice %arg7[%add3A_36, %dma_start3A] : memref<120x128xi32, #tpu.memory_space<vmem>> -> memref<1x128xi32, #tpu.memory_space<vmem>>
          %dma_start3A_38 = tpu.memref_squeeze %dma_start3A_37 : memref<1x128xi32, #tpu.memory_space<vmem>> -> memref<128xi32, #tpu.memory_space<vmem>>
          %dma_start3A_39 = arith.constant 0 : i32
          %dma_start3A_40 = arith.constant 0 : i32
          %dma_start3A_41 = tpu.memref_slice %arg9[%dma_start3A_39, %dma_start3A_40] : memref<10240x128xf32, #tpu.memory_space<vmem_shared>> -> memref<10240x128xf32, #tpu.memory_space<vmem_shared>>
          tpu.enqueue_indirect_dma source(%arg8 : memref<128x128xf32, #tpu.memory_space<vmem>>) target(%dma_start3A_41 : memref<10240x128xf32, #tpu.memory_space<vmem_shared>>) offsets(%dma_start3A_38 : memref<128xi32, #tpu.memory_space<vmem>>) semaphore(%run_scoped3A : memref<!tpu.dma_semaphore, #tpu.memory_space<semaphore_mem>>) {add = true}
          %dma_wait3A = arith.constant 0 : i32
          %dma_wait3A_42 = tpu.memref_slice %arg7[%add3A_36, %dma_wait3A] : memref<120x128xi32, #tpu.memory_space<vmem>> -> memref<1x128xi32, #tpu.memory_space<vmem>>
          %dma_wait3A_43 = tpu.memref_squeeze %dma_wait3A_42 : memref<1x128xi32, #tpu.memory_space<vmem>> -> memref<128xi32, #tpu.memory_space<vmem>>
          %dma_wait3A_44 = arith.constant 0 : i32
          %dma_wait3A_45 = arith.constant 0 : i32
          %dma_wait3A_46 = tpu.memref_slice %arg9[%dma_wait3A_44, %dma_wait3A_45] : memref<10240x128xf32, #tpu.memory_space<vmem_shared>> -> memref<10240x128xf32, #tpu.memory_space<vmem_shared>>
          tpu.wait_indirect_dma semaphore(%run_scoped3A : memref<!tpu.dma_semaphore, #tpu.memory_space<semaphore_mem>>) src(%arg8 : memref<128x128xf32, #tpu.memory_space<vmem>>) dst(%dma_wait3A_46 : memref<10240x128xf32, #tpu.memory_space<vmem_shared>>)
          tpu.yield
        }) : () -> ()
      }
      %scan3A_31 = arith.constant 120 : i32
    } else {
    }
    %eq3A_14 = arith.constant 1 : i32
    %eq3A_15 = arith.cmpi eq, %arg0, %eq3A_14 : i32
    %convert_element_type3A_16 = arith.extui %eq3A_15 : i1 to i32
    %cond3A_17 = arith.constant 0 : i32
    %cond3A_18 = arith.cmpi ne, %convert_element_type3A_16, %cond3A_17 : i32
    scf.if %cond3A_18 {
      %mul3A_25 = arith.constant 40 : i32
      %mul3A_26 = arith.muli %arg1, %mul3A_25 : i32
      %add3A_27 = arith.constant 1920 : i32
      %add3A_28 = arith.addi %add3A_27, %mul3A_26 : i32
      %multiple_of3A = tpu.assume_multiple %add3A_28, 8 : i32
      "tpu.region"() ({
        %run_scoped3A = tpu.sem_alloc : memref<!tpu.dma_semaphore, #tpu.memory_space<semaphore_mem>>
        %dma_start3A = arith.constant 0 : i32
        %dma_start3A_34 = arith.constant 0 : i32
        %dma_start3A_35 = tpu.memref_slice %arg6[%dma_start3A, %dma_start3A_34] : memref<120x128xi32, #tpu.memory_space<vmem>> -> memref<40x128xi32, #tpu.memory_space<vmem>>
        %dma_start3A_36 = arith.constant 0 : i32
        %dma_start3A_37 = tpu.memref_slice %arg3[%multiple_of3A, %dma_start3A_36] : memref<2560x128xi32, #tpu.memory_space<hbm>> -> memref<40x128xi32, #tpu.memory_space<hbm>>
        %dma_start3A_38 = arith.constant 0 : i32
        %dma_start3A_39 = arith.constant 0 : i32
        %dma_start3A_40 = tpu.memref_slice %arg6[%dma_start3A_38, %dma_start3A_39] : memref<120x128xi32, #tpu.memory_space<vmem>> -> memref<40x128xi32, #tpu.memory_space<vmem>>
        %dma_start3A_41 = arith.constant 0 : i32
        %dma_start3A_42 = tpu.memref_slice %arg3[%multiple_of3A, %dma_start3A_41] : memref<2560x128xi32, #tpu.memory_space<hbm>> -> memref<40x128xi32, #tpu.memory_space<hbm>>
        tpu.enqueue_dma source(%dma_start3A_42 : memref<40x128xi32, #tpu.memory_space<hbm>>) target(%dma_start3A_40 : memref<40x128xi32, #tpu.memory_space<vmem>>) target_semaphore(%run_scoped3A : memref<!tpu.dma_semaphore, #tpu.memory_space<semaphore_mem>>)
        %dma_wait3A = arith.constant 0 : i32
        %dma_wait3A_43 = arith.constant 0 : i32
        %dma_wait3A_44 = tpu.memref_slice %arg6[%dma_wait3A, %dma_wait3A_43] : memref<120x128xi32, #tpu.memory_space<vmem>> -> memref<40x128xi32, #tpu.memory_space<vmem>>
        %dma_wait3A_45 = arith.constant 0 : i32
        %dma_wait3A_46 = tpu.memref_slice %arg3[%multiple_of3A, %dma_wait3A_45] : memref<2560x128xi32, #tpu.memory_space<hbm>> -> memref<40x128xi32, #tpu.memory_space<hbm>>
        %dma_wait3A_47 = arith.constant 0 : i32
        %dma_wait3A_48 = arith.constant 0 : i32
        %dma_wait3A_49 = tpu.memref_slice %arg6[%dma_wait3A_47, %dma_wait3A_48] : memref<120x128xi32, #tpu.memory_space<vmem>> -> memref<40x128xi32, #tpu.memory_space<vmem>>
        %dma_wait3A_50 = arith.constant 0 : i32
        %dma_wait3A_51 = tpu.memref_slice %arg3[%multiple_of3A, %dma_wait3A_50] : memref<2560x128xi32, #tpu.memory_space<hbm>> -> memref<40x128xi32, #tpu.memory_space<hbm>>
        tpu.wait_dma2 semaphore(%run_scoped3A : memref<!tpu.dma_semaphore, #tpu.memory_space<semaphore_mem>>) src(%dma_wait3A_51 : memref<40x128xi32, #tpu.memory_space<hbm>>) dst(%dma_wait3A_49 : memref<40x128xi32, #tpu.memory_space<vmem>>)
        tpu.yield
      }) : () -> ()
      "tpu.region"() ({
        %run_scoped3A = tpu.sem_alloc : memref<!tpu.dma_semaphore, #tpu.memory_space<semaphore_mem>>
        %dma_start3A = arith.constant 0 : i32
        %dma_start3A_34 = arith.constant 0 : i32
        %dma_start3A_35 = tpu.memref_slice %arg7[%dma_start3A, %dma_start3A_34] : memref<120x128xi32, #tpu.memory_space<vmem>> -> memref<40x128xi32, #tpu.memory_space<vmem>>
        %dma_start3A_36 = arith.constant 0 : i32
        %dma_start3A_37 = tpu.memref_slice %arg4[%multiple_of3A, %dma_start3A_36] : memref<2560x128xi32, #tpu.memory_space<hbm>> -> memref<40x128xi32, #tpu.memory_space<hbm>>
        %dma_start3A_38 = arith.constant 0 : i32
        %dma_start3A_39 = arith.constant 0 : i32
        %dma_start3A_40 = tpu.memref_slice %arg7[%dma_start3A_38, %dma_start3A_39] : memref<120x128xi32, #tpu.memory_space<vmem>> -> memref<40x128xi32, #tpu.memory_space<vmem>>
        %dma_start3A_41 = arith.constant 0 : i32
        %dma_start3A_42 = tpu.memref_slice %arg4[%multiple_of3A, %dma_start3A_41] : memref<2560x128xi32, #tpu.memory_space<hbm>> -> memref<40x128xi32, #tpu.memory_space<hbm>>
        tpu.enqueue_dma source(%dma_start3A_42 : memref<40x128xi32, #tpu.memory_space<hbm>>) target(%dma_start3A_40 : memref<40x128xi32, #tpu.memory_space<vmem>>) target_semaphore(%run_scoped3A : memref<!tpu.dma_semaphore, #tpu.memory_space<semaphore_mem>>)
        %dma_wait3A = arith.constant 0 : i32
        %dma_wait3A_43 = arith.constant 0 : i32
        %dma_wait3A_44 = tpu.memref_slice %arg7[%dma_wait3A, %dma_wait3A_43] : memref<120x128xi32, #tpu.memory_space<vmem>> -> memref<40x128xi32, #tpu.memory_space<vmem>>
        %dma_wait3A_45 = arith.constant 0 : i32
        %dma_wait3A_46 = tpu.memref_slice %arg4[%multiple_of3A, %dma_wait3A_45] : memref<2560x128xi32, #tpu.memory_space<hbm>> -> memref<40x128xi32, #tpu.memory_space<hbm>>
        %dma_wait3A_47 = arith.constant 0 : i32
        %dma_wait3A_48 = arith.constant 0 : i32
        %dma_wait3A_49 = tpu.memref_slice %arg7[%dma_wait3A_47, %dma_wait3A_48] : memref<120x128xi32, #tpu.memory_space<vmem>> -> memref<40x128xi32, #tpu.memory_space<vmem>>
        %dma_wait3A_50 = arith.constant 0 : i32
        %dma_wait3A_51 = tpu.memref_slice %arg4[%multiple_of3A, %dma_wait3A_50] : memref<2560x128xi32, #tpu.memory_space<hbm>> -> memref<40x128xi32, #tpu.memory_space<hbm>>
        tpu.wait_dma2 semaphore(%run_scoped3A : memref<!tpu.dma_semaphore, #tpu.memory_space<semaphore_mem>>) src(%dma_wait3A_51 : memref<40x128xi32, #tpu.memory_space<hbm>>) dst(%dma_wait3A_49 : memref<40x128xi32, #tpu.memory_space<vmem>>)
        tpu.yield
      }) : () -> ()
      %scan3A_29 = arith.constant 0 : i32
      %scan3A_30 = arith.constant 40 : i32
      %scan3A_31 = arith.addi %scan3A_29, %scan3A_30 : i32
      %scan3A_32 = arith.constant 1 : i32
      scf.for %scan3A_34 = %scan3A_29 to %scan3A_31 step %scan3A_32  : i32 {
        %mul3A_35 = arith.constant 1 : i32
        %mul3A_36 = arith.muli %scan3A_34, %mul3A_35 : i32
        %add3A_37 = arith.constant 0 : i32
        %add3A_38 = arith.addi %add3A_37, %mul3A_36 : i32
        "tpu.region"() ({
          %run_scoped3A = tpu.sem_alloc : memref<!tpu.dma_semaphore, #tpu.memory_space<semaphore_mem>>
          %dma_start3A = arith.constant 0 : i32
          %dma_start3A_39 = tpu.memref_slice %arg6[%add3A_38, %dma_start3A] : memref<120x128xi32, #tpu.memory_space<vmem>> -> memref<1x128xi32, #tpu.memory_space<vmem>>
          %dma_start3A_40 = tpu.memref_squeeze %dma_start3A_39 : memref<1x128xi32, #tpu.memory_space<vmem>> -> memref<128xi32, #tpu.memory_space<vmem>>
          %dma_start3A_41 = arith.constant 0 : i32
          %dma_start3A_42 = arith.constant 0 : i32
          %dma_start3A_43 = tpu.memref_slice %arg2[%dma_start3A_41, %dma_start3A_42] : memref<10000x128xf32, #tpu.memory_space<hbm>> -> memref<10000x128xf32, #tpu.memory_space<hbm>>
          tpu.enqueue_indirect_dma source(%dma_start3A_43 : memref<10000x128xf32, #tpu.memory_space<hbm>>) target(%arg8 : memref<128x128xf32, #tpu.memory_space<vmem>>) offsets(%dma_start3A_40 : memref<128xi32, #tpu.memory_space<vmem>>) semaphore(%run_scoped3A : memref<!tpu.dma_semaphore, #tpu.memory_space<semaphore_mem>>)
          %dma_wait3A = arith.constant 0 : i32
          %dma_wait3A_44 = tpu.memref_slice %arg6[%add3A_38, %dma_wait3A] : memref<120x128xi32, #tpu.memory_space<vmem>> -> memref<1x128xi32, #tpu.memory_space<vmem>>
          %dma_wait3A_45 = tpu.memref_squeeze %dma_wait3A_44 : memref<1x128xi32, #tpu.memory_space<vmem>> -> memref<128xi32, #tpu.memory_space<vmem>>
          %dma_wait3A_46 = arith.constant 0 : i32
          %dma_wait3A_47 = arith.constant 0 : i32
          %dma_wait3A_48 = tpu.memref_slice %arg2[%dma_wait3A_46, %dma_wait3A_47] : memref<10000x128xf32, #tpu.memory_space<hbm>> -> memref<10000x128xf32, #tpu.memory_space<hbm>>
          tpu.wait_indirect_dma semaphore(%run_scoped3A : memref<!tpu.dma_semaphore, #tpu.memory_space<semaphore_mem>>) src(%dma_wait3A_48 : memref<10000x128xf32, #tpu.memory_space<hbm>>) dst(%arg8 : memref<128x128xf32, #tpu.memory_space<vmem>>)
          tpu.yield
        }) : () -> ()
        "tpu.region"() ({
          %run_scoped3A = tpu.sem_alloc : memref<!tpu.dma_semaphore, #tpu.memory_space<semaphore_mem>>
          %dma_start3A = arith.constant 0 : i32
          %dma_start3A_39 = tpu.memref_slice %arg7[%add3A_38, %dma_start3A] : memref<120x128xi32, #tpu.memory_space<vmem>> -> memref<1x128xi32, #tpu.memory_space<vmem>>
          %dma_start3A_40 = tpu.memref_squeeze %dma_start3A_39 : memref<1x128xi32, #tpu.memory_space<vmem>> -> memref<128xi32, #tpu.memory_space<vmem>>
          %dma_start3A_41 = arith.constant 0 : i32
          %dma_start3A_42 = arith.constant 0 : i32
          %dma_start3A_43 = tpu.memref_slice %arg9[%dma_start3A_41, %dma_start3A_42] : memref<10240x128xf32, #tpu.memory_space<vmem_shared>> -> memref<10240x128xf32, #tpu.memory_space<vmem_shared>>
          tpu.enqueue_indirect_dma source(%arg8 : memref<128x128xf32, #tpu.memory_space<vmem>>) target(%dma_start3A_43 : memref<10240x128xf32, #tpu.memory_space<vmem_shared>>) offsets(%dma_start3A_40 : memref<128xi32, #tpu.memory_space<vmem>>) semaphore(%run_scoped3A : memref<!tpu.dma_semaphore, #tpu.memory_space<semaphore_mem>>) {add = true}
          %dma_wait3A = arith.constant 0 : i32
          %dma_wait3A_44 = tpu.memref_slice %arg7[%add3A_38, %dma_wait3A] : memref<120x128xi32, #tpu.memory_space<vmem>> -> memref<1x128xi32, #tpu.memory_space<vmem>>
          %dma_wait3A_45 = tpu.memref_squeeze %dma_wait3A_44 : memref<1x128xi32, #tpu.memory_space<vmem>> -> memref<128xi32, #tpu.memory_space<vmem>>
          %dma_wait3A_46 = arith.constant 0 : i32
          %dma_wait3A_47 = arith.constant 0 : i32
          %dma_wait3A_48 = tpu.memref_slice %arg9[%dma_wait3A_46, %dma_wait3A_47] : memref<10240x128xf32, #tpu.memory_space<vmem_shared>> -> memref<10240x128xf32, #tpu.memory_space<vmem_shared>>
          tpu.wait_indirect_dma semaphore(%run_scoped3A : memref<!tpu.dma_semaphore, #tpu.memory_space<semaphore_mem>>) src(%arg8 : memref<128x128xf32, #tpu.memory_space<vmem>>) dst(%dma_wait3A_48 : memref<10240x128xf32, #tpu.memory_space<vmem_shared>>)
          tpu.yield
        }) : () -> ()
      }
      %scan3A_33 = arith.constant 40 : i32
    } else {
    }
    %barrier3A_19 = arith.constant 0 : index
    tpu.barrier barrier_id(%barrier3A_19)
    %scan3A_20 = arith.constant 0 : i32
    %scan3A_21 = arith.constant 5 : i32
    %scan3A_22 = arith.addi %scan3A_20, %scan3A_21 : i32
    %scan3A_23 = arith.constant 1 : i32
    scf.for %scan3A_25 = %scan3A_20 to %scan3A_22 step %scan3A_23  : i32 {
      %mul3A_26 = arith.constant 128 : i32
      %mul3A_27 = arith.muli %scan3A_25, %mul3A_26 : i32
      %add3A_28 = arith.constant 0 : i32
      %add3A_29 = arith.addi %add3A_28, %mul3A_27 : i32
      %add3A_30 = arith.addi %mul3A_6, %add3A_29 : i32
      %add3A_31 = arith.addi %mul3A_6, %add3A_29 : i32
      "tpu.region"() ({
        %run_scoped3A = tpu.sem_alloc : memref<!tpu.dma_semaphore, #tpu.memory_space<semaphore_mem>>
        %dma_start3A = arith.constant 0 : i32
        %dma_start3A_32 = tpu.memref_slice %arg5[%arg0, %add3A_31, %dma_start3A] : memref<2x10240x128xf32, #tpu.memory_space<hbm>> -> memref<1x128x128xf32, #tpu.memory_space<hbm>>
        %dma_start3A_33 = tpu.memref_squeeze %dma_start3A_32 : memref<1x128x128xf32, #tpu.memory_space<hbm>> -> memref<128x128xf32, #tpu.memory_space<hbm>>
        %dma_start3A_34 = arith.constant 0 : i32
        %dma_start3A_35 = tpu.memref_slice %arg9[%add3A_30, %dma_start3A_34] : memref<10240x128xf32, #tpu.memory_space<vmem_shared>> -> memref<128x128xf32, #tpu.memory_space<vmem_shared>>
        tpu.enqueue_dma source(%dma_start3A_35 : memref<128x128xf32, #tpu.memory_space<vmem_shared>>) target(%dma_start3A_33 : memref<128x128xf32, #tpu.memory_space<hbm>>) target_semaphore(%run_scoped3A : memref<!tpu.dma_semaphore, #tpu.memory_space<semaphore_mem>>)
        %dma_wait3A = arith.constant 0 : i32
        %dma_wait3A_36 = tpu.memref_slice %arg5[%arg0, %add3A_31, %dma_wait3A] : memref<2x10240x128xf32, #tpu.memory_space<hbm>> -> memref<1x128x128xf32, #tpu.memory_space<hbm>>
        %dma_wait3A_37 = tpu.memref_squeeze %dma_wait3A_36 : memref<1x128x128xf32, #tpu.memory_space<hbm>> -> memref<128x128xf32, #tpu.memory_space<hbm>>
        %dma_wait3A_38 = arith.constant 0 : i32
        %dma_wait3A_39 = tpu.memref_slice %arg9[%add3A_30, %dma_wait3A_38] : memref<10240x128xf32, #tpu.memory_space<vmem_shared>> -> memref<128x128xf32, #tpu.memory_space<vmem_shared>>
        tpu.wait_dma2 semaphore(%run_scoped3A : memref<!tpu.dma_semaphore, #tpu.memory_space<semaphore_mem>>) src(%dma_wait3A_39 : memref<128x128xf32, #tpu.memory_space<vmem_shared>>) dst(%dma_wait3A_37 : memref<128x128xf32, #tpu.memory_space<hbm>>)
        tpu.yield
      }) : () -> ()
    }
    %scan3A_24 = arith.constant 5 : i32
    return
  }
}

#map = affine_map<(d0, d1) -> (0, 0)>
#map1 = affine_map<(d0, d1) -> (0, 0, 0)>
module attributes {stable_mosaic.version = 14 : i64} {
  func.func @msg_kernel(%arg0: i32, %arg1: i32, %arg2: memref<10000x128xf32, #tpu.memory_space<hbm>>, %arg3: memref<2560x128xi32, #tpu.memory_space<hbm>>, %arg4: memref<2560x128xi32, #tpu.memory_space<hbm>>, %arg5: memref<2x10240x128xf32, #tpu.memory_space<hbm>>, %arg6: memref<120x128xi32, #tpu.memory_space<vmem>>, %arg7: memref<120x128xi32, #tpu.memory_space<vmem>>, %arg8: memref<128x128xf32, #tpu.memory_space<vmem>>, %arg9: memref<10240x128xf32, #tpu.memory_space<vmem_shared>>) attributes {dimension_semantics = [#tpu.dimension_semantics<core_parallel>, #tpu.dimension_semantics<subcore_parallel>], iteration_bounds = array<i64: 2, 16>, scalar_prefetch = 0 : i64, scratch_operands = 4 : i64, tpu.core_type = #tpu.core_type<sc_vector_subcore>, window_params = [{transform_indices = #map}, {transform_indices = #map}, {transform_indices = #map}, {transform_indices = #map1}]} {
    %mul3A = arith.constant 16 : i32
    %mul3A_0 = arith.muli %arg0, %mul3A : i32
    %add3A = arith.addi %mul3A_0, %arg1 : i32
    %scan3A = arith.constant 0 : i32
    %scan3A_1 = arith.constant 128 : i32
    %scan3A_2 = arith.addi %scan3A, %scan3A_1 : i32
    %scan3A_3 = arith.constant 1 : i32
    scf.for %scan3A_25 = %scan3A to %scan3A_2 step %scan3A_3  : i32 {
      %mul3A_26 = arith.constant 1 : i32
      %mul3A_27 = arith.muli %scan3A_25, %mul3A_26 : i32
      %add3A_28 = arith.constant 0 : i32
      %add3A_29 = arith.addi %add3A_28, %mul3A_27 : i32
      %scan3A_30 = arith.constant 0 : i32
      %scan3A_31 = arith.constant 8 : i32
      %scan3A_32 = arith.addi %scan3A_30, %scan3A_31 : i32
      %scan3A_33 = arith.constant 1 : i32
      scf.for %scan3A_35 = %scan3A_30 to %scan3A_32 step %scan3A_33  : i32 {
        %mul3A_36 = arith.constant 16 : i32
        %mul3A_37 = arith.muli %scan3A_35, %mul3A_36 : i32
        %add3A_38 = arith.constant 0 : i32
        %add3A_39 = arith.addi %add3A_38, %mul3A_37 : i32
        %broadcast_in_dim3A = arith.constant 0.000000e+00 : f32
        %broadcast_in_dim3A_40 = vector.broadcast %broadcast_in_dim3A : f32 to vector<16xf32>
        %swap3A = arith.index_cast %add3A_29 : i32 to index
        %swap3A_41 = arith.index_cast %add3A_39 : i32 to index
        %swap3A_42 = tpu.vector_load %arg8[%swap3A, %swap3A_41] {strides = array<i32>} : memref<128x128xf32, #tpu.memory_space<vmem>>, vector<1x16xf32>,
        %swap3A_43 = vector.shape_cast %swap3A_42 : vector<1x16xf32> to vector<16xf32>
        %swap3A_44 = vector.shape_cast %broadcast_in_dim3A_40 : vector<16xf32> to vector<1x16xf32>
        tpu.vector_store %arg8[%swap3A, %swap3A_41], %swap3A_44 {strides = array<i32>} : memref<128x128xf32, #tpu.memory_space<vmem>>, vector<1x16xf32>,
      }
      %scan3A_34 = arith.constant 8 : i32
    }
    %scan3A_4 = arith.constant 128 : i32
    %mul3A_5 = arith.constant 640 : i32
    %mul3A_6 = arith.muli %arg1, %mul3A_5 : i32
    %scan3A_7 = arith.constant 0 : i32
    %scan3A_8 = arith.constant 5 : i32
    %scan3A_9 = arith.addi %scan3A_7, %scan3A_8 : i32
    %scan3A_10 = arith.constant 1 : i32
    scf.for %scan3A_25 = %scan3A_7 to %scan3A_9 step %scan3A_10  : i32 {
      %mul3A_26 = arith.constant 128 : i32
      %mul3A_27 = arith.muli %scan3A_25, %mul3A_26 : i32
      %add3A_28 = arith.constant 0 : i32
      %add3A_29 = arith.addi %add3A_28, %mul3A_27 : i32
      %add3A_30 = arith.addi %mul3A_6, %add3A_29 : i32
      "tpu.region"() ({
        %run_scoped3A = tpu.sem_alloc : memref<!tpu.dma_semaphore, #tpu.memory_space<semaphore_mem>>
        %dma_start3A = arith.constant 0 : i32
        %dma_start3A_31 = tpu.memref_slice %arg9[%add3A_30, %dma_start3A] : memref<10240x128xf32, #tpu.memory_space<vmem_shared>> -> memref<128x128xf32, #tpu.memory_space<vmem_shared>>
        %dma_start3A_32 = arith.constant 0 : i32
        %dma_start3A_33 = tpu.memref_slice %arg9[%add3A_30, %dma_start3A_32] : memref<10240x128xf32, #tpu.memory_space<vmem_shared>> -> memref<128x128xf32, #tpu.memory_space<vmem_shared>>
        tpu.enqueue_dma source(%arg8 : memref<128x128xf32, #tpu.memory_space<vmem>>) target(%dma_start3A_33 : memref<128x128xf32, #tpu.memory_space<vmem_shared>>) target_semaphore(%run_scoped3A : memref<!tpu.dma_semaphore, #tpu.memory_space<semaphore_mem>>)
        %dma_wait3A = arith.constant 0 : i32
        %dma_wait3A_34 = tpu.memref_slice %arg9[%add3A_30, %dma_wait3A] : memref<10240x128xf32, #tpu.memory_space<vmem_shared>> -> memref<128x128xf32, #tpu.memory_space<vmem_shared>>
        %dma_wait3A_35 = arith.constant 0 : i32
        %dma_wait3A_36 = tpu.memref_slice %arg9[%add3A_30, %dma_wait3A_35] : memref<10240x128xf32, #tpu.memory_space<vmem_shared>> -> memref<128x128xf32, #tpu.memory_space<vmem_shared>>
        tpu.wait_dma2 semaphore(%run_scoped3A : memref<!tpu.dma_semaphore, #tpu.memory_space<semaphore_mem>>) src(%arg8 : memref<128x128xf32, #tpu.memory_space<vmem>>) dst(%dma_wait3A_36 : memref<128x128xf32, #tpu.memory_space<vmem_shared>>)
        tpu.yield
      }) : () -> ()
    }
    %scan3A_11 = arith.constant 5 : i32
    %barrier3A = arith.constant 0 : index
    tpu.barrier barrier_id(%barrier3A)
    %eq3A = arith.constant 0 : i32
    %eq3A_12 = arith.cmpi eq, %arg0, %eq3A : i32
    %convert_element_type3A = arith.extui %eq3A_12 : i1 to i32
    %cond3A = arith.constant 0 : i32
    %cond3A_13 = arith.cmpi ne, %convert_element_type3A, %cond3A : i32
    scf.if %cond3A_13 {
      %mul3A_25 = arith.constant 120 : i32
      %mul3A_26 = arith.muli %arg1, %mul3A_25 : i32
      %multiple_of3A = tpu.assume_multiple %mul3A_26, 8 : i32
      "tpu.region"() ({
        %run_scoped3A = tpu.sem_alloc : memref<!tpu.dma_semaphore, #tpu.memory_space<semaphore_mem>>
        %dma_start3A = arith.constant 0 : i32
        %dma_start3A_32 = arith.constant 0 : i32
        %dma_start3A_33 = tpu.memref_slice %arg6[%dma_start3A, %dma_start3A_32] : memref<120x128xi32, #tpu.memory_space<vmem>> -> memref<120x128xi32, #tpu.memory_space<vmem>>
        %dma_start3A_34 = arith.constant 0 : i32
        %dma_start3A_35 = tpu.memref_slice %arg3[%multiple_of3A, %dma_start3A_34] : memref<2560x128xi32, #tpu.memory_space<hbm>> -> memref<120x128xi32, #tpu.memory_space<hbm>>
        %dma_start3A_36 = arith.constant 0 : i32
        %dma_start3A_37 = arith.constant 0 : i32
        %dma_start3A_38 = tpu.memref_slice %arg6[%dma_start3A_36, %dma_start3A_37] : memref<120x128xi32, #tpu.memory_space<vmem>> -> memref<120x128xi32, #tpu.memory_space<vmem>>
        %dma_start3A_39 = arith.constant 0 : i32
        %dma_start3A_40 = tpu.memref_slice %arg3[%multiple_of3A, %dma_start3A_39] : memref<2560x128xi32, #tpu.memory_space<hbm>> -> memref<120x128xi32, #tpu.memory_space<hbm>>
        tpu.enqueue_dma source(%dma_start3A_40 : memref<120x128xi32, #tpu.memory_space<hbm>>) target(%dma_start3A_38 : memref<120x128xi32, #tpu.memory_space<vmem>>) target_semaphore(%run_scoped3A : memref<!tpu.dma_semaphore, #tpu.memory_space<semaphore_mem>>)
        %dma_wait3A = arith.constant 0 : i32
        %dma_wait3A_41 = arith.constant 0 : i32
        %dma_wait3A_42 = tpu.memref_slice %arg6[%dma_wait3A, %dma_wait3A_41] : memref<120x128xi32, #tpu.memory_space<vmem>> -> memref<120x128xi32, #tpu.memory_space<vmem>>
        %dma_wait3A_43 = arith.constant 0 : i32
        %dma_wait3A_44 = tpu.memref_slice %arg3[%multiple_of3A, %dma_wait3A_43] : memref<2560x128xi32, #tpu.memory_space<hbm>> -> memref<120x128xi32, #tpu.memory_space<hbm>>
        %dma_wait3A_45 = arith.constant 0 : i32
        %dma_wait3A_46 = arith.constant 0 : i32
        %dma_wait3A_47 = tpu.memref_slice %arg6[%dma_wait3A_45, %dma_wait3A_46] : memref<120x128xi32, #tpu.memory_space<vmem>> -> memref<120x128xi32, #tpu.memory_space<vmem>>
        %dma_wait3A_48 = arith.constant 0 : i32
        %dma_wait3A_49 = tpu.memref_slice %arg3[%multiple_of3A, %dma_wait3A_48] : memref<2560x128xi32, #tpu.memory_space<hbm>> -> memref<120x128xi32, #tpu.memory_space<hbm>>
        tpu.wait_dma2 semaphore(%run_scoped3A : memref<!tpu.dma_semaphore, #tpu.memory_space<semaphore_mem>>) src(%dma_wait3A_49 : memref<120x128xi32, #tpu.memory_space<hbm>>) dst(%dma_wait3A_47 : memref<120x128xi32, #tpu.memory_space<vmem>>)
        tpu.yield
      }) : () -> ()
      "tpu.region"() ({
        %run_scoped3A = tpu.sem_alloc : memref<!tpu.dma_semaphore, #tpu.memory_space<semaphore_mem>>
        %dma_start3A = arith.constant 0 : i32
        %dma_start3A_32 = arith.constant 0 : i32
        %dma_start3A_33 = tpu.memref_slice %arg7[%dma_start3A, %dma_start3A_32] : memref<120x128xi32, #tpu.memory_space<vmem>> -> memref<120x128xi32, #tpu.memory_space<vmem>>
        %dma_start3A_34 = arith.constant 0 : i32
        %dma_start3A_35 = tpu.memref_slice %arg4[%multiple_of3A, %dma_start3A_34] : memref<2560x128xi32, #tpu.memory_space<hbm>> -> memref<120x128xi32, #tpu.memory_space<hbm>>
        %dma_start3A_36 = arith.constant 0 : i32
        %dma_start3A_37 = arith.constant 0 : i32
        %dma_start3A_38 = tpu.memref_slice %arg7[%dma_start3A_36, %dma_start3A_37] : memref<120x128xi32, #tpu.memory_space<vmem>> -> memref<120x128xi32, #tpu.memory_space<vmem>>
        %dma_start3A_39 = arith.constant 0 : i32
        %dma_start3A_40 = tpu.memref_slice %arg4[%multiple_of3A, %dma_start3A_39] : memref<2560x128xi32, #tpu.memory_space<hbm>> -> memref<120x128xi32, #tpu.memory_space<hbm>>
        tpu.enqueue_dma source(%dma_start3A_40 : memref<120x128xi32, #tpu.memory_space<hbm>>) target(%dma_start3A_38 : memref<120x128xi32, #tpu.memory_space<vmem>>) target_semaphore(%run_scoped3A : memref<!tpu.dma_semaphore, #tpu.memory_space<semaphore_mem>>)
        %dma_wait3A = arith.constant 0 : i32
        %dma_wait3A_41 = arith.constant 0 : i32
        %dma_wait3A_42 = tpu.memref_slice %arg7[%dma_wait3A, %dma_wait3A_41] : memref<120x128xi32, #tpu.memory_space<vmem>> -> memref<120x128xi32, #tpu.memory_space<vmem>>
        %dma_wait3A_43 = arith.constant 0 : i32
        %dma_wait3A_44 = tpu.memref_slice %arg4[%multiple_of3A, %dma_wait3A_43] : memref<2560x128xi32, #tpu.memory_space<hbm>> -> memref<120x128xi32, #tpu.memory_space<hbm>>
        %dma_wait3A_45 = arith.constant 0 : i32
        %dma_wait3A_46 = arith.constant 0 : i32
        %dma_wait3A_47 = tpu.memref_slice %arg7[%dma_wait3A_45, %dma_wait3A_46] : memref<120x128xi32, #tpu.memory_space<vmem>> -> memref<120x128xi32, #tpu.memory_space<vmem>>
        %dma_wait3A_48 = arith.constant 0 : i32
        %dma_wait3A_49 = tpu.memref_slice %arg4[%multiple_of3A, %dma_wait3A_48] : memref<2560x128xi32, #tpu.memory_space<hbm>> -> memref<120x128xi32, #tpu.memory_space<hbm>>
        tpu.wait_dma2 semaphore(%run_scoped3A : memref<!tpu.dma_semaphore, #tpu.memory_space<semaphore_mem>>) src(%dma_wait3A_49 : memref<120x128xi32, #tpu.memory_space<hbm>>) dst(%dma_wait3A_47 : memref<120x128xi32, #tpu.memory_space<vmem>>)
        tpu.yield
      }) : () -> ()
      %scan3A_27 = arith.constant 0 : i32
      %scan3A_28 = arith.constant 120 : i32
      %scan3A_29 = arith.addi %scan3A_27, %scan3A_28 : i32
      %scan3A_30 = arith.constant 1 : i32
      scf.for %scan3A_32 = %scan3A_27 to %scan3A_29 step %scan3A_30  : i32 {
        %mul3A_33 = arith.constant 1 : i32
        %mul3A_34 = arith.muli %scan3A_32, %mul3A_33 : i32
        %add3A_35 = arith.constant 0 : i32
        %add3A_36 = arith.addi %add3A_35, %mul3A_34 : i32
        "tpu.region"() ({
          %run_scoped3A = tpu.sem_alloc : memref<!tpu.dma_semaphore, #tpu.memory_space<semaphore_mem>>
          %dma_start3A = arith.constant 0 : i32
          %dma_start3A_37 = tpu.memref_slice %arg6[%add3A_36, %dma_start3A] : memref<120x128xi32, #tpu.memory_space<vmem>> -> memref<1x128xi32, #tpu.memory_space<vmem>>
          %dma_start3A_38 = tpu.memref_squeeze %dma_start3A_37 : memref<1x128xi32, #tpu.memory_space<vmem>> -> memref<128xi32, #tpu.memory_space<vmem>>
          %dma_start3A_39 = arith.constant 0 : i32
          %dma_start3A_40 = arith.constant 0 : i32
          %dma_start3A_41 = tpu.memref_slice %arg2[%dma_start3A_39, %dma_start3A_40] : memref<10000x128xf32, #tpu.memory_space<hbm>> -> memref<10000x128xf32, #tpu.memory_space<hbm>>
          tpu.enqueue_indirect_dma source(%dma_start3A_41 : memref<10000x128xf32, #tpu.memory_space<hbm>>) target(%arg8 : memref<128x128xf32, #tpu.memory_space<vmem>>) offsets(%dma_start3A_38 : memref<128xi32, #tpu.memory_space<vmem>>) semaphore(%run_scoped3A : memref<!tpu.dma_semaphore, #tpu.memory_space<semaphore_mem>>)
          %dma_wait3A = arith.constant 0 : i32
          %dma_wait3A_42 = tpu.memref_slice %arg6[%add3A_36, %dma_wait3A] : memref<120x128xi32, #tpu.memory_space<vmem>> -> memref<1x128xi32, #tpu.memory_space<vmem>>
          %dma_wait3A_43 = tpu.memref_squeeze %dma_wait3A_42 : memref<1x128xi32, #tpu.memory_space<vmem>> -> memref<128xi32, #tpu.memory_space<vmem>>
          %dma_wait3A_44 = arith.constant 0 : i32
          %dma_wait3A_45 = arith.constant 0 : i32
          %dma_wait3A_46 = tpu.memref_slice %arg2[%dma_wait3A_44, %dma_wait3A_45] : memref<10000x128xf32, #tpu.memory_space<hbm>> -> memref<10000x128xf32, #tpu.memory_space<hbm>>
          tpu.wait_indirect_dma semaphore(%run_scoped3A : memref<!tpu.dma_semaphore, #tpu.memory_space<semaphore_mem>>) src(%dma_wait3A_46 : memref<10000x128xf32, #tpu.memory_space<hbm>>) dst(%arg8 : memref<128x128xf32, #tpu.memory_space<vmem>>)
          tpu.yield
        }) : () -> ()
        "tpu.region"() ({
          %run_scoped3A = tpu.sem_alloc : memref<!tpu.dma_semaphore, #tpu.memory_space<semaphore_mem>>
          %dma_start3A = arith.constant 0 : i32
          %dma_start3A_37 = tpu.memref_slice %arg7[%add3A_36, %dma_start3A] : memref<120x128xi32, #tpu.memory_space<vmem>> -> memref<1x128xi32, #tpu.memory_space<vmem>>
          %dma_start3A_38 = tpu.memref_squeeze %dma_start3A_37 : memref<1x128xi32, #tpu.memory_space<vmem>> -> memref<128xi32, #tpu.memory_space<vmem>>
          %dma_start3A_39 = arith.constant 0 : i32
          %dma_start3A_40 = arith.constant 0 : i32
          %dma_start3A_41 = tpu.memref_slice %arg9[%dma_start3A_39, %dma_start3A_40] : memref<10240x128xf32, #tpu.memory_space<vmem_shared>> -> memref<10240x128xf32, #tpu.memory_space<vmem_shared>>
          tpu.enqueue_indirect_dma source(%arg8 : memref<128x128xf32, #tpu.memory_space<vmem>>) target(%dma_start3A_41 : memref<10240x128xf32, #tpu.memory_space<vmem_shared>>) offsets(%dma_start3A_38 : memref<128xi32, #tpu.memory_space<vmem>>) semaphore(%run_scoped3A : memref<!tpu.dma_semaphore, #tpu.memory_space<semaphore_mem>>) {add = true}
          %dma_wait3A = arith.constant 0 : i32
          %dma_wait3A_42 = tpu.memref_slice %arg7[%add3A_36, %dma_wait3A] : memref<120x128xi32, #tpu.memory_space<vmem>> -> memref<1x128xi32, #tpu.memory_space<vmem>>
          %dma_wait3A_43 = tpu.memref_squeeze %dma_wait3A_42 : memref<1x128xi32, #tpu.memory_space<vmem>> -> memref<128xi32, #tpu.memory_space<vmem>>
          %dma_wait3A_44 = arith.constant 0 : i32
          %dma_wait3A_45 = arith.constant 0 : i32
          %dma_wait3A_46 = tpu.memref_slice %arg9[%dma_wait3A_44, %dma_wait3A_45] : memref<10240x128xf32, #tpu.memory_space<vmem_shared>> -> memref<10240x128xf32, #tpu.memory_space<vmem_shared>>
          tpu.wait_indirect_dma semaphore(%run_scoped3A : memref<!tpu.dma_semaphore, #tpu.memory_space<semaphore_mem>>) src(%arg8 : memref<128x128xf32, #tpu.memory_space<vmem>>) dst(%dma_wait3A_46 : memref<10240x128xf32, #tpu.memory_space<vmem_shared>>)
          tpu.yield
        }) : () -> ()
      }
      %scan3A_31 = arith.constant 120 : i32
    } else {
    }
    %eq3A_14 = arith.constant 1 : i32
    %eq3A_15 = arith.cmpi eq, %arg0, %eq3A_14 : i32
    %convert_element_type3A_16 = arith.extui %eq3A_15 : i1 to i32
    %cond3A_17 = arith.constant 0 : i32
    %cond3A_18 = arith.cmpi ne, %convert_element_type3A_16, %cond3A_17 : i32
    scf.if %cond3A_18 {
      %mul3A_25 = arith.constant 40 : i32
      %mul3A_26 = arith.muli %arg1, %mul3A_25 : i32
      %add3A_27 = arith.constant 1920 : i32
      %add3A_28 = arith.addi %add3A_27, %mul3A_26 : i32
      %multiple_of3A = tpu.assume_multiple %add3A_28, 8 : i32
      "tpu.region"() ({
        %run_scoped3A = tpu.sem_alloc : memref<!tpu.dma_semaphore, #tpu.memory_space<semaphore_mem>>
        %dma_start3A = arith.constant 0 : i32
        %dma_start3A_34 = arith.constant 0 : i32
        %dma_start3A_35 = tpu.memref_slice %arg6[%dma_start3A, %dma_start3A_34] : memref<120x128xi32, #tpu.memory_space<vmem>> -> memref<40x128xi32, #tpu.memory_space<vmem>>
        %dma_start3A_36 = arith.constant 0 : i32
        %dma_start3A_37 = tpu.memref_slice %arg3[%multiple_of3A, %dma_start3A_36] : memref<2560x128xi32, #tpu.memory_space<hbm>> -> memref<40x128xi32, #tpu.memory_space<hbm>>
        %dma_start3A_38 = arith.constant 0 : i32
        %dma_start3A_39 = arith.constant 0 : i32
        %dma_start3A_40 = tpu.memref_slice %arg6[%dma_start3A_38, %dma_start3A_39] : memref<120x128xi32, #tpu.memory_space<vmem>> -> memref<40x128xi32, #tpu.memory_space<vmem>>
        %dma_start3A_41 = arith.constant 0 : i32
        %dma_start3A_42 = tpu.memref_slice %arg3[%multiple_of3A, %dma_start3A_41] : memref<2560x128xi32, #tpu.memory_space<hbm>> -> memref<40x128xi32, #tpu.memory_space<hbm>>
        tpu.enqueue_dma source(%dma_start3A_42 : memref<40x128xi32, #tpu.memory_space<hbm>>) target(%dma_start3A_40 : memref<40x128xi32, #tpu.memory_space<vmem>>) target_semaphore(%run_scoped3A : memref<!tpu.dma_semaphore, #tpu.memory_space<semaphore_mem>>)
        %dma_wait3A = arith.constant 0 : i32
        %dma_wait3A_43 = arith.constant 0 : i32
        %dma_wait3A_44 = tpu.memref_slice %arg6[%dma_wait3A, %dma_wait3A_43] : memref<120x128xi32, #tpu.memory_space<vmem>> -> memref<40x128xi32, #tpu.memory_space<vmem>>
        %dma_wait3A_45 = arith.constant 0 : i32
        %dma_wait3A_46 = tpu.memref_slice %arg3[%multiple_of3A, %dma_wait3A_45] : memref<2560x128xi32, #tpu.memory_space<hbm>> -> memref<40x128xi32, #tpu.memory_space<hbm>>
        %dma_wait3A_47 = arith.constant 0 : i32
        %dma_wait3A_48 = arith.constant 0 : i32
        %dma_wait3A_49 = tpu.memref_slice %arg6[%dma_wait3A_47, %dma_wait3A_48] : memref<120x128xi32, #tpu.memory_space<vmem>> -> memref<40x128xi32, #tpu.memory_space<vmem>>
        %dma_wait3A_50 = arith.constant 0 : i32
        %dma_wait3A_51 = tpu.memref_slice %arg3[%multiple_of3A, %dma_wait3A_50] : memref<2560x128xi32, #tpu.memory_space<hbm>> -> memref<40x128xi32, #tpu.memory_space<hbm>>
        tpu.wait_dma2 semaphore(%run_scoped3A : memref<!tpu.dma_semaphore, #tpu.memory_space<semaphore_mem>>) src(%dma_wait3A_51 : memref<40x128xi32, #tpu.memory_space<hbm>>) dst(%dma_wait3A_49 : memref<40x128xi32, #tpu.memory_space<vmem>>)
        tpu.yield
      }) : () -> ()
      "tpu.region"() ({
        %run_scoped3A = tpu.sem_alloc : memref<!tpu.dma_semaphore, #tpu.memory_space<semaphore_mem>>
        %dma_start3A = arith.constant 0 : i32
        %dma_start3A_34 = arith.constant 0 : i32
        %dma_start3A_35 = tpu.memref_slice %arg7[%dma_start3A, %dma_start3A_34] : memref<120x128xi32, #tpu.memory_space<vmem>> -> memref<40x128xi32, #tpu.memory_space<vmem>>
        %dma_start3A_36 = arith.constant 0 : i32
        %dma_start3A_37 = tpu.memref_slice %arg4[%multiple_of3A, %dma_start3A_36] : memref<2560x128xi32, #tpu.memory_space<hbm>> -> memref<40x128xi32, #tpu.memory_space<hbm>>
        %dma_start3A_38 = arith.constant 0 : i32
        %dma_start3A_39 = arith.constant 0 : i32
        %dma_start3A_40 = tpu.memref_slice %arg7[%dma_start3A_38, %dma_start3A_39] : memref<120x128xi32, #tpu.memory_space<vmem>> -> memref<40x128xi32, #tpu.memory_space<vmem>>
        %dma_start3A_41 = arith.constant 0 : i32
        %dma_start3A_42 = tpu.memref_slice %arg4[%multiple_of3A, %dma_start3A_41] : memref<2560x128xi32, #tpu.memory_space<hbm>> -> memref<40x128xi32, #tpu.memory_space<hbm>>
        tpu.enqueue_dma source(%dma_start3A_42 : memref<40x128xi32, #tpu.memory_space<hbm>>) target(%dma_start3A_40 : memref<40x128xi32, #tpu.memory_space<vmem>>) target_semaphore(%run_scoped3A : memref<!tpu.dma_semaphore, #tpu.memory_space<semaphore_mem>>)
        %dma_wait3A = arith.constant 0 : i32
        %dma_wait3A_43 = arith.constant 0 : i32
        %dma_wait3A_44 = tpu.memref_slice %arg7[%dma_wait3A, %dma_wait3A_43] : memref<120x128xi32, #tpu.memory_space<vmem>> -> memref<40x128xi32, #tpu.memory_space<vmem>>
        %dma_wait3A_45 = arith.constant 0 : i32
        %dma_wait3A_46 = tpu.memref_slice %arg4[%multiple_of3A, %dma_wait3A_45] : memref<2560x128xi32, #tpu.memory_space<hbm>> -> memref<40x128xi32, #tpu.memory_space<hbm>>
        %dma_wait3A_47 = arith.constant 0 : i32
        %dma_wait3A_48 = arith.constant 0 : i32
        %dma_wait3A_49 = tpu.memref_slice %arg7[%dma_wait3A_47, %dma_wait3A_48] : memref<120x128xi32, #tpu.memory_space<vmem>> -> memref<40x128xi32, #tpu.memory_space<vmem>>
        %dma_wait3A_50 = arith.constant 0 : i32
        %dma_wait3A_51 = tpu.memref_slice %arg4[%multiple_of3A, %dma_wait3A_50] : memref<2560x128xi32, #tpu.memory_space<hbm>> -> memref<40x128xi32, #tpu.memory_space<hbm>>
        tpu.wait_dma2 semaphore(%run_scoped3A : memref<!tpu.dma_semaphore, #tpu.memory_space<semaphore_mem>>) src(%dma_wait3A_51 : memref<40x128xi32, #tpu.memory_space<hbm>>) dst(%dma_wait3A_49 : memref<40x128xi32, #tpu.memory_space<vmem>>)
        tpu.yield
      }) : () -> ()
      %scan3A_29 = arith.constant 0 : i32
      %scan3A_30 = arith.constant 40 : i32
      %scan3A_31 = arith.addi %scan3A_29, %scan3A_30 : i32
      %scan3A_32 = arith.constant 1 : i32
      scf.for %scan3A_34 = %scan3A_29 to %scan3A_31 step %scan3A_32  : i32 {
        %mul3A_35 = arith.constant 1 : i32
        %mul3A_36 = arith.muli %scan3A_34, %mul3A_35 : i32
        %add3A_37 = arith.constant 0 : i32
        %add3A_38 = arith.addi %add3A_37, %mul3A_36 : i32
        "tpu.region"() ({
          %run_scoped3A = tpu.sem_alloc : memref<!tpu.dma_semaphore, #tpu.memory_space<semaphore_mem>>
          %dma_start3A = arith.constant 0 : i32
          %dma_start3A_39 = tpu.memref_slice %arg6[%add3A_38, %dma_start3A] : memref<120x128xi32, #tpu.memory_space<vmem>> -> memref<1x128xi32, #tpu.memory_space<vmem>>
          %dma_start3A_40 = tpu.memref_squeeze %dma_start3A_39 : memref<1x128xi32, #tpu.memory_space<vmem>> -> memref<128xi32, #tpu.memory_space<vmem>>
          %dma_start3A_41 = arith.constant 0 : i32
          %dma_start3A_42 = arith.constant 0 : i32
          %dma_start3A_43 = tpu.memref_slice %arg2[%dma_start3A_41, %dma_start3A_42] : memref<10000x128xf32, #tpu.memory_space<hbm>> -> memref<10000x128xf32, #tpu.memory_space<hbm>>
          tpu.enqueue_indirect_dma source(%dma_start3A_43 : memref<10000x128xf32, #tpu.memory_space<hbm>>) target(%arg8 : memref<128x128xf32, #tpu.memory_space<vmem>>) offsets(%dma_start3A_40 : memref<128xi32, #tpu.memory_space<vmem>>) semaphore(%run_scoped3A : memref<!tpu.dma_semaphore, #tpu.memory_space<semaphore_mem>>)
          %dma_wait3A = arith.constant 0 : i32
          %dma_wait3A_44 = tpu.memref_slice %arg6[%add3A_38, %dma_wait3A] : memref<120x128xi32, #tpu.memory_space<vmem>> -> memref<1x128xi32, #tpu.memory_space<vmem>>
          %dma_wait3A_45 = tpu.memref_squeeze %dma_wait3A_44 : memref<1x128xi32, #tpu.memory_space<vmem>> -> memref<128xi32, #tpu.memory_space<vmem>>
          %dma_wait3A_46 = arith.constant 0 : i32
          %dma_wait3A_47 = arith.constant 0 : i32
          %dma_wait3A_48 = tpu.memref_slice %arg2[%dma_wait3A_46, %dma_wait3A_47] : memref<10000x128xf32, #tpu.memory_space<hbm>> -> memref<10000x128xf32, #tpu.memory_space<hbm>>
          tpu.wait_indirect_dma semaphore(%run_scoped3A : memref<!tpu.dma_semaphore, #tpu.memory_space<semaphore_mem>>) src(%dma_wait3A_48 : memref<10000x128xf32, #tpu.memory_space<hbm>>) dst(%arg8 : memref<128x128xf32, #tpu.memory_space<vmem>>)
          tpu.yield
        }) : () -> ()
        "tpu.region"() ({
          %run_scoped3A = tpu.sem_alloc : memref<!tpu.dma_semaphore, #tpu.memory_space<semaphore_mem>>
          %dma_start3A = arith.constant 0 : i32
          %dma_start3A_39 = tpu.memref_slice %arg7[%add3A_38, %dma_start3A] : memref<120x128xi32, #tpu.memory_space<vmem>> -> memref<1x128xi32, #tpu.memory_space<vmem>>
          %dma_start3A_40 = tpu.memref_squeeze %dma_start3A_39 : memref<1x128xi32, #tpu.memory_space<vmem>> -> memref<128xi32, #tpu.memory_space<vmem>>
          %dma_start3A_41 = arith.constant 0 : i32
          %dma_start3A_42 = arith.constant 0 : i32
          %dma_start3A_43 = tpu.memref_slice %arg9[%dma_start3A_41, %dma_start3A_42] : memref<10240x128xf32, #tpu.memory_space<vmem_shared>> -> memref<10240x128xf32, #tpu.memory_space<vmem_shared>>
          tpu.enqueue_indirect_dma source(%arg8 : memref<128x128xf32, #tpu.memory_space<vmem>>) target(%dma_start3A_43 : memref<10240x128xf32, #tpu.memory_space<vmem_shared>>) offsets(%dma_start3A_40 : memref<128xi32, #tpu.memory_space<vmem>>) semaphore(%run_scoped3A : memref<!tpu.dma_semaphore, #tpu.memory_space<semaphore_mem>>) {add = true}
          %dma_wait3A = arith.constant 0 : i32
          %dma_wait3A_44 = tpu.memref_slice %arg7[%add3A_38, %dma_wait3A] : memref<120x128xi32, #tpu.memory_space<vmem>> -> memref<1x128xi32, #tpu.memory_space<vmem>>
          %dma_wait3A_45 = tpu.memref_squeeze %dma_wait3A_44 : memref<1x128xi32, #tpu.memory_space<vmem>> -> memref<128xi32, #tpu.memory_space<vmem>>
          %dma_wait3A_46 = arith.constant 0 : i32
          %dma_wait3A_47 = arith.constant 0 : i32
          %dma_wait3A_48 = tpu.memref_slice %arg9[%dma_wait3A_46, %dma_wait3A_47] : memref<10240x128xf32, #tpu.memory_space<vmem_shared>> -> memref<10240x128xf32, #tpu.memory_space<vmem_shared>>
          tpu.wait_indirect_dma semaphore(%run_scoped3A : memref<!tpu.dma_semaphore, #tpu.memory_space<semaphore_mem>>) src(%arg8 : memref<128x128xf32, #tpu.memory_space<vmem>>) dst(%dma_wait3A_48 : memref<10240x128xf32, #tpu.memory_space<vmem_shared>>)
          tpu.yield
        }) : () -> ()
      }
      %scan3A_33 = arith.constant 40 : i32
    } else {
    }
    %barrier3A_19 = arith.constant 0 : index
    tpu.barrier barrier_id(%barrier3A_19)
    %scan3A_20 = arith.constant 0 : i32
    %scan3A_21 = arith.constant 5 : i32
    %scan3A_22 = arith.addi %scan3A_20, %scan3A_21 : i32
    %scan3A_23 = arith.constant 1 : i32
    scf.for %scan3A_25 = %scan3A_20 to %scan3A_22 step %scan3A_23  : i32 {
      %mul3A_26 = arith.constant 128 : i32
      %mul3A_27 = arith.muli %scan3A_25, %mul3A_26 : i32
      %add3A_28 = arith.constant 0 : i32
      %add3A_29 = arith.addi %add3A_28, %mul3A_27 : i32
      %add3A_30 = arith.addi %mul3A_6, %add3A_29 : i32
      %add3A_31 = arith.addi %mul3A_6, %add3A_29 : i32
      "tpu.region"() ({
        %run_scoped3A = tpu.sem_alloc : memref<!tpu.dma_semaphore, #tpu.memory_space<semaphore_mem>>
        %dma_start3A = arith.constant 0 : i32
        %dma_start3A_32 = tpu.memref_slice %arg5[%arg0, %add3A_31, %dma_start3A] : memref<2x10240x128xf32, #tpu.memory_space<hbm>> -> memref<1x128x128xf32, #tpu.memory_space<hbm>>
        %dma_start3A_33 = tpu.memref_squeeze %dma_start3A_32 : memref<1x128x128xf32, #tpu.memory_space<hbm>> -> memref<128x128xf32, #tpu.memory_space<hbm>>
        %dma_start3A_34 = arith.constant 0 : i32
        %dma_start3A_35 = tpu.memref_slice %arg9[%add3A_30, %dma_start3A_34] : memref<10240x128xf32, #tpu.memory_space<vmem_shared>> -> memref<128x128xf32, #tpu.memory_space<vmem_shared>>
        tpu.enqueue_dma source(%dma_start3A_35 : memref<128x128xf32, #tpu.memory_space<vmem_shared>>) target(%dma_start3A_33 : memref<128x128xf32, #tpu.memory_space<hbm>>) target_semaphore(%run_scoped3A : memref<!tpu.dma_semaphore, #tpu.memory_space<semaphore_mem>>)
        %dma_wait3A = arith.constant 0 : i32
        %dma_wait3A_36 = tpu.memref_slice %arg5[%arg0, %add3A_31, %dma_wait3A] : memref<2x10240x128xf32, #tpu.memory_space<hbm>> -> memref<1x128x128xf32, #tpu.memory_space<hbm>>
        %dma_wait3A_37 = tpu.memref_squeeze %dma_wait3A_36 : memref<1x128x128xf32, #tpu.memory_space<hbm>> -> memref<128x128xf32, #tpu.memory_space<hbm>>
        %dma_wait3A_38 = arith.constant 0 : i32
        %dma_wait3A_39 = tpu.memref_slice %arg9[%add3A_30, %dma_wait3A_38] : memref<10240x128xf32, #tpu.memory_space<vmem_shared>> -> memref<128x128xf32, #tpu.memory_space<vmem_shared>>
        tpu.wait_dma2 semaphore(%run_scoped3A : memref<!tpu.dma_semaphore, #tpu.memory_space<semaphore_mem>>) src(%dma_wait3A_39 : memref<128x128xf32, #tpu.memory_space<vmem_shared>>) dst(%dma_wait3A_37 : memref<128x128xf32, #tpu.memory_space<hbm>>)
        tpu.yield
      }) : () -> ()
    }
    %scan3A_24 = arith.constant 5 : i32
    return
  }
}

module attributes {stable_mosaic.version = 14 : i64} {
  func.func @body(%arg0: i32, %arg1: memref<2x2000x1xf32, #tpu.memory_space<vmem>>, %arg2: memref<2000x128xf32, #tpu.memory_space<vmem>>, %arg3: memref<2000x1xf32, #tpu.memory_space<vmem>>, %arg4: memref<1x2000x128xf32, #tpu.memory_space<vmem>>) attributes {dimension_semantics = [#tpu.dimension_semantics<arbitrary>], iteration_bounds = array<i64: 5>, scalar_prefetch = 0 : i64, scratch_operands = 0 : i64, tpu.core_type = #tpu.core_type<tc>, window_params = [{transform_indices = @transform_0, window_bounds = array<i64: 2, 2000, 1>}, {transform_indices = @transform_1, window_bounds = array<i64: 2000, 128>}, {transform_indices = @transform_2, window_bounds = array<i64: 2000, 1>}, {transform_indices = @transform_3, window_bounds = array<i64: 1, 2000, 128>}]} {
    %get3A = arith.constant 0 : index
    %get3A_0 = arith.constant 0 : index
    %get3A_1 = arith.constant 0 : index
    %get3A_2 = vector.load %arg1[%get3A, %get3A_0, %get3A_1] : memref<2x2000x1xf32, #tpu.memory_space<vmem>>, vector<1x2000x1xf32>
    %get3A_3 = vector.shape_cast %get3A_2 : vector<1x2000x1xf32> to vector<2000x1xf32>
    %get3A_4 = arith.constant 1 : index
    %get3A_5 = arith.constant 0 : index
    %get3A_6 = arith.constant 0 : index
    %get3A_7 = vector.load %arg1[%get3A_4, %get3A_5, %get3A_6] : memref<2x2000x1xf32, #tpu.memory_space<vmem>>, vector<1x2000x1xf32>
    %get3A_8 = vector.shape_cast %get3A_7 : vector<1x2000x1xf32> to vector<2000x1xf32>
    %add3A = arith.addf %get3A_3, %get3A_8 : vector<2000x1xf32>
    %add3A_9 = arith.constant 1.000000e+00 : f32
    %add3A_10 = vector.broadcast %add3A_9 : f32 to vector<2000x1xf32>
    %add3A_11 = arith.addf %add3A, %add3A_10 : vector<2000x1xf32>
    %rsqrt3A = math.rsqrt %add3A_11 : vector<2000x1xf32>
    %swap3A = arith.constant 0 : index
    %swap3A_12 = arith.constant 0 : index
    %swap3A_13 = vector.load %arg3[%swap3A, %swap3A_12] : memref<2000x1xf32, #tpu.memory_space<vmem>>, vector<2000x1xf32>
    tpu.vector_store %arg3[%swap3A, %swap3A_12], %rsqrt3A {strides = array<i32>} : memref<2000x1xf32, #tpu.memory_space<vmem>>, vector<2000x1xf32>,
    %get3A_14 = arith.constant 0 : index
    %get3A_15 = arith.constant 0 : index
    %get3A_16 = vector.load %arg2[%get3A_14, %get3A_15] : memref<2000x128xf32, #tpu.memory_space<vmem>>, vector<2000x128xf32>
    %mul3A = vector.broadcast %rsqrt3A : vector<2000x1xf32> to vector<2000x128xf32>
    %mul3A_17 = arith.mulf %mul3A, %get3A_16 : vector<2000x128xf32>
    %swap3A_18 = arith.constant 0 : index
    %swap3A_19 = arith.constant 0 : index
    %swap3A_20 = arith.constant 0 : index
    %swap3A_21 = vector.load %arg4[%swap3A_18, %swap3A_19, %swap3A_20] : memref<1x2000x128xf32, #tpu.memory_space<vmem>>, vector<1x2000x128xf32>
    %swap3A_22 = vector.shape_cast %swap3A_21 : vector<1x2000x128xf32> to vector<2000x128xf32>
    %swap3A_23 = vector.shape_cast %mul3A_17 : vector<2000x128xf32> to vector<1x2000x128xf32>
    tpu.vector_store %arg4[%swap3A_18, %swap3A_19, %swap3A_20], %swap3A_23 {strides = array<i32>} : memref<1x2000x128xf32, #tpu.memory_space<vmem>>, vector<1x2000x128xf32>,
    return
  }
  func.func @transform_0(%arg0: i32) -> (i32, i32, i32) {
    %c0_i32 = arith.constant 0 : i32
    %c0_i32_0 = arith.constant 0 : i32
    %c0_i32_1 = arith.constant 0 : i32
    return %c0_i32, %arg0, %c0_i32_0 : i32, i32, i32
  }
  func.func @transform_1(%arg0: i32) -> (i32, i32) {
    %c0_i32 = arith.constant 0 : i32
    %c0_i32_0 = arith.constant 0 : i32
    return %arg0, %c0_i32 : i32, i32
  }
  func.func @transform_2(%arg0: i32) -> (i32, i32) {
    %c0_i32 = arith.constant 0 : i32
    %c0_i32_0 = arith.constant 0 : i32
    return %arg0, %c0_i32 : i32, i32
  }
  func.func @transform_3(%arg0: i32) -> (i32, i32, i32) {
    %c0_i32 = arith.constant 0 : i32
    %c0_i32_0 = arith.constant 0 : i32
    %c0_i32_1 = arith.constant 0 : i32
    return %c0_i32, %arg0, %c0_i32_0 : i32, i32, i32
  }
}

module attributes {stable_mosaic.version = 14 : i64} {
  func.func @body(%arg0: i32, %arg1: memref<2x2000x128xf32, #tpu.memory_space<vmem>>, %arg2: memref<1x2000x128xf32, #tpu.memory_space<vmem>>, %arg3: memref<2000x128xf32, #tpu.memory_space<vmem>>, %arg4: memref<2000x1xf32, #tpu.memory_space<vmem>>, %arg5: memref<128x128xf32, #tpu.memory_space<vmem>>, %arg6: memref<128x128xf32, #tpu.memory_space<vmem>>, %arg7: memref<1x2000x128xf32, #tpu.memory_space<vmem>>) attributes {dimension_semantics = [#tpu.dimension_semantics<arbitrary>], iteration_bounds = array<i64: 5>, scalar_prefetch = 0 : i64, scratch_operands = 0 : i64, tpu.core_type = #tpu.core_type<tc>, window_params = [{transform_indices = @transform_0, window_bounds = array<i64: 2, 2000, 128>}, {transform_indices = @transform_1, window_bounds = array<i64: 1, 2000, 128>}, {transform_indices = @transform_2, window_bounds = array<i64: 2000, 128>}, {transform_indices = @transform_3, window_bounds = array<i64: 2000, 1>}, {pipeline_mode = #tpu.pipeline_mode<synchronous>, transform_indices = @transform_4, window_bounds = array<i64: 128, 128>}, {pipeline_mode = #tpu.pipeline_mode<synchronous>, transform_indices = @transform_5, window_bounds = array<i64: 128, 128>}, {transform_indices = @transform_6, window_bounds = array<i64: 1, 2000, 128>}]} {
    %get3A = arith.constant 0 : index
    %get3A_0 = arith.constant 0 : index
    %get3A_1 = arith.constant 0 : index
    %get3A_2 = vector.load %arg1[%get3A, %get3A_0, %get3A_1] : memref<2x2000x128xf32, #tpu.memory_space<vmem>>, vector<1x2000x128xf32>
    %get3A_3 = vector.shape_cast %get3A_2 : vector<1x2000x128xf32> to vector<2000x128xf32>
    %get3A_4 = arith.constant 1 : index
    %get3A_5 = arith.constant 0 : index
    %get3A_6 = arith.constant 0 : index
    %get3A_7 = vector.load %arg1[%get3A_4, %get3A_5, %get3A_6] : memref<2x2000x128xf32, #tpu.memory_space<vmem>>, vector<1x2000x128xf32>
    %get3A_8 = vector.shape_cast %get3A_7 : vector<1x2000x128xf32> to vector<2000x128xf32>
    %add3A = arith.addf %get3A_3, %get3A_8 : vector<2000x128xf32>
    %get3A_9 = arith.constant 0 : index
    %get3A_10 = arith.constant 0 : index
    %get3A_11 = arith.constant 0 : index
    %get3A_12 = vector.load %arg2[%get3A_9, %get3A_10, %get3A_11] : memref<1x2000x128xf32, #tpu.memory_space<vmem>>, vector<1x2000x128xf32>
    %get3A_13 = vector.shape_cast %get3A_12 : vector<1x2000x128xf32> to vector<2000x128xf32>
    %add3A_14 = arith.addf %add3A, %get3A_13 : vector<2000x128xf32>
    %get3A_15 = arith.constant 0 : index
    %get3A_16 = arith.constant 0 : index
    %get3A_17 = vector.load %arg4[%get3A_15, %get3A_16] : memref<2000x1xf32, #tpu.memory_space<vmem>>, vector<2000x1xf32>
    %mul3A = vector.broadcast %get3A_17 : vector<2000x1xf32> to vector<2000x128xf32>
    %mul3A_18 = arith.mulf %add3A_14, %mul3A : vector<2000x128xf32>
    %get3A_19 = arith.constant 0 : index
    %get3A_20 = arith.constant 0 : index
    %get3A_21 = vector.load %arg5[%get3A_19, %get3A_20] : memref<128x128xf32, #tpu.memory_space<vmem>>, vector<128x128xf32>
    %dot_general3A = arith.constant dense<0.000000e+00> : vector<2000x128xf32>
    %dot_general3A_22 = tpu.matmul %mul3A_18, %get3A_21, %dot_general3A {dimension_numbers = #tpu.dot_dimension_numbers<[1], [0], [0], [1], [0, 0, 1, 1], [], []>, precision = #tpu.contract_precision<fp32>, transpose_lhs_hint = false} : vector<2000x128xf32>, vector<128x128xf32>, vector<2000x128xf32> -> vector<2000x128xf32>
    %get3A_23 = arith.constant 0 : index
    %get3A_24 = arith.constant 0 : index
    %get3A_25 = vector.load %arg3[%get3A_23, %get3A_24] : memref<2000x128xf32, #tpu.memory_space<vmem>>, vector<2000x128xf32>
    %get3A_26 = arith.constant 0 : index
    %get3A_27 = arith.constant 0 : index
    %get3A_28 = vector.load %arg6[%get3A_26, %get3A_27] : memref<128x128xf32, #tpu.memory_space<vmem>>, vector<128x128xf32>
    %dot_general3A_29 = arith.constant dense<0.000000e+00> : vector<2000x128xf32>
    %dot_general3A_30 = tpu.matmul %get3A_25, %get3A_28, %dot_general3A_29 {dimension_numbers = #tpu.dot_dimension_numbers<[1], [0], [0], [1], [0, 0, 1, 1], [], []>, precision = #tpu.contract_precision<fp32>, transpose_lhs_hint = false} : vector<2000x128xf32>, vector<128x128xf32>, vector<2000x128xf32> -> vector<2000x128xf32>
    %add3A_31 = arith.addf %dot_general3A_22, %dot_general3A_30 : vector<2000x128xf32>
    %max3A = arith.constant 0.000000e+00 : f32
    %max3A_32 = vector.broadcast %max3A : f32 to vector<2000x128xf32>
    %max3A_33 = arith.maximumf %add3A_31, %max3A_32 : vector<2000x128xf32>
    %get3A_34 = arith.constant 0 : index
    %get3A_35 = arith.constant 0 : index
    %get3A_36 = vector.load %arg4[%get3A_34, %get3A_35] : memref<2000x1xf32, #tpu.memory_space<vmem>>, vector<2000x1xf32>
    %mul3A_37 = vector.broadcast %get3A_36 : vector<2000x1xf32> to vector<2000x128xf32>
    %mul3A_38 = arith.mulf %max3A_33, %mul3A_37 : vector<2000x128xf32>
    %swap3A = arith.constant 0 : index
    %swap3A_39 = arith.constant 0 : index
    %swap3A_40 = arith.constant 0 : index
    %swap3A_41 = vector.load %arg7[%swap3A, %swap3A_39, %swap3A_40] : memref<1x2000x128xf32, #tpu.memory_space<vmem>>, vector<1x2000x128xf32>
    %swap3A_42 = vector.shape_cast %swap3A_41 : vector<1x2000x128xf32> to vector<2000x128xf32>
    %swap3A_43 = vector.shape_cast %mul3A_38 : vector<2000x128xf32> to vector<1x2000x128xf32>
    tpu.vector_store %arg7[%swap3A, %swap3A_39, %swap3A_40], %swap3A_43 {strides = array<i32>} : memref<1x2000x128xf32, #tpu.memory_space<vmem>>, vector<1x2000x128xf32>,
    return
  }
  func.func @transform_0(%arg0: i32) -> (i32, i32, i32) {
    %c0_i32 = arith.constant 0 : i32
    %c0_i32_0 = arith.constant 0 : i32
    %c0_i32_1 = arith.constant 0 : i32
    return %c0_i32, %arg0, %c0_i32_0 : i32, i32, i32
  }
  func.func @transform_1(%arg0: i32) -> (i32, i32, i32) {
    %c0_i32 = arith.constant 0 : i32
    %c0_i32_0 = arith.constant 0 : i32
    %c0_i32_1 = arith.constant 0 : i32
    return %c0_i32, %arg0, %c0_i32_0 : i32, i32, i32
  }
  func.func @transform_2(%arg0: i32) -> (i32, i32) {
    %c0_i32 = arith.constant 0 : i32
    %c0_i32_0 = arith.constant 0 : i32
    return %arg0, %c0_i32 : i32, i32
  }
  func.func @transform_3(%arg0: i32) -> (i32, i32) {
    %c0_i32 = arith.constant 0 : i32
    %c0_i32_0 = arith.constant 0 : i32
    return %arg0, %c0_i32 : i32, i32
  }
  func.func @transform_4(%arg0: i32) -> (i32, i32) {
    %c0_i32 = arith.constant 0 : i32
    %c0_i32_0 = arith.constant 0 : i32
    %c0_i32_1 = arith.constant 0 : i32
    return %c0_i32, %c0_i32_0 : i32, i32
  }
  func.func @transform_5(%arg0: i32) -> (i32, i32) {
    %c0_i32 = arith.constant 0 : i32
    %c0_i32_0 = arith.constant 0 : i32
    %c0_i32_1 = arith.constant 0 : i32
    return %c0_i32, %c0_i32_0 : i32, i32
  }
  func.func @transform_6(%arg0: i32) -> (i32, i32, i32) {
    %c0_i32 = arith.constant 0 : i32
    %c0_i32_0 = arith.constant 0 : i32
    %c0_i32_1 = arith.constant 0 : i32
    return %c0_i32, %arg0, %c0_i32_0 : i32, i32, i32
  }
}

module attributes {stable_mosaic.version = 14 : i64} {
  func.func @body(%arg0: i32, %arg1: memref<2x2000x128xf32, #tpu.memory_space<vmem>>, %arg2: memref<1x2000x128xf32, #tpu.memory_space<vmem>>, %arg3: memref<2000x128xf32, #tpu.memory_space<vmem>>, %arg4: memref<2000x1xf32, #tpu.memory_space<vmem>>, %arg5: memref<128x128xf32, #tpu.memory_space<vmem>>, %arg6: memref<128x128xf32, #tpu.memory_space<vmem>>, %arg7: memref<2000x128xf32, #tpu.memory_space<vmem>>) attributes {dimension_semantics = [#tpu.dimension_semantics<arbitrary>], iteration_bounds = array<i64: 5>, scalar_prefetch = 0 : i64, scratch_operands = 0 : i64, tpu.core_type = #tpu.core_type<tc>, window_params = [{transform_indices = @transform_0, window_bounds = array<i64: 2, 2000, 128>}, {transform_indices = @transform_1, window_bounds = array<i64: 1, 2000, 128>}, {transform_indices = @transform_2, window_bounds = array<i64: 2000, 128>}, {transform_indices = @transform_3, window_bounds = array<i64: 2000, 1>}, {pipeline_mode = #tpu.pipeline_mode<synchronous>, transform_indices = @transform_4, window_bounds = array<i64: 128, 128>}, {pipeline_mode = #tpu.pipeline_mode<synchronous>, transform_indices = @transform_5, window_bounds = array<i64: 128, 128>}, {transform_indices = @transform_6, window_bounds = array<i64: 2000, 128>}]} {
    %get3A = arith.constant 0 : index
    %get3A_0 = arith.constant 0 : index
    %get3A_1 = arith.constant 0 : index
    %get3A_2 = vector.load %arg1[%get3A, %get3A_0, %get3A_1] : memref<2x2000x128xf32, #tpu.memory_space<vmem>>, vector<1x2000x128xf32>
    %get3A_3 = vector.shape_cast %get3A_2 : vector<1x2000x128xf32> to vector<2000x128xf32>
    %get3A_4 = arith.constant 1 : index
    %get3A_5 = arith.constant 0 : index
    %get3A_6 = arith.constant 0 : index
    %get3A_7 = vector.load %arg1[%get3A_4, %get3A_5, %get3A_6] : memref<2x2000x128xf32, #tpu.memory_space<vmem>>, vector<1x2000x128xf32>
    %get3A_8 = vector.shape_cast %get3A_7 : vector<1x2000x128xf32> to vector<2000x128xf32>
    %add3A = arith.addf %get3A_3, %get3A_8 : vector<2000x128xf32>
    %get3A_9 = arith.constant 0 : index
    %get3A_10 = arith.constant 0 : index
    %get3A_11 = arith.constant 0 : index
    %get3A_12 = vector.load %arg2[%get3A_9, %get3A_10, %get3A_11] : memref<1x2000x128xf32, #tpu.memory_space<vmem>>, vector<1x2000x128xf32>
    %get3A_13 = vector.shape_cast %get3A_12 : vector<1x2000x128xf32> to vector<2000x128xf32>
    %add3A_14 = arith.addf %add3A, %get3A_13 : vector<2000x128xf32>
    %get3A_15 = arith.constant 0 : index
    %get3A_16 = arith.constant 0 : index
    %get3A_17 = vector.load %arg4[%get3A_15, %get3A_16] : memref<2000x1xf32, #tpu.memory_space<vmem>>, vector<2000x1xf32>
    %mul3A = vector.broadcast %get3A_17 : vector<2000x1xf32> to vector<2000x128xf32>
    %mul3A_18 = arith.mulf %add3A_14, %mul3A : vector<2000x128xf32>
    %get3A_19 = arith.constant 0 : index
    %get3A_20 = arith.constant 0 : index
    %get3A_21 = vector.load %arg5[%get3A_19, %get3A_20] : memref<128x128xf32, #tpu.memory_space<vmem>>, vector<128x128xf32>
    %dot_general3A = arith.constant dense<0.000000e+00> : vector<2000x128xf32>
    %dot_general3A_22 = tpu.matmul %mul3A_18, %get3A_21, %dot_general3A {dimension_numbers = #tpu.dot_dimension_numbers<[1], [0], [0], [1], [0, 0, 1, 1], [], []>, precision = #tpu.contract_precision<fp32>, transpose_lhs_hint = false} : vector<2000x128xf32>, vector<128x128xf32>, vector<2000x128xf32> -> vector<2000x128xf32>
    %get3A_23 = arith.constant 0 : index
    %get3A_24 = arith.constant 0 : index
    %get3A_25 = vector.load %arg3[%get3A_23, %get3A_24] : memref<2000x128xf32, #tpu.memory_space<vmem>>, vector<2000x128xf32>
    %get3A_26 = arith.constant 0 : index
    %get3A_27 = arith.constant 0 : index
    %get3A_28 = vector.load %arg6[%get3A_26, %get3A_27] : memref<128x128xf32, #tpu.memory_space<vmem>>, vector<128x128xf32>
    %dot_general3A_29 = arith.constant dense<0.000000e+00> : vector<2000x128xf32>
    %dot_general3A_30 = tpu.matmul %get3A_25, %get3A_28, %dot_general3A_29 {dimension_numbers = #tpu.dot_dimension_numbers<[1], [0], [0], [1], [0, 0, 1, 1], [], []>, precision = #tpu.contract_precision<fp32>, transpose_lhs_hint = false} : vector<2000x128xf32>, vector<128x128xf32>, vector<2000x128xf32> -> vector<2000x128xf32>
    %add3A_31 = arith.addf %dot_general3A_22, %dot_general3A_30 : vector<2000x128xf32>
    %max3A = arith.constant 0.000000e+00 : f32
    %max3A_32 = vector.broadcast %max3A : f32 to vector<2000x128xf32>
    %max3A_33 = arith.maximumf %add3A_31, %max3A_32 : vector<2000x128xf32>
    %swap3A = arith.constant 0 : index
    %swap3A_34 = arith.constant 0 : index
    %swap3A_35 = vector.load %arg7[%swap3A, %swap3A_34] : memref<2000x128xf32, #tpu.memory_space<vmem>>, vector<2000x128xf32>
    tpu.vector_store %arg7[%swap3A, %swap3A_34], %max3A_33 {strides = array<i32>} : memref<2000x128xf32, #tpu.memory_space<vmem>>, vector<2000x128xf32>,
    return
  }
  func.func @transform_0(%arg0: i32) -> (i32, i32, i32) {
    %c0_i32 = arith.constant 0 : i32
    %c0_i32_0 = arith.constant 0 : i32
    %c0_i32_1 = arith.constant 0 : i32
    return %c0_i32, %arg0, %c0_i32_0 : i32, i32, i32
  }
  func.func @transform_1(%arg0: i32) -> (i32, i32, i32) {
    %c0_i32 = arith.constant 0 : i32
    %c0_i32_0 = arith.constant 0 : i32
    %c0_i32_1 = arith.constant 0 : i32
    return %c0_i32, %arg0, %c0_i32_0 : i32, i32, i32
  }
  func.func @transform_2(%arg0: i32) -> (i32, i32) {
    %c0_i32 = arith.constant 0 : i32
    %c0_i32_0 = arith.constant 0 : i32
    return %arg0, %c0_i32 : i32, i32
  }
  func.func @transform_3(%arg0: i32) -> (i32, i32) {
    %c0_i32 = arith.constant 0 : i32
    %c0_i32_0 = arith.constant 0 : i32
    return %arg0, %c0_i32 : i32, i32
  }
  func.func @transform_4(%arg0: i32) -> (i32, i32) {
    %c0_i32 = arith.constant 0 : i32
    %c0_i32_0 = arith.constant 0 : i32
    %c0_i32_1 = arith.constant 0 : i32
    return %c0_i32, %c0_i32_0 : i32, i32
  }
  func.func @transform_5(%arg0: i32) -> (i32, i32) {
    %c0_i32 = arith.constant 0 : i32
    %c0_i32_0 = arith.constant 0 : i32
    %c0_i32_1 = arith.constant 0 : i32
    return %c0_i32, %c0_i32_0 : i32, i32
  }
  func.func @transform_6(%arg0: i32) -> (i32, i32) {
    %c0_i32 = arith.constant 0 : i32
    %c0_i32_0 = arith.constant 0 : i32
    return %arg0, %c0_i32 : i32, i32
  }
}

</mosaic_0001>

<sc_bundles>
// kernel: kernel.12.cloned.1.call-start
scs
__scs_entry_jumppad:
0x0: {  	(pc) =	sbr.rel $0x88, $3  }
0x1: {  	(tag) =	ssettag $0x0;
	lr =	simm.s32 $0x1  }
0x2: {  	[smem:$0x3F9D] =	sst lr;
	_ =	strace $0xD0000000  }
0x3: {  	_ = 	snop  }
0x4: {  	_ = 	snop  }
0x5: {  	_ = 	snop  }
0x6: {  	_ = 	snop  }
0x7: {  	_ = 	snop  }
__scs_overlays_trampoline_lowered:
0x8: {  	[smem:$0x3FAC] =	sst s0  }
0x9: {  	[smem:$0x3FAD] =	sst s1  }
0xa: {  	[smem:$0x3FAE] =	sst s2  }
0xb: {  	[smem:$0x3FAF] =	sst s3  }
0xc: {  	[smem:$0x3FB0] =	sst s4  }
0xd: {  	[smem:$0x3FB1] =	sst s5  }
0xe: {  	[smem:$0x3FB2] =	sst s6  }
0xf: {  	[smem:$0x3FB3] =	sst s7  }
0x10: {  	[smem:$0x3FB4] =	sst s8  }
0x11: {  	[smem:$0x3FB5] =	sst s9;
	s0 =	simm.s32 @!p0 $0x0  }
0x12: {  	s1 =	sld [smem:$0x3F9B];
	s0 =	simm.s32 @p0 $0x1  }
0x13: {  	[smem:$0x3FB6] =	sst s0;
	s0 =	simm.s32 @!p1 $0x0  }
0x14: {  	s2 =	sld [smem:$0x3F9A];
	s0 =	simm.s32 @p1 $0x1  }
0x15: {  	[smem:$0x3FB7] =	sst s0;
	s0 =	simm.s32 @!p2 $0x0  }
0x16: {  	s3 =	sld [smem:$0x3FDB];
	s0 =	simm.s32 @p2 $0x1  }
0x17: {  	s4 =	simm.s32 $0x1BF5;
	[smem:$0x3FB9] =	sst s0  }
0x18: {  	s0 =	sld [smem:$0x3F9C];
	_ =	swait.ge [sflag:s4], $0x0  }
0x19: {  	s7 =	sld [smem:$0x3F9D]  }
0x1a: {  	s8 =	sadd.s32 $0xFFFFE003, lr  }
0x1b: {  	s9 =	sadd.s32 $0xFFFFFEF7, lr;
	s5 =	simm.s32 $0xFFFFFFFF;
	p2 =	slt.u32 s8, $0xFFFFF086  }
0x1c: {  	p1 =	slt.u32 s9, $0xF7A;
	s5 =	simm.s32 @!p2 $0x0  }
0x1d: {  	s5 =	simm.s32 @p1 $0x1;
	p0 =	seq.s32 s7, s2  }
0x1e: {  	s7 =	smul.u32 @!p0 $0xF7A, s2;
	p2 =	seq.s32 @!p0 s5, $0x0  }
0x1f: {  	s9 =	smul.u32 $0xF7A, s1;
	s8 =	simm.s32 @!p0 $0x1BF5;
	p2 =	por !p2, p0  }
0x20: {  	[sflag:s8] =	ssyncset.s32 @!p0 $0xFFFFF086;
	s6 =	sadd.s32 @!p0 s3, s7;
	s7 =	simm.s32 @!p0 $0x108  }
0x21: {  	s3 =	sadd.s32 s3, s9;
	s6 =	sadd.s32 @!p0 $0x88, s6;
	s7 =	simm.s32 @p2 $0x1082  }
0x22: {  	[simem:s7], [sflag:s8] =	dma.local @!p0 [hbm:s6], $0xF7A  }
0x23: {  	s9 =	sor.u32 $0xD0000000, s2;
	s6 =	simm.s32 $0x108;
	_ =	swait.ge @!p0 [sflag:s8], $0x0  }
0x24: {  	s3 =	sadd.s32 $0x88, s3;
	s6 =	simm.s32 @!p1 $0x1082;
	[sflag:s4] =	ssyncset.s32 $0xFFFFF086  }
0x25: {  	[simem:s6], [sflag:s4] =	dma.local [hbm:s3], $0xF7A  }
0x26: {  	[smem:$0x3F9D] =	sst s1;
	(tag) =	ssettag s2;
	_ =	strace s9  }
0x27: {  	s1 =	sld [smem:$0x3FAD]  }
0x28: {  	s2 =	sld [smem:$0x3FAE]  }
0x29: {  	s4 =	sld [smem:$0x3FB0]  }
0x2a: {  	p0 =	seq.s32 s5, $0x0;
	s5 =	sld [smem:$0x3FB1]  }
0x2b: {  	s6 =	sld [smem:$0x3FB2]  }
0x2c: {  	s7 =	sld [smem:$0x3FB3]  }
0x2d: {  	s3 =	simm.s32 $0x108;
	s8 =	sld [smem:$0x3FB4]  }
0x2e: {  	s3 =	simm.s32 @!p0 $0x1082;
	s9 =	sld [smem:$0x3FB5]  }
0x2f: {  	lr =	sadd.s32 s0, s3;
	s0 =	sld [smem:$0x3FAC]  }
0x30: {  	s3 =	sld [smem:$0x3FAF]  }
0x31: {  	[smem:$0x3FB8] =	sst s10  }
0x32: {  	s10 =	sld [smem:$0x3FB6];
	_ =	sdelay $0x3  }
0x33: {  	p0 =	seq.s32 s10, $0x1;
	s10 =	sld [smem:$0x3FB8];
	_ =	sdelay $0x3  }
0x34: {  	[smem:$0x3FB8] =	sst s10  }
0x35: {  	s10 =	sld [smem:$0x3FB7];
	_ =	sdelay $0x3  }
0x36: {  	p1 =	seq.s32 s10, $0x1;
	s10 =	sld [smem:$0x3FB8];
	_ =	sdelay $0x3  }
0x37: {  	[smem:$0x3FB8] =	sst s10  }
0x38: {  	s10 =	sld [smem:$0x3FB9]  }
0x39: {  	_ = 	snop;
	(pc) =	sbr.ind lr, $3  }
0x3a: {  	_ = 	snop  }
0x3b: {  	_ = 	snop  }
0x3c: {  	p2 =	seq.s32 s10, $0x1;
	s10 =	sld [smem:$0x3FB8]  }
0x3d: {  	_ =	shalt  }
0x3e: {  	_ =	shalt  }
0x3f: {  	_ =	shalt  }
0x40: {  	_ =	shalt  }
0x41: {  	_ =	shalt  }
0x42: {  	_ =	shalt  }
0x43: {  	_ =	shalt  }
0x44: {  	_ =	shalt  }
0x45: {  	_ =	shalt  }
0x46: {  	_ =	shalt  }
0x47: {  	_ =	shalt  }
0x48: {  	_ =	shalt  }
0x49: {  	_ =	shalt  }
0x4a: {  	_ =	shalt  }
0x4b: {  	_ =	shalt  }
0x4c: {  	_ =	shalt  }
0x4d: {  	_ =	shalt  }
0x4e: {  	_ =	shalt  }
0x4f: {  	_ =	shalt  }
0x50: {  	_ =	shalt  }
0x51: {  	_ =	shalt  }
0x52: {  	_ =	shalt  }
0x53: {  	_ =	shalt  }
0x54: {  	_ =	shalt  }
0x55: {  	_ =	shalt  }
0x56: {  	_ =	shalt  }
0x57: {  	_ =	shalt  }
0x58: {  	_ =	shalt  }
0x59: {  	_ =	shalt  }
0x5a: {  	_ =	shalt  }
0x5b: {  	_ =	shalt  }
0x5c: {  	_ =	shalt  }
0x5d: {  	_ =	shalt  }
0x5e: {  	_ =	shalt  }
0x5f: {  	_ =	shalt  }
0x60: {  	_ =	shalt  }
0x61: {  	_ =	shalt  }
0x62: {  	_ =	shalt  }
0x63: {  	_ =	shalt  }
0x64: {  	_ =	shalt  }
0x65: {  	_ =	shalt  }
0x66: {  	_ =	shalt  }
0x67: {  	_ =	shalt  }
0x68: {  	_ =	shalt  }
0x69: {  	_ =	shalt  }
0x6a: {  	_ =	shalt  }
0x6b: {  	_ =	shalt  }
0x6c: {  	_ =	shalt  }
0x6d: {  	_ =	shalt  }
0x6e: {  	_ =	shalt  }
0x6f: {  	_ =	shalt  }
0x70: {  	_ =	shalt  }
0x71: {  	_ =	shalt  }
0x72: {  	_ =	shalt  }
0x73: {  	_ =	shalt  }
0x74: {  	_ =	shalt  }
0x75: {  	_ =	shalt  }
0x76: {  	_ =	shalt  }
0x77: {  	_ =	shalt  }
0x78: {  	_ =	shalt  }
0x79: {  	_ =	shalt  }
0x7a: {  	_ =	shalt  }
0x7b: {  	_ =	shalt  }
0x7c: {  	_ =	shalt  }
0x7d: {  	_ =	shalt  }
0x7e: {  	_ =	shalt  }
0x7f: {  	_ =	shalt  }
0x80: {  	_ =	shalt  }
0x81: {  	_ =	shalt  }
0x82: {  	_ =	shalt  }
0x83: {  	_ =	shalt  }
0x84: {  	_ =	shalt  }
0x85: {  	_ =	shalt  }
0x86: {  	_ =	shalt  }
0x87: {  	_ =	shalt  }
.Lfunc_end0:
.L_simem_size_0:
called_computation_lowered:
.L_overlay_start_0:
0x88: {  	s2 =	sld [smem:$0x3FD9]  }
0x89: {  	s3 =	sld [smem:$0x3FFE];
	_ =	sdelay $0x1  }
0x8a: {  	s1 =	srdreg.scid  }
0x8b: {  	s0 =	sand.u32 $0x1, s1  }
0x8c: {  	s17 =	sshll.u32 s0, $0xA;
	s2 =	sadd.s32 s3, s2  }
0x8d: {  	s2 =	sadd.s32 s2, s17  }
0x8e: {  	[smem:$0x3FC4] =	sst s2  }
0x8f: {  	_ = 	snop  }
0x90: {  	s2 =	sld [smem:$0x3FD0];
	(tm) =	ssettm $0x1  }
0x91: {  	s18 =	sld [smem:$0x3FFB];
	_ =	sdelay $0x3  }
0x92: {  	_ =	strace s18  }
0x93: {  	s3 =	sld [smem:$0x3FFC];
	_ =	sdelay $0x3  }
0x94: {  	_ =	strace s3  }
0x95: {  	s3 =	sld [smem:$0x3FFD];
	_ =	sdelay $0x3  }
0x96: {  	_ =	strace s3  }
0x97: {  	_ =	strace $0x8FFFFFFF  }
0x98: {  	s19 =	sld [smem:$0x3FDB];
	_ =	sdelay $0x1  }
0x99: {  	s4 =	simm.s32 $_scs_section_size  }
0x9a: {  	s5 =	simm.s32 $_size__tile_overlayer_lowered;
	s6 =	simm.s32 $_tile_overlayer_lowered  }
0x9b: {  	s22 =	simm.s32 $0x1BFF;
	s21 =	sshll.u32 s6, $0x1;
	s3 =	sadd.s32 s4, s19  }
0x9c: {  	s7 =	simm.s32 $0x0;
	s20 =	sshll.u32 s5, $0x1;
	s5 =	sadd.s32 s21, s3  }
0x9d: {  	[timem:s7], [sflag:s22] =	dma.local [hbm:s5], s20  }
0x9e: {  	_ =	swait.ge [sflag:s22], s20  }
0x9f: {  	s4 =	ssub.s32 $0x0, s20;
	[sflag:s22] =	ssyncset.done $0x0  }
0xa0: {  	[sflag:s22] =	ssyncadd.s32 s4;
	_ =	sdelay $0x1  }
0xa1: {  	s23 =	simm.s32 $0x1B8B  }
0xa2: {  	_ =	swait.ge [sflag:s23], $0x1  }
0xa3: {  	[sflag:s23] =	ssyncset.done $0x0  }
0xa4: {  	s25 =	simm.s32 $0x1B8E;
	s24 =	sld [smem:$0x3FFE];
	[sflag:s23] =	ssyncadd.s32 $0xFFFFFFFF  }
0xa5: {  	s26 =	simm.s32 $execute0_lowered;
	[smem:$0x3FD2] =	sst s25  }
0xa6: {  	s5 =	sshll.u32 s26, $0x1;
	_ =	strace $0x80000046;
	[dreg:$0x1] =	wrdreg $0xFFFFFFFF  }
0xa7: {  	s28 =	simm.s32 $_size_execute0_lowered;
	s3 =	sadd.s32 s3, s5;
	[dreg:$0x0] =	wrdreg $0x0  }
0xa8: {  	s5 =	sshll.u32 s28, $0x1;
	[dreg:$0x2] =	wrdreg s3  }
0xa9: {  	[dreg:$0x3] =	wrdreg s5  }
0xaa: {  	[dreg:$0x4] =	wrdreg $0xC0  }
0xab: {  	_ =	task [dreg:s7], $0x5FFFF  }
0xac: {  	[dreg:$0x1] =	wrdreg $0xFFFFFFFF  }
0xad: {  	[dreg:$0x0] =	wrdreg $0x60  }
0xae: {  	[dreg:$0x2] =	wrdreg s24  }
0xaf: {  	[dreg:$0x3] =	wrdreg s2  }
0xb0: {  	[dreg:$0x4] =	wrdreg $0x2B000  }
0xb1: {  	[dreg:$0x5] =	wrdreg $0x9  }
0xb2: {  	_ =	task.clear_ibuf [dreg:s7], $0x6FFFF;
	_ =	strace $0x90000046  }
0xb3: {  	s29 =	simm.s32 $0x9;
	_ =	strace $0x80000048  }
0xb4: {  	_ =	swait.ge [sflag:s29], $0x1  }
0xb5: {  	[sflag:s29] =	ssyncadd.s32 $0xFFFFFFFF  }
0xb6: {  	_ =	strace $0x90000048  }
0xb7: {  	_ =	sfence  }
0xb8: {  	s30 =	sld [smem:$0x0];
	_ =	sdelay $0x2  }
0xb9: {  	s31 =	sshll.u32 s1, $0xD;
	s1 =	sshrl.u32 s1, $0x2  }
0xba: {  	s3 =	sand.u32 $0x4000, s31;
	s1 =	sadd.s32 s1, s30  }
0xbb: {  	s0 =	sor.u32 s3, s0;
	s1 =	sshll.u32 s1, $0x11  }
0xbc: {  	s0 =	sor.u32 s1, s0  }
0xbd: {  	s0 =	sadd.s32 $0x8F2B, s0  }
0xbe: {  	[sflag:s0] =	ssyncadd.remote.s32 $0x1  }
0xbf: {  	_ =	sfence.sel $0xFFFF  }
0xc0: {  	[dreg:$0x0] =	wrdreg $0xFFFFFFFF;
	(pc) =	sbr.abs _section_cstart, $3  }
0xc1: {  	[dreg:$0x1] =	wrdreg $0xFFFFFFFF  }
0xc2: {  	_ =	task.clear_ibuf [dreg:s7], $0x2FFFF;
	_ =	strace $0x9FFFFFFF  }
0xc3: {  	(tm) =	ssettm $0x7FFFFFFF  }
tec
execute0_lowered:
.L_overlay_start_1:
0x0: {  	(tag) =	ssettag $0x1  }
0x1: {  	s4 =	rddreg [dreg:$0x0]  }
0x2: {  	s6 =	rddreg [dreg:$0x1]  }
0x3: {  	s0 =	srdreg.scid;
	s2 =	rddreg [dreg:$0x2]  }
0x4: {  	s3 =	simm.s32 $0x0;
	s11 =	simm.s32 $0x2A80;
	s14 =	simm.s32 $0x20  }
0x5: {  	s15 =	simm.s32 $0x10;
	s5 =	sand.u32 $0x1, s0;
	s0 =	stileid.u32  }
0x6: {  	s16 =	simm.s32 $0x0;
	[smem:$0x7FF] =	sst s3;
	s8 =	smul.u32 $0xA00, s0  }
0x7: {  	s1 =	sshll.u32 s5, $0x4;
	s9 =	ssub.s32 $0x2, s5;
	s10 =	smul.u32 $0x500, s0  }
0x8: {  	s5 =	sshll.u32 s5, $0x7;
	s12 =	sshll.u32 s0, $0x6;
	s7 =	sor.u32 s0, s1  }
0x9: {  	s1 =	rddreg [dreg:$0x3];
	_ =	strace $0x80000047;
	s29 =	sshrl.u32 s9, $0x1  }
0xa: {  	s12 =	sor.u32 $0x1C01, s12;
	s7 =	smul.u32 $0x500, s7;
	s8 =	sshrl.u32 s8, $0x2  }
0xb: {  	s30 =	sor.u32 s5, s10;
	s10 =	simm.s32 $0x80;
	s5 =	sadd.s32 s8, s2  }
0xc: {  	s31 =	sshrl.u32 s30, $0x3;
	s8 =	simm.s32 $0x1;
	s4 =	sadd.s32 s7, s4  }
0xd: {  	s7 =	ssub.s32 s9, s29;
	s6 =	sadd.s32 s6, s31;
	s9 =	simm.s32 $0x2800  }
0xe: {  	v0 =	vimm.f32 $0.0e+00;
	v1 =	vimm.f32 $1.000000000e+00;
	s13 =	sshrl.u32 s5, $0x3;
	s4 =	sadd.s32 $0x4C00, s4;
	s7 =	smax.u32 s7, $0x1  }
.LBB2_1:
0xf: {  	[tilespmem:s3], [sflag:$0x1] =	stream.linear.gather [hbm4b:s4+s3], $0x2800, $0x38;
	[tilespmem:$0x2D80] =	vst v63  }
0x10: {  	_ =	swait.ge [sflag:s8], $0x2800  }
0x11: {  	[sflag:s8] =	ssyncset.done $0x0  }
0x12: {  	[sflag:s8] =	ssyncadd.s32 $0xFFFFD800  }
0x13: {  	[tilespmem:$0x2800] =	vst v0  }
0x14: {  	[tilespmem:$0x2810] =	vst v0  }
0x15: {  	[tilespmem:$0x2820] =	vst v0  }
0x16: {  	[tilespmem:$0x2830] =	vst v0  }
0x17: {  	[tilespmem:$0x2840] =	vst v0  }
0x18: {  	[tilespmem:$0x2850] =	vst v0  }
0x19: {  	[tilespmem:$0x2860] =	vst v0  }
0x1a: {  	[tilespmem:$0x2870] =	vst v0  }
0x1b: {  	[tilespmem:$0x2880] =	vst v0  }
0x1c: {  	[tilespmem:$0x2890] =	vst v0  }
0x1d: {  	[tilespmem:$0x28A0] =	vst v0  }
0x1e: {  	[tilespmem:$0x28B0] =	vst v0  }
0x1f: {  	[tilespmem:$0x28C0] =	vst v0  }
0x20: {  	[tilespmem:$0x28D0] =	vst v0  }
0x21: {  	[tilespmem:$0x28E0] =	vst v0  }
0x22: {  	[tilespmem:$0x28F0] =	vst v0  }
0x23: {  	[tilespmem:$0x2900] =	vst v0  }
0x24: {  	[tilespmem:$0x2910] =	vst v0  }
0x25: {  	[tilespmem:$0x2920] =	vst v0  }
0x26: {  	[tilespmem:$0x2930] =	vst v0  }
0x27: {  	[tilespmem:$0x2940] =	vst v0  }
0x28: {  	[tilespmem:$0x2950] =	vst v0  }
0x29: {  	[tilespmem:$0x2960] =	vst v0  }
0x2a: {  	[tilespmem:$0x2970] =	vst v0  }
0x2b: {  	[tilespmem:$0x2980] =	vst v0  }
0x2c: {  	[tilespmem:$0x2990] =	vst v0  }
0x2d: {  	[tilespmem:$0x29A0] =	vst v0  }
0x2e: {  	[tilespmem:$0x29B0] =	vst v0  }
0x2f: {  	[tilespmem:$0x29C0] =	vst v0  }
0x30: {  	[tilespmem:$0x29D0] =	vst v0  }
0x31: {  	[tilespmem:$0x29E0] =	vst v0  }
0x32: {  	[tilespmem:$0x29F0] =	vst v0  }
0x33: {  	[tilespmem:$0x2A00] =	vst v0  }
0x34: {  	[tilespmem:$0x2A10] =	vst v0  }
0x35: {  	[tilespmem:$0x2A20] =	vst v0  }
0x36: {  	[tilespmem:$0x2A30] =	vst v0  }
0x37: {  	[tilespmem:$0x2A40] =	vst v0  }
0x38: {  	[tilespmem:$0x2A50] =	vst v0  }
0x39: {  	[tilespmem:$0x2A60] =	vst v0  }
0x3a: {  	[tilespmem:$0x2A70] =	vst v0  }
0x3b: {  	[tilespmem:$0x2A80] =	vst v1  }
0x3c: {  	[tilespmem:$0x2A90] =	vst v1  }
0x3d: {  	[tilespmem:$0x2AA0] =	vst v1  }
0x3e: {  	[tilespmem:$0x2AB0] =	vst v1  }
0x3f: {  	[tilespmem:$0x2AC0] =	vst v1  }
0x40: {  	[tilespmem:$0x2AD0] =	vst v1  }
0x41: {  	[tilespmem:$0x2AE0] =	vst v1  }
0x42: {  	[tilespmem:$0x2AF0] =	vst v1  }
0x43: {  	[spmem:s5] =	stream.linear.scatter [tilespmem:s9], [sflag:$0x1], $0x280, $0x38;
	[tilespmem:$0x2D80] =	vst v63  }
0x44: {  	_ =	swait.ge [sflag:s8], $0x280  }
0x45: {  	[sflag:s8] =	ssyncset.done $0x0  }
0x46: {  	[sflag:s8] =	ssyncadd.s32 $0xFFFFFD80  }
0x47: {  	s17 =	simm.s32 $0x0;
	[bflag:$0x0] =	sbarrier.arrive $0xFFFF  }
0x48: {  	[spmem:s2] =	stream.indirect.scatter.add.f32 [tilespmem:s11], [sflag:$0x1], $0x1, s17, s10, $0xb8;
	[tilespmem:$0x2D80] =	vst v63  }
0x49: {  	_ =	swait.ge [sflag:s8], $0x80  }
0x4a: {  	s17 =	simm.s32 $0x200;
	[sflag:s8] =	ssyncset.done $0x0  }
.LBB2_2:
0x4b: {  	s18 =	sshra.s32 s17, $0x2;
	[sflag:s8] =	ssyncadd.s32 $0xFFFFFF80;
	p0 =	sne.s32 s17, $0x9E00  }
0x4c: {  	[spmem:s2] =	stream.indirect.scatter.add.f32 [tilespmem:s11], [sflag:$0x1], $0x1, s18, s10, $0xb8;
	[tilespmem:$0x2D80] =	vst v63  }
.Ltmp0:
0x4d: {  	_ = 	snop;
	(pc) =	sbr.rel @p0 .LBB2_2-.Ltmp0, $4  }
0x4e: {  	_ = 	snop  }
0x4f: {  	s17 =	sadd.s32 $0x200, s17  }
0x50: {  	_ =	swait.ge [sflag:s8], $0x80  }
0x51: {  	[sflag:s8] =	ssyncset.done $0x0  }
0x52: {  	s16 =	sadd.s32 $0x1, s16  }
0x53: {  	[sflag:s8] =	ssyncadd.s32 $0xFFFFFF80;
	p0 =	sne.s32 s16, s7  }
.Ltmp1:
0x54: {  	[bflag:$0x0] =	sbarrier.arrive $0xFFFF;
	(pc) =	sbr.rel @p0 .LBB2_1-.Ltmp1, $4  }
0x55: {  	[hbm:s6@s14], [sflag:s12] =	dma.strided [spmem:s13@s15], $0x50, s8, $0x10   }
0x56: {  	_ =	swait.ge [sflag:s8], $0x50  }
0x57: {  	[sflag:s8] =	ssyncset.done $0x0  }
0x58: {  	[sflag:s8] =	ssyncadd.s32 $0xFFFFFFB0  }
0x59: {  	_ =	sfence.sel $0x180000  }
0x5a: {  	[bflag:$0x0] =	sbarrier.arrive $0xFFFF  }
0x5b: {  	p0 =	sne.s32 s0, $0x0;
	_ =	strace $0x90000047  }
0x5c: {  	s0 =	sadd.s32 @!p0 $0x100000, s1;
	[bflag:$0x2] =	sbarrier.arrive $0xFFFF  }
0x5d: {  	[sflag:s0] =	ssyncadd.tile.s32 @!p0 $0x1;
	_ =	shalt  }
.Lfunc_end2:
_tile_overlayer_lowered:
.L_overlay_start_2:
0x5e: {  	(tag) =	ssettag $0x2  }
0x5f: {  	s0 =	rddreg [dreg:$0x0];
	s2 =	stileid.u32  }
0x60: {  	s1 =	rddreg [dreg:$0x1];
	p0 =	sne.s32 s2, $0x0  }
0x61: {  	s3 =	rddreg [dreg:$0x2];
	[bflag:$0x3] =	sbarrier.arrive $0xFFFF;
	s2 =	simm.s32 @!p0 $0x1C01  }
0x62: {  	[timem:s3], [sflag:s2] =	dma.local @!p0 [hbm:s0], s1  }
0x63: {  	s0 =	simm.s32 @!p0 $0x1  }
0x64: {  	_ =	swait.ge @!p0 [sflag:s0], s1  }
0x65: {  	s1 =	ssub.s32 @!p0 $0x0, s1;
	[sflag:s0] =	ssyncset.done @!p0 $0x0  }
0x66: {  	[sflag:s0] =	ssyncadd.s32 @!p0 s1  }
0x67: {  	[bflag:$0x3] =	sbarrier.arrive $0xFFFF  }
0x68: {  	_ =	shalt  }

// kernel: kernel.15.cloned.1.call-start
scs
__scs_entry_jumppad:
0x0: {  	(pc) =	sbr.rel $0x88, $3  }
0x1: {  	(tag) =	ssettag $0x0;
	lr =	simm.s32 $0x1  }
0x2: {  	[smem:$0x3F9D] =	sst lr;
	_ =	strace $0xD0000000  }
0x3: {  	_ = 	snop  }
0x4: {  	_ = 	snop  }
0x5: {  	_ = 	snop  }
0x6: {  	_ = 	snop  }
0x7: {  	_ = 	snop  }
__scs_overlays_trampoline_lowered:
0x8: {  	[smem:$0x3FAC] =	sst s0  }
0x9: {  	[smem:$0x3FAD] =	sst s1  }
0xa: {  	[smem:$0x3FAE] =	sst s2  }
0xb: {  	[smem:$0x3FAF] =	sst s3  }
0xc: {  	[smem:$0x3FB0] =	sst s4  }
0xd: {  	[smem:$0x3FB1] =	sst s5  }
0xe: {  	[smem:$0x3FB2] =	sst s6  }
0xf: {  	[smem:$0x3FB3] =	sst s7  }
0x10: {  	[smem:$0x3FB4] =	sst s8  }
0x11: {  	[smem:$0x3FB5] =	sst s9;
	s0 =	simm.s32 @!p0 $0x0  }
0x12: {  	s1 =	sld [smem:$0x3F9B];
	s0 =	simm.s32 @p0 $0x1  }
0x13: {  	[smem:$0x3FB6] =	sst s0;
	s0 =	simm.s32 @!p1 $0x0  }
0x14: {  	s2 =	sld [smem:$0x3F9A];
	s0 =	simm.s32 @p1 $0x1  }
0x15: {  	[smem:$0x3FB7] =	sst s0;
	s0 =	simm.s32 @!p2 $0x0  }
0x16: {  	s3 =	sld [smem:$0x3FDB];
	s0 =	simm.s32 @p2 $0x1  }
0x17: {  	s4 =	simm.s32 $0x1BF5;
	[smem:$0x3FB9] =	sst s0  }
0x18: {  	s0 =	sld [smem:$0x3F9C];
	_ =	swait.ge [sflag:s4], $0x0  }
0x19: {  	s7 =	sld [smem:$0x3F9D]  }
0x1a: {  	s8 =	sadd.s32 $0xFFFFE003, lr  }
0x1b: {  	s9 =	sadd.s32 $0xFFFFFEF7, lr;
	s5 =	simm.s32 $0xFFFFFFFF;
	p2 =	slt.u32 s8, $0xFFFFF086  }
0x1c: {  	p1 =	slt.u32 s9, $0xF7A;
	s5 =	simm.s32 @!p2 $0x0  }
0x1d: {  	s5 =	simm.s32 @p1 $0x1;
	p0 =	seq.s32 s7, s2  }
0x1e: {  	s7 =	smul.u32 @!p0 $0xF7A, s2;
	p2 =	seq.s32 @!p0 s5, $0x0  }
0x1f: {  	s9 =	smul.u32 $0xF7A, s1;
	s8 =	simm.s32 @!p0 $0x1BF5;
	p2 =	por !p2, p0  }
0x20: {  	[sflag:s8] =	ssyncset.s32 @!p0 $0xFFFFF086;
	s6 =	sadd.s32 @!p0 s3, s7;
	s7 =	simm.s32 @!p0 $0x108  }
0x21: {  	s3 =	sadd.s32 s3, s9;
	s6 =	sadd.s32 @!p0 $0x88, s6;
	s7 =	simm.s32 @p2 $0x1082  }
0x22: {  	[simem:s7], [sflag:s8] =	dma.local @!p0 [hbm:s6], $0xF7A  }
0x23: {  	s9 =	sor.u32 $0xD0000000, s2;
	s6 =	simm.s32 $0x108;
	_ =	swait.ge @!p0 [sflag:s8], $0x0  }
0x24: {  	s3 =	sadd.s32 $0x88, s3;
	s6 =	simm.s32 @!p1 $0x1082;
	[sflag:s4] =	ssyncset.s32 $0xFFFFF086  }
0x25: {  	[simem:s6], [sflag:s4] =	dma.local [hbm:s3], $0xF7A  }
0x26: {  	[smem:$0x3F9D] =	sst s1;
	(tag) =	ssettag s2;
	_ =	strace s9  }
0x27: {  	s1 =	sld [smem:$0x3FAD]  }
0x28: {  	s2 =	sld [smem:$0x3FAE]  }
0x29: {  	s4 =	sld [smem:$0x3FB0]  }
0x2a: {  	p0 =	seq.s32 s5, $0x0;
	s5 =	sld [smem:$0x3FB1]  }
0x2b: {  	s6 =	sld [smem:$0x3FB2]  }
0x2c: {  	s7 =	sld [smem:$0x3FB3]  }
0x2d: {  	s3 =	simm.s32 $0x108;
	s8 =	sld [smem:$0x3FB4]  }
0x2e: {  	s3 =	simm.s32 @!p0 $0x1082;
	s9 =	sld [smem:$0x3FB5]  }
0x2f: {  	lr =	sadd.s32 s0, s3;
	s0 =	sld [smem:$0x3FAC]  }
0x30: {  	s3 =	sld [smem:$0x3FAF]  }
0x31: {  	[smem:$0x3FB8] =	sst s10  }
0x32: {  	s10 =	sld [smem:$0x3FB6];
	_ =	sdelay $0x3  }
0x33: {  	p0 =	seq.s32 s10, $0x1;
	s10 =	sld [smem:$0x3FB8];
	_ =	sdelay $0x3  }
0x34: {  	[smem:$0x3FB8] =	sst s10  }
0x35: {  	s10 =	sld [smem:$0x3FB7];
	_ =	sdelay $0x3  }
0x36: {  	p1 =	seq.s32 s10, $0x1;
	s10 =	sld [smem:$0x3FB8];
	_ =	sdelay $0x3  }
0x37: {  	[smem:$0x3FB8] =	sst s10  }
0x38: {  	s10 =	sld [smem:$0x3FB9]  }
0x39: {  	_ = 	snop;
	(pc) =	sbr.ind lr, $3  }
0x3a: {  	_ = 	snop  }
0x3b: {  	_ = 	snop  }
0x3c: {  	p2 =	seq.s32 s10, $0x1;
	s10 =	sld [smem:$0x3FB8]  }
0x3d: {  	_ =	shalt  }
0x3e: {  	_ =	shalt  }
0x3f: {  	_ =	shalt  }
0x40: {  	_ =	shalt  }
0x41: {  	_ =	shalt  }
0x42: {  	_ =	shalt  }
0x43: {  	_ =	shalt  }
0x44: {  	_ =	shalt  }
0x45: {  	_ =	shalt  }
0x46: {  	_ =	shalt  }
0x47: {  	_ =	shalt  }
0x48: {  	_ =	shalt  }
0x49: {  	_ =	shalt  }
0x4a: {  	_ =	shalt  }
0x4b: {  	_ =	shalt  }
0x4c: {  	_ =	shalt  }
0x4d: {  	_ =	shalt  }
0x4e: {  	_ =	shalt  }
0x4f: {  	_ =	shalt  }
0x50: {  	_ =	shalt  }
0x51: {  	_ =	shalt  }
0x52: {  	_ =	shalt  }
0x53: {  	_ =	shalt  }
0x54: {  	_ =	shalt  }
0x55: {  	_ =	shalt  }
0x56: {  	_ =	shalt  }
0x57: {  	_ =	shalt  }
0x58: {  	_ =	shalt  }
0x59: {  	_ =	shalt  }
0x5a: {  	_ =	shalt  }
0x5b: {  	_ =	shalt  }
0x5c: {  	_ =	shalt  }
0x5d: {  	_ =	shalt  }
0x5e: {  	_ =	shalt  }
0x5f: {  	_ =	shalt  }
0x60: {  	_ =	shalt  }
0x61: {  	_ =	shalt  }
0x62: {  	_ =	shalt  }
0x63: {  	_ =	shalt  }
0x64: {  	_ =	shalt  }
0x65: {  	_ =	shalt  }
0x66: {  	_ =	shalt  }
0x67: {  	_ =	shalt  }
0x68: {  	_ =	shalt  }
0x69: {  	_ =	shalt  }
0x6a: {  	_ =	shalt  }
0x6b: {  	_ =	shalt  }
0x6c: {  	_ =	shalt  }
0x6d: {  	_ =	shalt  }
0x6e: {  	_ =	shalt  }
0x6f: {  	_ =	shalt  }
0x70: {  	_ =	shalt  }
0x71: {  	_ =	shalt  }
0x72: {  	_ =	shalt  }
0x73: {  	_ =	shalt  }
0x74: {  	_ =	shalt  }
0x75: {  	_ =	shalt  }
0x76: {  	_ =	shalt  }
0x77: {  	_ =	shalt  }
0x78: {  	_ =	shalt  }
0x79: {  	_ =	shalt  }
0x7a: {  	_ =	shalt  }
0x7b: {  	_ =	shalt  }
0x7c: {  	_ =	shalt  }
0x7d: {  	_ =	shalt  }
0x7e: {  	_ =	shalt  }
0x7f: {  	_ =	shalt  }
0x80: {  	_ =	shalt  }
0x81: {  	_ =	shalt  }
0x82: {  	_ =	shalt  }
0x83: {  	_ =	shalt  }
0x84: {  	_ =	shalt  }
0x85: {  	_ =	shalt  }
0x86: {  	_ =	shalt  }
0x87: {  	_ =	shalt  }
.Lfunc_end0:
.L_simem_size_0:
called_computation.1_lowered:
.L_overlay_start_0:
0x88: {  	s2 =	sld [smem:$0x3FD9]  }
0x89: {  	s3 =	sld [smem:$0x3FFE];
	_ =	sdelay $0x1  }
0x8a: {  	s1 =	srdreg.scid  }
0x8b: {  	s0 =	sand.u32 $0x1, s1  }
0x8c: {  	s17 =	sshll.u32 s0, $0xA;
	s2 =	sadd.s32 s3, s2  }
0x8d: {  	s2 =	sadd.s32 s2, s17  }
0x8e: {  	[smem:$0x3FC4] =	sst s2  }
0x8f: {  	_ = 	snop  }
0x90: {  	s2 =	sld [smem:$0x3FD0];
	(tm) =	ssettm $0x1  }
0x91: {  	s18 =	sld [smem:$0x3FFB];
	_ =	sdelay $0x3  }
0x92: {  	_ =	strace s18  }
0x93: {  	s3 =	sld [smem:$0x3FFC];
	_ =	sdelay $0x3  }
0x94: {  	_ =	strace s3  }
0x95: {  	s3 =	sld [smem:$0x3FFD];
	_ =	sdelay $0x3  }
0x96: {  	_ =	strace s3  }
0x97: {  	_ =	strace $0x8FFFFFFF  }
0x98: {  	s19 =	sld [smem:$0x3FDB];
	_ =	sdelay $0x1  }
0x99: {  	s4 =	simm.s32 $_scs_section_size  }
0x9a: {  	s5 =	simm.s32 $_size__tile_overlayer_lowered;
	s6 =	simm.s32 $_tile_overlayer_lowered  }
0x9b: {  	s22 =	simm.s32 $0x1BFF;
	s21 =	sshll.u32 s6, $0x1;
	s3 =	sadd.s32 s4, s19  }
0x9c: {  	s7 =	simm.s32 $0x0;
	s20 =	sshll.u32 s5, $0x1;
	s5 =	sadd.s32 s21, s3  }
0x9d: {  	[timem:s7], [sflag:s22] =	dma.local [hbm:s5], s20  }
0x9e: {  	_ =	swait.ge [sflag:s22], s20  }
0x9f: {  	s4 =	ssub.s32 $0x0, s20;
	[sflag:s22] =	ssyncset.done $0x0  }
0xa0: {  	[sflag:s22] =	ssyncadd.s32 s4;
	_ =	sdelay $0x1  }
0xa1: {  	s23 =	simm.s32 $0x1B8B  }
0xa2: {  	_ =	swait.ge [sflag:s23], $0x1  }
0xa3: {  	[sflag:s23] =	ssyncset.done $0x0  }
0xa4: {  	s25 =	simm.s32 $0x1B8E;
	s24 =	sld [smem:$0x3FFE];
	[sflag:s23] =	ssyncadd.s32 $0xFFFFFFFF  }
0xa5: {  	s26 =	simm.s32 $execute0_lowered;
	[smem:$0x3FD2] =	sst s25  }
0xa6: {  	s5 =	sshll.u32 s26, $0x1;
	_ =	strace $0x80000049;
	[dreg:$0x1] =	wrdreg $0xFFFFFFFF  }
0xa7: {  	s28 =	simm.s32 $_size_execute0_lowered;
	s3 =	sadd.s32 s3, s5;
	[dreg:$0x0] =	wrdreg $0x0  }
0xa8: {  	s5 =	sshll.u32 s28, $0x1;
	[dreg:$0x2] =	wrdreg s3  }
0xa9: {  	[dreg:$0x3] =	wrdreg s5  }
0xaa: {  	[dreg:$0x4] =	wrdreg $0xC0  }
0xab: {  	_ =	task [dreg:s7], $0x5FFFF  }
0xac: {  	[dreg:$0x1] =	wrdreg $0xFFFFFFFF  }
0xad: {  	[dreg:$0x0] =	wrdreg $0x60  }
0xae: {  	[dreg:$0x2] =	wrdreg s2  }
0xaf: {  	[dreg:$0x3] =	wrdreg s24  }
0xb0: {  	[dreg:$0x4] =	wrdreg $0xB8000  }
0xb1: {  	[dreg:$0x5] =	wrdreg $0x9  }
0xb2: {  	_ =	task.clear_ibuf [dreg:s7], $0x6FFFF;
	_ =	strace $0x90000049  }
0xb3: {  	s29 =	simm.s32 $0x9;
	_ =	strace $0x8000004B  }
0xb4: {  	_ =	swait.ge [sflag:s29], $0x1  }
0xb5: {  	[sflag:s29] =	ssyncadd.s32 $0xFFFFFFFF  }
0xb6: {  	_ =	strace $0x9000004B  }
0xb7: {  	_ =	sfence  }
0xb8: {  	s30 =	sld [smem:$0x0];
	_ =	sdelay $0x2  }
0xb9: {  	s31 =	sshll.u32 s1, $0xD;
	s1 =	sshrl.u32 s1, $0x2  }
0xba: {  	s3 =	sand.u32 $0x4000, s31;
	s1 =	sadd.s32 s1, s30  }
0xbb: {  	s0 =	sor.u32 s3, s0;
	s1 =	sshll.u32 s1, $0x11  }
0xbc: {  	s0 =	sor.u32 s1, s0  }
0xbd: {  	s0 =	sadd.s32 $0x8F2B, s0  }
0xbe: {  	[sflag:s0] =	ssyncadd.remote.s32 $0x1  }
0xbf: {  	_ =	sfence.sel $0xFFFF  }
0xc0: {  	[dreg:$0x0] =	wrdreg $0xFFFFFFFF;
	(pc) =	sbr.abs _section_cstart, $3  }
0xc1: {  	[dreg:$0x1] =	wrdreg $0xFFFFFFFF  }
0xc2: {  	_ =	task.clear_ibuf [dreg:s7], $0x2FFFF;
	_ =	strace $0x9FFFFFFF  }
0xc3: {  	(tm) =	ssettm $0x7FFFFFFF  }
tec
execute0_lowered:
.L_overlay_start_1:
0x0: {  	(tag) =	ssettag $0x1  }
0x1: {  	s1 =	rddreg [dreg:$0x0]  }
0x2: {  	s5 =	rddreg [dreg:$0x1]  }
0x3: {  	s3 =	rddreg [dreg:$0x2];
	s2 =	stileid.u32  }
0x4: {  	s4 =	simm.s32 $0x0;
	s7 =	srdreg.scid;
	s6 =	smul.u32 $0x50000, s2  }
0x5: {  	[smem:$0x7FF] =	sst s4;
	s9 =	smul.u32 $0x780, s2  }
0x6: {  	s8 =	sadd.s32 $0xEC00, s5;
	s10 =	sadd.s32 $0x4C00, s5;
	s11 =	smul.u32 $0x1400, s2  }
0x7: {  	s7 =	sand.u32 $0x1, s7;
	s19 =	sadd.s32 $0x18C00, s5;
	s17 =	smul.u32 $0x14000, s2  }
0x8: {  	_ =	strace $0x8000004A;
	s24 =	ssub.s32 $0x2, s7;
	s18 =	smul.u32 $0x140000, s7  }
0x9: {  	p0 =	seq.s32 s7, $0x1;
	s12 =	sshrl.u32 s24, $0x1;
	s6 =	sshrl.u32 s6, $0x2  }
0xa: {  	s11 =	sshrl.u32 s11, $0x3;
	s7 =	sadd.s32 s10, s9;
	s20 =	sadd.s32 $0x4000, s17  }
0xb: {  	s21 =	sadd.s32 $0x8000, s17;
	s23 =	sadd.s32 $0xC000, s17;
	s12 =	ssub.s32 s24, s12  }
0xc: {  	s5 =	sadd.s32 s6, s3;
	s6 =	sadd.s32 s8, s9;
	s13 =	sadd.s32 s18, s17  }
0xd: {  	s25 =	sadd.s32 $0x7800, s11;
	s16 =	sadd.s32 s18, s20;
	s22 =	sadd.s32 s20, s3  }
0xe: {  	s29 =	sadd.s32 s18, s21;
	s24 =	sadd.s32 $0x10000, s17;
	s30 =	sadd.s32 s18, s23  }
0xf: {  	s26 =	sshrl.u32 s13, $0x3;
	s8 =	sadd.s32 s8, s25;
	s9 =	sadd.s32 s10, s25  }
0x10: {  	s11 =	smax.u32 s12, $0x1;
	s12 =	sadd.s32 $0x4000, s5;
	s13 =	sadd.s32 $0x8000, s5  }
0x11: {  	s14 =	sadd.s32 $0xC000, s5;
	s15 =	sadd.s32 $0x10000, s5;
	s16 =	sshrl.u32 s16, $0x3  }
0x12: {  	s20 =	sshrl.u32 s29, $0x3;
	s18 =	sadd.s32 s18, s24;
	s25 =	sadd.s32 s21, s3  }
0x13: {  	s28 =	sadd.s32 s24, s3;
	s21 =	simm.s32 $0x1;
	s22 =	sshrl.u32 s22, $0x3  }
.Ltmp0:
0x14: {  	s10 =	sadd.s32 s19, s26;
	s16 =	sadd.s32 s19, s16;
	(pc) =	sbr.rel .LBB2_1-.Ltmp0, $4  }
0x15: {  	s17 =	sadd.s32 s19, s20;
	s20 =	sshrl.u32 s30, $0x3;
	s31 =	sshrl.u32 s18, $0x3  }
0x16: {  	s26 =	sadd.s32 s23, s3;
	s23 =	sshrl.u32 s25, $0x3;
	s25 =	sshrl.u32 s28, $0x3  }
0x17: {  	s28 =	simm.s32 $0x80;
	s18 =	sadd.s32 s19, s20;
	s19 =	sadd.s32 s19, s31  }
0x18: {  	v0 =	vimm.f32 $0.0e+00;
	s20 =	simm.s32 $0x7800;
	s24 =	sshrl.u32 s26, $0x3;
	s26 =	simm.s32 $0x3C00  }
.LBB2_6:
0x19: {  	s0 =	sshra.s32 s29, $0x2;
	[sflag:s21] =	ssyncadd.s32 $0xFFFFC000  }
0x1a: {  	[tilespmem:s20], [sflag:$0x1] =	stream.indirect.gather [hbm4b:s1+s28], $0x80, s0, s28, $0xb8;
	[tilespmem:$0x1F800] =	vst v63  }
0x1b: {  	_ =	swait.ge [sflag:s21], $0x4000  }
0x1c: {  	[sflag:s21] =	ssyncset.done $0x0  }
0x1d: {  	s0 =	sadd.s32 $0x3C00, s0;
	[sflag:s21] =	ssyncadd.s32 $0xFFFFC000  }
0x1e: {  	[spmem:s3] =	stream.indirect.scatter.add.f32 [tilespmem:s20], [sflag:$0x1], $0x80, s0, s28, $0xb8;
	[tilespmem:$0x1F800] =	vst v63  }
0x1f: {  	_ =	swait.ge [sflag:s21], $0x4000  }
0x20: {  	[sflag:s21] =	ssyncset.done $0x0  }
0x21: {  	[sflag:s21] =	ssyncadd.s32 $0xFFFFC000  }
.LBB2_10:
0x22: {  	s0 =	sshll.u32 s2, $0x6  }
0x23: {  	[bflag:$0x0] =	sbarrier.arrive $0xFFFF;
	s29 =	sshrl.u32 s5, $0x3;
	s0 =	sor.u32 $0x1C01, s0  }
0x24: {  	[hbm:s10], [sflag:s0] =	dma.local [spmem:s29], $0x800  }
0x25: {  	_ =	swait.ge [sflag:s21], $0x800  }
0x26: {  	[sflag:s21] =	ssyncset.done $0x0  }
0x27: {  	[sflag:s21] =	ssyncadd.s32 $0xFFFFF800  }
0x28: {  	[hbm:s16], [sflag:s0] =	dma.local [spmem:s22], $0x800  }
0x29: {  	_ =	swait.ge [sflag:s21], $0x800  }
0x2a: {  	[sflag:s21] =	ssyncset.done $0x0  }
0x2b: {  	[sflag:s21] =	ssyncadd.s32 $0xFFFFF800  }
0x2c: {  	[hbm:s17], [sflag:s0] =	dma.local [spmem:s23], $0x800  }
0x2d: {  	_ =	swait.ge [sflag:s21], $0x800  }
0x2e: {  	[sflag:s21] =	ssyncset.done $0x0  }
0x2f: {  	[sflag:s21] =	ssyncadd.s32 $0xFFFFF800  }
0x30: {  	[hbm:s18], [sflag:s0] =	dma.local [spmem:s24], $0x800  }
0x31: {  	s4 =	sadd.s32 $0x1, s4;
	_ =	swait.ge [sflag:s21], $0x800  }
0x32: {  	p1 =	sne.s32 s4, s11;
	[sflag:s21] =	ssyncset.done $0x0  }
.Ltmp1:
0x33: {  	[sflag:s21] =	ssyncadd.s32 $0xFFFFF800;
	(pc) =	sbr.rel @!p1 .LBB2_11-.Ltmp1, $4  }
0x34: {  	[hbm:s19], [sflag:s0] =	dma.local [spmem:s25], $0x800  }
0x35: {  	_ =	swait.ge [sflag:s21], $0x800  }
0x36: {  	[sflag:s21] =	ssyncset.done $0x0  }
0x37: {  	[sflag:s21] =	ssyncadd.s32 $0xFFFFF800  }
.LBB2_1:
0x38: {  	s29 =	simm.s32 $0x0;
	s30 =	simm.s32 $0x200  }
.LBB2_2:
0x39: {  	p1 =	sne.s32 s30, $0xFE00;
	[tilespmem:s29+$0x7870] =	vst v0  }
0x3a: {  	[tilespmem:s29+$0x7800] =	vst v0  }
0x3b: {  	[tilespmem:s29+$0x7810] =	vst v0  }
.Ltmp2:
0x3c: {  	[tilespmem:s29+$0x7820] =	vst v0;
	(pc) =	sbr.rel @p1 .LBB2_2-.Ltmp2, $4  }
0x3d: {  	[tilespmem:s29+$0x7830] =	vst v0  }
0x3e: {  	[tilespmem:s29+$0x7840] =	vst v0  }
0x3f: {  	[tilespmem:s29+$0x7850] =	vst v0  }
0x40: {  	[tilespmem:s29+$0x7860] =	vst v0;
	s29 =	sshra.s32 s30, $0x2;
	s30 =	sadd.s32 $0x200, s30  }
0x41: {  	[tilespmem:s29+$0x7870] =	vst v0  }
0x42: {  	[tilespmem:s29+$0x7800] =	vst v0  }
0x43: {  	[tilespmem:s29+$0x7810] =	vst v0  }
0x44: {  	[tilespmem:s29+$0x7820] =	vst v0  }
0x45: {  	[tilespmem:s29+$0x7830] =	vst v0  }
0x46: {  	[tilespmem:s29+$0x7840] =	vst v0  }
0x47: {  	[tilespmem:s29+$0x7850] =	vst v0  }
0x48: {  	[tilespmem:s29+$0x7860] =	vst v0  }
0x49: {  	[spmem:s5] =	stream.linear.scatter [tilespmem:s20], [sflag:$0x1], $0x4000, $0x38;
	[tilespmem:$0x1F800] =	vst v63  }
0x4a: {  	_ =	swait.ge [sflag:s21], $0x4000  }
0x4b: {  	[sflag:s21] =	ssyncset.done $0x0  }
0x4c: {  	[sflag:s21] =	ssyncadd.s32 $0xFFFFC000  }
0x4d: {  	[spmem:s12] =	stream.linear.scatter [tilespmem:s20], [sflag:$0x1], $0x4000, $0x38;
	[tilespmem:$0x1F800] =	vst v63  }
0x4e: {  	_ =	swait.ge [sflag:s21], $0x4000  }
0x4f: {  	[sflag:s21] =	ssyncset.done $0x0  }
0x50: {  	[sflag:s21] =	ssyncadd.s32 $0xFFFFC000  }
0x51: {  	[spmem:s13] =	stream.linear.scatter [tilespmem:s20], [sflag:$0x1], $0x4000, $0x38;
	[tilespmem:$0x1F800] =	vst v63  }
0x52: {  	_ =	swait.ge [sflag:s21], $0x4000  }
0x53: {  	[sflag:s21] =	ssyncset.done $0x0  }
0x54: {  	[sflag:s21] =	ssyncadd.s32 $0xFFFFC000  }
0x55: {  	[spmem:s14] =	stream.linear.scatter [tilespmem:s20], [sflag:$0x1], $0x4000, $0x38;
	[tilespmem:$0x1F800] =	vst v63  }
0x56: {  	_ =	swait.ge [sflag:s21], $0x4000  }
0x57: {  	[sflag:s21] =	ssyncset.done $0x0  }
0x58: {  	[sflag:s21] =	ssyncadd.s32 $0xFFFFC000  }
0x59: {  	[spmem:s15] =	stream.linear.scatter [tilespmem:s20], [sflag:$0x1], $0x4000, $0x38;
	[tilespmem:$0x1F800] =	vst v63  }
.Ltmp3:
0x5a: {  	_ =	swait.ge [sflag:s21], $0x4000;
	(pc) =	sbr.rel @!p0 .LBB2_4-.Ltmp3, $3  }
0x5b: {  	[sflag:s21] =	ssyncset.done $0x0  }
0x5c: {  	[sflag:s21] =	ssyncadd.s32 $0xFFFFC000  }
0x5d: {  	[bflag:$0x0] =	sbarrier.arrive $0xFFFF;
	_ =	sdelay $0x1  }
0x5e: {  	s0 =	simm.s32 $0x0  }
0x5f: {  	[tilespmem:s0], [sflag:$0x1] =	stream.linear.gather [hbm4b:s8+s0], $0x1400, $0x38;
	[tilespmem:$0x1F800] =	vst v63  }
0x60: {  	_ =	swait.ge [sflag:s21], $0x1400  }
0x61: {  	[sflag:s21] =	ssyncset.done $0x0  }
0x62: {  	[sflag:s21] =	ssyncadd.s32 $0xFFFFEC00  }
0x63: {  	[tilespmem:s26], [sflag:$0x1] =	stream.linear.gather [hbm4b:s9+s0], $0x1400, $0x38;
	[tilespmem:$0x1F800] =	vst v63  }
0x64: {  	_ =	swait.ge [sflag:s21], $0x1400  }
0x65: {  	[sflag:s21] =	ssyncset.done $0x0  }
0x66: {  	s31 =	simm.s32 $0x0;
	[sflag:s21] =	ssyncadd.s32 $0xFFFFEC00  }
0x67: {  	[tilespmem:s20], [sflag:$0x1] =	stream.indirect.gather [hbm4b:s1+s28], $0x80, s31, s28, $0xb8;
	[tilespmem:$0x1F800] =	vst v63  }
0x68: {  	_ =	swait.ge [sflag:s21], $0x4000  }
0x69: {  	[sflag:s21] =	ssyncset.done $0x0  }
0x6a: {  	s31 =	simm.s32 $0x3C00;
	[sflag:s21] =	ssyncadd.s32 $0xFFFFC000  }
0x6b: {  	[spmem:s3] =	stream.indirect.scatter.add.f32 [tilespmem:s20], [sflag:$0x1], $0x80, s31, s28, $0xb8;
	[tilespmem:$0x1F800] =	vst v63  }
0x6c: {  	_ =	swait.ge [sflag:s21], $0x4000  }
0x6d: {  	s29 =	simm.s32 $0x200;
	s30 =	simm.s32 $0x400;
	[sflag:s21] =	ssyncset.done $0x0  }
.LBB2_8:
0x6e: {  	s0 =	sshra.s32 s29, $0x2  }
0x6f: {  	[sflag:s21] =	ssyncadd.s32 $0xFFFFC000;
	s29 =	smov.u32 s30;
	s31 =	sadd.s32 $0x200, s30  }
0x70: {  	[tilespmem:s20], [sflag:$0x1] =	stream.indirect.gather [hbm4b:s1+s28], $0x80, s0, s28, $0xb8;
	[tilespmem:$0x1F800] =	vst v63  }
0x71: {  	p1 =	sne.s32 s30, $0x4E00;
	_ =	swait.ge [sflag:s21], $0x4000  }
.Ltmp4:
0x72: {  	[sflag:s21] =	ssyncset.done $0x0;
	(pc) =	sbr.rel @p1 .LBB2_8-.Ltmp4, $4  }
0x73: {  	s0 =	sadd.s32 $0x3C00, s0;
	[sflag:s21] =	ssyncadd.s32 $0xFFFFC000  }
0x74: {  	[spmem:s3] =	stream.indirect.scatter.add.f32 [tilespmem:s20], [sflag:$0x1], $0x80, s0, s28, $0xb8;
	[tilespmem:$0x1F800] =	vst v63  }
0x75: {  	_ =	swait.ge [sflag:s21], $0x4000  }
0x76: {  	s30 =	smov.u32 s31;
	[sflag:s21] =	ssyncset.done $0x0  }
0x77: {  	s0 =	sshra.s32 s29, $0x2;
	[sflag:s21] =	ssyncadd.s32 $0xFFFFC000  }
0x78: {  	[tilespmem:s20], [sflag:$0x1] =	stream.indirect.gather [hbm4b:s1+s28], $0x80, s0, s28, $0xb8;
	[tilespmem:$0x1F800] =	vst v63  }
0x79: {  	_ =	swait.ge [sflag:s21], $0x4000  }
0x7a: {  	[sflag:s21] =	ssyncset.done $0x0  }
.Ltmp5:
0x7b: {  	s0 =	sadd.s32 $0x3C00, s0;
	[sflag:s21] =	ssyncadd.s32 $0xFFFFC000;
	(pc) =	sbr.rel .LBB2_10-.Ltmp5, $4  }
0x7c: {  	[spmem:s3] =	stream.indirect.scatter.add.f32 [tilespmem:s20], [sflag:$0x1], $0x80, s0, s28, $0xb8;
	[tilespmem:$0x1F800] =	vst v63  }
0x7d: {  	_ =	swait.ge [sflag:s21], $0x4000  }
0x7e: {  	[sflag:s21] =	ssyncset.done $0x0  }
0x7f: {  	[sflag:s21] =	ssyncadd.s32 $0xFFFFC000  }
.LBB2_4:
0x80: {  	s29 =	simm.s32 $0x0  }
0x81: {  	[tilespmem:s29], [sflag:$0x1] =	stream.linear.gather [hbm4b:s6+s29], $0x3C00, $0x38;
	[tilespmem:$0x1F800] =	vst v63  }
0x82: {  	_ =	swait.ge [sflag:s21], $0x3C00  }
0x83: {  	[sflag:s21] =	ssyncset.done $0x0  }
0x84: {  	[sflag:s21] =	ssyncadd.s32 $0xFFFFC400  }
0x85: {  	[tilespmem:s26], [sflag:$0x1] =	stream.linear.gather [hbm4b:s7+s29], $0x3C00, $0x38;
	[tilespmem:$0x1F800] =	vst v63  }
0x86: {  	_ =	swait.ge [sflag:s21], $0x3C00  }
0x87: {  	[sflag:s21] =	ssyncset.done $0x0  }
0x88: {  	s29 =	simm.s32 $0x0;
	[sflag:s21] =	ssyncadd.s32 $0xFFFFC400  }
0x89: {  	[tilespmem:s20], [sflag:$0x1] =	stream.indirect.gather [hbm4b:s1+s28], $0x80, s29, s28, $0xb8;
	[tilespmem:$0x1F800] =	vst v63  }
0x8a: {  	_ =	swait.ge [sflag:s21], $0x4000  }
0x8b: {  	[sflag:s21] =	ssyncset.done $0x0  }
0x8c: {  	s29 =	simm.s32 $0x3C00;
	[sflag:s21] =	ssyncadd.s32 $0xFFFFC000  }
0x8d: {  	[spmem:s3] =	stream.indirect.scatter.add.f32 [tilespmem:s20], [sflag:$0x1], $0x80, s29, s28, $0xb8;
	[tilespmem:$0x1F800] =	vst v63  }
0x8e: {  	_ =	swait.ge [sflag:s21], $0x4000  }
0x8f: {  	s30 =	simm.s32 $0x400;
	s29 =	simm.s32 $0x200;
	[sflag:s21] =	ssyncset.done $0x0  }
.LBB2_5:
0x90: {  	s31 =	sshra.s32 s29, $0x2  }
0x91: {  	[sflag:s21] =	ssyncadd.s32 $0xFFFFC000;
	s29 =	smov.u32 s30;
	s0 =	sadd.s32 $0x200, s30  }
0x92: {  	[tilespmem:s20], [sflag:$0x1] =	stream.indirect.gather [hbm4b:s1+s28], $0x80, s31, s28, $0xb8;
	[tilespmem:$0x1F800] =	vst v63  }
0x93: {  	p1 =	seq.s32 s30, $0xEE00;
	_ =	swait.ge [sflag:s21], $0x4000  }
.Ltmp6:
0x94: {  	[sflag:s21] =	ssyncset.done $0x0;
	(pc) =	sbr.rel @!p1 .LBB2_5-.Ltmp6, $4  }
0x95: {  	s30 =	sadd.s32 $0x3C00, s31;
	[sflag:s21] =	ssyncadd.s32 $0xFFFFC000  }
0x96: {  	[spmem:s3] =	stream.indirect.scatter.add.f32 [tilespmem:s20], [sflag:$0x1], $0x80, s30, s28, $0xb8;
	[tilespmem:$0x1F800] =	vst v63  }
0x97: {  	_ =	swait.ge [sflag:s21], $0x4000  }
0x98: {  	s30 =	smov.u32 s0;
	[sflag:s21] =	ssyncset.done $0x0  }
.Ltmp7:
0x99: {  	_ = 	snop;
	(pc) =	sbr.rel .LBB2_6-.Ltmp7, $1  }
0x9a: {  	_ =	sdelay $0x3  }
.LBB2_11:
0x9b: {  	_ =	sfence.sel $0x180000  }
0x9c: {  	[bflag:$0x0] =	sbarrier.arrive $0xFFFF  }
0x9d: {  	_ =	strace $0x9000004A  }
0x9e: {  	[bflag:$0x2] =	sbarrier.arrive $0xFFFF  }
0x9f: {  	p0 =	sne.s32 s2, $0x0;
	s0 =	rddreg [dreg:$0x3]  }
0xa0: {  	s0 =	sadd.s32 @!p0 $0x100000, s0  }
0xa1: {  	[sflag:s0] =	ssyncadd.tile.s32 @!p0 $0x1;
	_ =	shalt  }
.Lfunc_end2:
_tile_overlayer_lowered:
.L_overlay_start_2:
0xa2: {  	(tag) =	ssettag $0x2  }
0xa3: {  	s0 =	rddreg [dreg:$0x0];
	s2 =	stileid.u32  }
0xa4: {  	s1 =	rddreg [dreg:$0x1];
	p0 =	sne.s32 s2, $0x0  }
0xa5: {  	s3 =	rddreg [dreg:$0x2];
	[bflag:$0x3] =	sbarrier.arrive $0xFFFF;
	s2 =	simm.s32 @!p0 $0x1C01  }
0xa6: {  	[timem:s3], [sflag:s2] =	dma.local @!p0 [hbm:s0], s1  }
0xa7: {  	s0 =	simm.s32 @!p0 $0x1  }
0xa8: {  	_ =	swait.ge @!p0 [sflag:s0], s1  }
0xa9: {  	s1 =	ssub.s32 @!p0 $0x0, s1;
	[sflag:s0] =	ssyncset.done @!p0 $0x0  }
0xaa: {  	[sflag:s0] =	ssyncadd.s32 @!p0 s1  }
0xab: {  	[bflag:$0x3] =	sbarrier.arrive $0xFFFF  }
0xac: {  	_ =	shalt  }

// kernel: kernel.18.cloned.1.call-start
scs
__scs_entry_jumppad:
0x0: {  	(pc) =	sbr.rel $0x88, $3  }
0x1: {  	(tag) =	ssettag $0x0;
	lr =	simm.s32 $0x1  }
0x2: {  	[smem:$0x3F9D] =	sst lr;
	_ =	strace $0xD0000000  }
0x3: {  	_ = 	snop  }
0x4: {  	_ = 	snop  }
0x5: {  	_ = 	snop  }
0x6: {  	_ = 	snop  }
0x7: {  	_ = 	snop  }
__scs_overlays_trampoline_lowered:
0x8: {  	[smem:$0x3FAC] =	sst s0  }
0x9: {  	[smem:$0x3FAD] =	sst s1  }
0xa: {  	[smem:$0x3FAE] =	sst s2  }
0xb: {  	[smem:$0x3FAF] =	sst s3  }
0xc: {  	[smem:$0x3FB0] =	sst s4  }
0xd: {  	[smem:$0x3FB1] =	sst s5  }
0xe: {  	[smem:$0x3FB2] =	sst s6  }
0xf: {  	[smem:$0x3FB3] =	sst s7  }
0x10: {  	[smem:$0x3FB4] =	sst s8  }
0x11: {  	[smem:$0x3FB5] =	sst s9;
	s0 =	simm.s32 @!p0 $0x0  }
0x12: {  	s1 =	sld [smem:$0x3F9B];
	s0 =	simm.s32 @p0 $0x1  }
0x13: {  	[smem:$0x3FB6] =	sst s0;
	s0 =	simm.s32 @!p1 $0x0  }
0x14: {  	s2 =	sld [smem:$0x3F9A];
	s0 =	simm.s32 @p1 $0x1  }
0x15: {  	[smem:$0x3FB7] =	sst s0;
	s0 =	simm.s32 @!p2 $0x0  }
0x16: {  	s3 =	sld [smem:$0x3FDB];
	s0 =	simm.s32 @p2 $0x1  }
0x17: {  	s4 =	simm.s32 $0x1BF5;
	[smem:$0x3FB9] =	sst s0  }
0x18: {  	s0 =	sld [smem:$0x3F9C];
	_ =	swait.ge [sflag:s4], $0x0  }
0x19: {  	s7 =	sld [smem:$0x3F9D]  }
0x1a: {  	s8 =	sadd.s32 $0xFFFFE003, lr  }
0x1b: {  	s9 =	sadd.s32 $0xFFFFFEF7, lr;
	s5 =	simm.s32 $0xFFFFFFFF;
	p2 =	slt.u32 s8, $0xFFFFF086  }
0x1c: {  	p1 =	slt.u32 s9, $0xF7A;
	s5 =	simm.s32 @!p2 $0x0  }
0x1d: {  	s5 =	simm.s32 @p1 $0x1;
	p0 =	seq.s32 s7, s2  }
0x1e: {  	s7 =	smul.u32 @!p0 $0xF7A, s2;
	p2 =	seq.s32 @!p0 s5, $0x0  }
0x1f: {  	s9 =	smul.u32 $0xF7A, s1;
	s8 =	simm.s32 @!p0 $0x1BF5;
	p2 =	por !p2, p0  }
0x20: {  	[sflag:s8] =	ssyncset.s32 @!p0 $0xFFFFF086;
	s6 =	sadd.s32 @!p0 s3, s7;
	s7 =	simm.s32 @!p0 $0x108  }
0x21: {  	s3 =	sadd.s32 s3, s9;
	s6 =	sadd.s32 @!p0 $0x88, s6;
	s7 =	simm.s32 @p2 $0x1082  }
0x22: {  	[simem:s7], [sflag:s8] =	dma.local @!p0 [hbm:s6], $0xF7A  }
0x23: {  	s9 =	sor.u32 $0xD0000000, s2;
	s6 =	simm.s32 $0x108;
	_ =	swait.ge @!p0 [sflag:s8], $0x0  }
0x24: {  	s3 =	sadd.s32 $0x88, s3;
	s6 =	simm.s32 @!p1 $0x1082;
	[sflag:s4] =	ssyncset.s32 $0xFFFFF086  }
0x25: {  	[simem:s6], [sflag:s4] =	dma.local [hbm:s3], $0xF7A  }
0x26: {  	[smem:$0x3F9D] =	sst s1;
	(tag) =	ssettag s2;
	_ =	strace s9  }
0x27: {  	s1 =	sld [smem:$0x3FAD]  }
0x28: {  	s2 =	sld [smem:$0x3FAE]  }
0x29: {  	s4 =	sld [smem:$0x3FB0]  }
0x2a: {  	p0 =	seq.s32 s5, $0x0;
	s5 =	sld [smem:$0x3FB1]  }
0x2b: {  	s6 =	sld [smem:$0x3FB2]  }
0x2c: {  	s7 =	sld [smem:$0x3FB3]  }
0x2d: {  	s3 =	simm.s32 $0x108;
	s8 =	sld [smem:$0x3FB4]  }
0x2e: {  	s3 =	simm.s32 @!p0 $0x1082;
	s9 =	sld [smem:$0x3FB5]  }
0x2f: {  	lr =	sadd.s32 s0, s3;
	s0 =	sld [smem:$0x3FAC]  }
0x30: {  	s3 =	sld [smem:$0x3FAF]  }
0x31: {  	[smem:$0x3FB8] =	sst s10  }
0x32: {  	s10 =	sld [smem:$0x3FB6];
	_ =	sdelay $0x3  }
0x33: {  	p0 =	seq.s32 s10, $0x1;
	s10 =	sld [smem:$0x3FB8];
	_ =	sdelay $0x3  }
0x34: {  	[smem:$0x3FB8] =	sst s10  }
0x35: {  	s10 =	sld [smem:$0x3FB7];
	_ =	sdelay $0x3  }
0x36: {  	p1 =	seq.s32 s10, $0x1;
	s10 =	sld [smem:$0x3FB8];
	_ =	sdelay $0x3  }
0x37: {  	[smem:$0x3FB8] =	sst s10  }
0x38: {  	s10 =	sld [smem:$0x3FB9]  }
0x39: {  	_ = 	snop;
	(pc) =	sbr.ind lr, $3  }
0x3a: {  	_ = 	snop  }
0x3b: {  	_ = 	snop  }
0x3c: {  	p2 =	seq.s32 s10, $0x1;
	s10 =	sld [smem:$0x3FB8]  }
0x3d: {  	_ =	shalt  }
0x3e: {  	_ =	shalt  }
0x3f: {  	_ =	shalt  }
0x40: {  	_ =	shalt  }
0x41: {  	_ =	shalt  }
0x42: {  	_ =	shalt  }
0x43: {  	_ =	shalt  }
0x44: {  	_ =	shalt  }
0x45: {  	_ =	shalt  }
0x46: {  	_ =	shalt  }
0x47: {  	_ =	shalt  }
0x48: {  	_ =	shalt  }
0x49: {  	_ =	shalt  }
0x4a: {  	_ =	shalt  }
0x4b: {  	_ =	shalt  }
0x4c: {  	_ =	shalt  }
0x4d: {  	_ =	shalt  }
0x4e: {  	_ =	shalt  }
0x4f: {  	_ =	shalt  }
0x50: {  	_ =	shalt  }
0x51: {  	_ =	shalt  }
0x52: {  	_ =	shalt  }
0x53: {  	_ =	shalt  }
0x54: {  	_ =	shalt  }
0x55: {  	_ =	shalt  }
0x56: {  	_ =	shalt  }
0x57: {  	_ =	shalt  }
0x58: {  	_ =	shalt  }
0x59: {  	_ =	shalt  }
0x5a: {  	_ =	shalt  }
0x5b: {  	_ =	shalt  }
0x5c: {  	_ =	shalt  }
0x5d: {  	_ =	shalt  }
0x5e: {  	_ =	shalt  }
0x5f: {  	_ =	shalt  }
0x60: {  	_ =	shalt  }
0x61: {  	_ =	shalt  }
0x62: {  	_ =	shalt  }
0x63: {  	_ =	shalt  }
0x64: {  	_ =	shalt  }
0x65: {  	_ =	shalt  }
0x66: {  	_ =	shalt  }
0x67: {  	_ =	shalt  }
0x68: {  	_ =	shalt  }
0x69: {  	_ =	shalt  }
0x6a: {  	_ =	shalt  }
0x6b: {  	_ =	shalt  }
0x6c: {  	_ =	shalt  }
0x6d: {  	_ =	shalt  }
0x6e: {  	_ =	shalt  }
0x6f: {  	_ =	shalt  }
0x70: {  	_ =	shalt  }
0x71: {  	_ =	shalt  }
0x72: {  	_ =	shalt  }
0x73: {  	_ =	shalt  }
0x74: {  	_ =	shalt  }
0x75: {  	_ =	shalt  }
0x76: {  	_ =	shalt  }
0x77: {  	_ =	shalt  }
0x78: {  	_ =	shalt  }
0x79: {  	_ =	shalt  }
0x7a: {  	_ =	shalt  }
0x7b: {  	_ =	shalt  }
0x7c: {  	_ =	shalt  }
0x7d: {  	_ =	shalt  }
0x7e: {  	_ =	shalt  }
0x7f: {  	_ =	shalt  }
0x80: {  	_ =	shalt  }
0x81: {  	_ =	shalt  }
0x82: {  	_ =	shalt  }
0x83: {  	_ =	shalt  }
0x84: {  	_ =	shalt  }
0x85: {  	_ =	shalt  }
0x86: {  	_ =	shalt  }
0x87: {  	_ =	shalt  }
.Lfunc_end0:
.L_simem_size_0:
called_computation.2_lowered:
.L_overlay_start_0:
0x88: {  	s2 =	sld [smem:$0x3FD9]  }
0x89: {  	s3 =	sld [smem:$0x3FFE];
	_ =	sdelay $0x1  }
0x8a: {  	s1 =	srdreg.scid  }
0x8b: {  	s0 =	sand.u32 $0x1, s1  }
0x8c: {  	s17 =	sshll.u32 s0, $0xA;
	s2 =	sadd.s32 s3, s2  }
0x8d: {  	s2 =	sadd.s32 s2, s17  }
0x8e: {  	[smem:$0x3FC4] =	sst s2  }
0x8f: {  	_ = 	snop  }
0x90: {  	s2 =	sld [smem:$0x3FD0];
	(tm) =	ssettm $0x1  }
0x91: {  	s18 =	sld [smem:$0x3FFB];
	_ =	sdelay $0x3  }
0x92: {  	_ =	strace s18  }
0x93: {  	s3 =	sld [smem:$0x3FFC];
	_ =	sdelay $0x3  }
0x94: {  	_ =	strace s3  }
0x95: {  	s3 =	sld [smem:$0x3FFD];
	_ =	sdelay $0x3  }
0x96: {  	_ =	strace s3  }
0x97: {  	_ =	strace $0x8FFFFFFF  }
0x98: {  	s19 =	sld [smem:$0x3FDB];
	_ =	sdelay $0x1  }
0x99: {  	s4 =	simm.s32 $_scs_section_size  }
0x9a: {  	s5 =	simm.s32 $_size__tile_overlayer_lowered;
	s6 =	simm.s32 $_tile_overlayer_lowered  }
0x9b: {  	s22 =	simm.s32 $0x1BFF;
	s21 =	sshll.u32 s6, $0x1;
	s3 =	sadd.s32 s4, s19  }
0x9c: {  	s7 =	simm.s32 $0x0;
	s20 =	sshll.u32 s5, $0x1;
	s5 =	sadd.s32 s21, s3  }
0x9d: {  	[timem:s7], [sflag:s22] =	dma.local [hbm:s5], s20  }
0x9e: {  	_ =	swait.ge [sflag:s22], s20  }
0x9f: {  	s4 =	ssub.s32 $0x0, s20;
	[sflag:s22] =	ssyncset.done $0x0  }
0xa0: {  	[sflag:s22] =	ssyncadd.s32 s4;
	_ =	sdelay $0x1  }
0xa1: {  	s23 =	simm.s32 $0x1B8B  }
0xa2: {  	_ =	swait.ge [sflag:s23], $0x1  }
0xa3: {  	[sflag:s23] =	ssyncset.done $0x0  }
0xa4: {  	s25 =	simm.s32 $0x1B8E;
	s24 =	sld [smem:$0x3FFE];
	[sflag:s23] =	ssyncadd.s32 $0xFFFFFFFF  }
0xa5: {  	s26 =	simm.s32 $execute0_lowered;
	[smem:$0x3FD2] =	sst s25  }
0xa6: {  	s5 =	sshll.u32 s26, $0x1;
	_ =	strace $0x8000004C;
	[dreg:$0x1] =	wrdreg $0xFFFFFFFF  }
0xa7: {  	s28 =	simm.s32 $_size_execute0_lowered;
	s3 =	sadd.s32 s3, s5;
	[dreg:$0x0] =	wrdreg $0x0  }
0xa8: {  	s5 =	sshll.u32 s28, $0x1;
	[dreg:$0x2] =	wrdreg s3  }
0xa9: {  	[dreg:$0x3] =	wrdreg s5  }
0xaa: {  	[dreg:$0x4] =	wrdreg $0xC0  }
0xab: {  	_ =	task [dreg:s7], $0x5FFFF  }
0xac: {  	[dreg:$0x1] =	wrdreg $0xFFFFFFFF  }
0xad: {  	[dreg:$0x0] =	wrdreg $0x60  }
0xae: {  	[dreg:$0x2] =	wrdreg s2  }
0xaf: {  	[dreg:$0x3] =	wrdreg s24  }
0xb0: {  	[dreg:$0x4] =	wrdreg $0xB8000  }
0xb1: {  	[dreg:$0x5] =	wrdreg $0x9  }
0xb2: {  	_ =	task.clear_ibuf [dreg:s7], $0x6FFFF;
	_ =	strace $0x9000004C  }
0xb3: {  	s29 =	simm.s32 $0x9;
	_ =	strace $0x8000004E  }
0xb4: {  	_ =	swait.ge [sflag:s29], $0x1  }
0xb5: {  	[sflag:s29] =	ssyncadd.s32 $0xFFFFFFFF  }
0xb6: {  	_ =	strace $0x9000004E  }
0xb7: {  	_ =	sfence  }
0xb8: {  	s30 =	sld [smem:$0x0];
	_ =	sdelay $0x2  }
0xb9: {  	s31 =	sshll.u32 s1, $0xD;
	s1 =	sshrl.u32 s1, $0x2  }
0xba: {  	s3 =	sand.u32 $0x4000, s31;
	s1 =	sadd.s32 s1, s30  }
0xbb: {  	s0 =	sor.u32 s3, s0;
	s1 =	sshll.u32 s1, $0x11  }
0xbc: {  	s0 =	sor.u32 s1, s0  }
0xbd: {  	s0 =	sadd.s32 $0x8F2B, s0  }
0xbe: {  	[sflag:s0] =	ssyncadd.remote.s32 $0x1  }
0xbf: {  	_ =	sfence.sel $0xFFFF  }
0xc0: {  	[dreg:$0x0] =	wrdreg $0xFFFFFFFF;
	(pc) =	sbr.abs _section_cstart, $3  }
0xc1: {  	[dreg:$0x1] =	wrdreg $0xFFFFFFFF  }
0xc2: {  	_ =	task.clear_ibuf [dreg:s7], $0x2FFFF;
	_ =	strace $0x9FFFFFFF  }
0xc3: {  	(tm) =	ssettm $0x7FFFFFFF  }
tec
execute0_lowered:
.L_overlay_start_1:
0x0: {  	(tag) =	ssettag $0x1  }
0x1: {  	s1 =	rddreg [dreg:$0x0]  }
0x2: {  	s5 =	rddreg [dreg:$0x1]  }
0x3: {  	s3 =	rddreg [dreg:$0x2];
	s2 =	stileid.u32  }
0x4: {  	s4 =	simm.s32 $0x0;
	s7 =	srdreg.scid;
	s6 =	smul.u32 $0x50000, s2  }
0x5: {  	[smem:$0x7FF] =	sst s4;
	s9 =	smul.u32 $0x780, s2  }
0x6: {  	s8 =	sadd.s32 $0xEC00, s5;
	s10 =	sadd.s32 $0x4C00, s5;
	s11 =	smul.u32 $0x1400, s2  }
0x7: {  	s7 =	sand.u32 $0x1, s7;
	s19 =	sadd.s32 $0x18C00, s5;
	s17 =	smul.u32 $0x14000, s2  }
0x8: {  	_ =	strace $0x8000004D;
	s24 =	ssub.s32 $0x2, s7;
	s18 =	smul.u32 $0x140000, s7  }
0x9: {  	p0 =	seq.s32 s7, $0x1;
	s12 =	sshrl.u32 s24, $0x1;
	s6 =	sshrl.u32 s6, $0x2  }
0xa: {  	s11 =	sshrl.u32 s11, $0x3;
	s7 =	sadd.s32 s10, s9;
	s20 =	sadd.s32 $0x4000, s17  }
0xb: {  	s21 =	sadd.s32 $0x8000, s17;
	s23 =	sadd.s32 $0xC000, s17;
	s12 =	ssub.s32 s24, s12  }
0xc: {  	s5 =	sadd.s32 s6, s3;
	s6 =	sadd.s32 s8, s9;
	s13 =	sadd.s32 s18, s17  }
0xd: {  	s25 =	sadd.s32 $0x7800, s11;
	s16 =	sadd.s32 s18, s20;
	s22 =	sadd.s32 s20, s3  }
0xe: {  	s29 =	sadd.s32 s18, s21;
	s24 =	sadd.s32 $0x10000, s17;
	s30 =	sadd.s32 s18, s23  }
0xf: {  	s26 =	sshrl.u32 s13, $0x3;
	s8 =	sadd.s32 s8, s25;
	s9 =	sadd.s32 s10, s25  }
0x10: {  	s11 =	smax.u32 s12, $0x1;
	s12 =	sadd.s32 $0x4000, s5;
	s13 =	sadd.s32 $0x8000, s5  }
0x11: {  	s14 =	sadd.s32 $0xC000, s5;
	s15 =	sadd.s32 $0x10000, s5;
	s16 =	sshrl.u32 s16, $0x3  }
0x12: {  	s20 =	sshrl.u32 s29, $0x3;
	s18 =	sadd.s32 s18, s24;
	s25 =	sadd.s32 s21, s3  }
0x13: {  	s28 =	sadd.s32 s24, s3;
	s21 =	simm.s32 $0x1;
	s22 =	sshrl.u32 s22, $0x3  }
.Ltmp0:
0x14: {  	s10 =	sadd.s32 s19, s26;
	s16 =	sadd.s32 s19, s16;
	(pc) =	sbr.rel .LBB2_1-.Ltmp0, $4  }
0x15: {  	s17 =	sadd.s32 s19, s20;
	s20 =	sshrl.u32 s30, $0x3;
	s31 =	sshrl.u32 s18, $0x3  }
0x16: {  	s26 =	sadd.s32 s23, s3;
	s23 =	sshrl.u32 s25, $0x3;
	s25 =	sshrl.u32 s28, $0x3  }
0x17: {  	s28 =	simm.s32 $0x80;
	s18 =	sadd.s32 s19, s20;
	s19 =	sadd.s32 s19, s31  }
0x18: {  	v0 =	vimm.f32 $0.0e+00;
	s20 =	simm.s32 $0x7800;
	s24 =	sshrl.u32 s26, $0x3;
	s26 =	simm.s32 $0x3C00  }
.LBB2_6:
0x19: {  	s0 =	sshra.s32 s29, $0x2;
	[sflag:s21] =	ssyncadd.s32 $0xFFFFC000  }
0x1a: {  	[tilespmem:s20], [sflag:$0x1] =	stream.indirect.gather [hbm4b:s1+s28], $0x80, s0, s28, $0xb8;
	[tilespmem:$0x1F800] =	vst v63  }
0x1b: {  	_ =	swait.ge [sflag:s21], $0x4000  }
0x1c: {  	[sflag:s21] =	ssyncset.done $0x0  }
0x1d: {  	s0 =	sadd.s32 $0x3C00, s0;
	[sflag:s21] =	ssyncadd.s32 $0xFFFFC000  }
0x1e: {  	[spmem:s3] =	stream.indirect.scatter.add.f32 [tilespmem:s20], [sflag:$0x1], $0x80, s0, s28, $0xb8;
	[tilespmem:$0x1F800] =	vst v63  }
0x1f: {  	_ =	swait.ge [sflag:s21], $0x4000  }
0x20: {  	[sflag:s21] =	ssyncset.done $0x0  }
0x21: {  	[sflag:s21] =	ssyncadd.s32 $0xFFFFC000  }
.LBB2_10:
0x22: {  	s0 =	sshll.u32 s2, $0x6  }
0x23: {  	[bflag:$0x0] =	sbarrier.arrive $0xFFFF;
	s29 =	sshrl.u32 s5, $0x3;
	s0 =	sor.u32 $0x1C01, s0  }
0x24: {  	[hbm:s10], [sflag:s0] =	dma.local [spmem:s29], $0x800  }
0x25: {  	_ =	swait.ge [sflag:s21], $0x800  }
0x26: {  	[sflag:s21] =	ssyncset.done $0x0  }
0x27: {  	[sflag:s21] =	ssyncadd.s32 $0xFFFFF800  }
0x28: {  	[hbm:s16], [sflag:s0] =	dma.local [spmem:s22], $0x800  }
0x29: {  	_ =	swait.ge [sflag:s21], $0x800  }
0x2a: {  	[sflag:s21] =	ssyncset.done $0x0  }
0x2b: {  	[sflag:s21] =	ssyncadd.s32 $0xFFFFF800  }
0x2c: {  	[hbm:s17], [sflag:s0] =	dma.local [spmem:s23], $0x800  }
0x2d: {  	_ =	swait.ge [sflag:s21], $0x800  }
0x2e: {  	[sflag:s21] =	ssyncset.done $0x0  }
0x2f: {  	[sflag:s21] =	ssyncadd.s32 $0xFFFFF800  }
0x30: {  	[hbm:s18], [sflag:s0] =	dma.local [spmem:s24], $0x800  }
0x31: {  	s4 =	sadd.s32 $0x1, s4;
	_ =	swait.ge [sflag:s21], $0x800  }
0x32: {  	p1 =	sne.s32 s4, s11;
	[sflag:s21] =	ssyncset.done $0x0  }
.Ltmp1:
0x33: {  	[sflag:s21] =	ssyncadd.s32 $0xFFFFF800;
	(pc) =	sbr.rel @!p1 .LBB2_11-.Ltmp1, $4  }
0x34: {  	[hbm:s19], [sflag:s0] =	dma.local [spmem:s25], $0x800  }
0x35: {  	_ =	swait.ge [sflag:s21], $0x800  }
0x36: {  	[sflag:s21] =	ssyncset.done $0x0  }
0x37: {  	[sflag:s21] =	ssyncadd.s32 $0xFFFFF800  }
.LBB2_1:
0x38: {  	s29 =	simm.s32 $0x0;
	s30 =	simm.s32 $0x200  }
.LBB2_2:
0x39: {  	p1 =	sne.s32 s30, $0xFE00;
	[tilespmem:s29+$0x7870] =	vst v0  }
0x3a: {  	[tilespmem:s29+$0x7800] =	vst v0  }
0x3b: {  	[tilespmem:s29+$0x7810] =	vst v0  }
.Ltmp2:
0x3c: {  	[tilespmem:s29+$0x7820] =	vst v0;
	(pc) =	sbr.rel @p1 .LBB2_2-.Ltmp2, $4  }
0x3d: {  	[tilespmem:s29+$0x7830] =	vst v0  }
0x3e: {  	[tilespmem:s29+$0x7840] =	vst v0  }
0x3f: {  	[tilespmem:s29+$0x7850] =	vst v0  }
0x40: {  	[tilespmem:s29+$0x7860] =	vst v0;
	s29 =	sshra.s32 s30, $0x2;
	s30 =	sadd.s32 $0x200, s30  }
0x41: {  	[tilespmem:s29+$0x7870] =	vst v0  }
0x42: {  	[tilespmem:s29+$0x7800] =	vst v0  }
0x43: {  	[tilespmem:s29+$0x7810] =	vst v0  }
0x44: {  	[tilespmem:s29+$0x7820] =	vst v0  }
0x45: {  	[tilespmem:s29+$0x7830] =	vst v0  }
0x46: {  	[tilespmem:s29+$0x7840] =	vst v0  }
0x47: {  	[tilespmem:s29+$0x7850] =	vst v0  }
0x48: {  	[tilespmem:s29+$0x7860] =	vst v0  }
0x49: {  	[spmem:s5] =	stream.linear.scatter [tilespmem:s20], [sflag:$0x1], $0x4000, $0x38;
	[tilespmem:$0x1F800] =	vst v63  }
0x4a: {  	_ =	swait.ge [sflag:s21], $0x4000  }
0x4b: {  	[sflag:s21] =	ssyncset.done $0x0  }
0x4c: {  	[sflag:s21] =	ssyncadd.s32 $0xFFFFC000  }
0x4d: {  	[spmem:s12] =	stream.linear.scatter [tilespmem:s20], [sflag:$0x1], $0x4000, $0x38;
	[tilespmem:$0x1F800] =	vst v63  }
0x4e: {  	_ =	swait.ge [sflag:s21], $0x4000  }
0x4f: {  	[sflag:s21] =	ssyncset.done $0x0  }
0x50: {  	[sflag:s21] =	ssyncadd.s32 $0xFFFFC000  }
0x51: {  	[spmem:s13] =	stream.linear.scatter [tilespmem:s20], [sflag:$0x1], $0x4000, $0x38;
	[tilespmem:$0x1F800] =	vst v63  }
0x52: {  	_ =	swait.ge [sflag:s21], $0x4000  }
0x53: {  	[sflag:s21] =	ssyncset.done $0x0  }
0x54: {  	[sflag:s21] =	ssyncadd.s32 $0xFFFFC000  }
0x55: {  	[spmem:s14] =	stream.linear.scatter [tilespmem:s20], [sflag:$0x1], $0x4000, $0x38;
	[tilespmem:$0x1F800] =	vst v63  }
0x56: {  	_ =	swait.ge [sflag:s21], $0x4000  }
0x57: {  	[sflag:s21] =	ssyncset.done $0x0  }
0x58: {  	[sflag:s21] =	ssyncadd.s32 $0xFFFFC000  }
0x59: {  	[spmem:s15] =	stream.linear.scatter [tilespmem:s20], [sflag:$0x1], $0x4000, $0x38;
	[tilespmem:$0x1F800] =	vst v63  }
.Ltmp3:
0x5a: {  	_ =	swait.ge [sflag:s21], $0x4000;
	(pc) =	sbr.rel @!p0 .LBB2_4-.Ltmp3, $3  }
0x5b: {  	[sflag:s21] =	ssyncset.done $0x0  }
0x5c: {  	[sflag:s21] =	ssyncadd.s32 $0xFFFFC000  }
0x5d: {  	[bflag:$0x0] =	sbarrier.arrive $0xFFFF;
	_ =	sdelay $0x1  }
0x5e: {  	s0 =	simm.s32 $0x0  }
0x5f: {  	[tilespmem:s0], [sflag:$0x1] =	stream.linear.gather [hbm4b:s8+s0], $0x1400, $0x38;
	[tilespmem:$0x1F800] =	vst v63  }
0x60: {  	_ =	swait.ge [sflag:s21], $0x1400  }
0x61: {  	[sflag:s21] =	ssyncset.done $0x0  }
0x62: {  	[sflag:s21] =	ssyncadd.s32 $0xFFFFEC00  }
0x63: {  	[tilespmem:s26], [sflag:$0x1] =	stream.linear.gather [hbm4b:s9+s0], $0x1400, $0x38;
	[tilespmem:$0x1F800] =	vst v63  }
0x64: {  	_ =	swait.ge [sflag:s21], $0x1400  }
0x65: {  	[sflag:s21] =	ssyncset.done $0x0  }
0x66: {  	s31 =	simm.s32 $0x0;
	[sflag:s21] =	ssyncadd.s32 $0xFFFFEC00  }
0x67: {  	[tilespmem:s20], [sflag:$0x1] =	stream.indirect.gather [hbm4b:s1+s28], $0x80, s31, s28, $0xb8;
	[tilespmem:$0x1F800] =	vst v63  }
0x68: {  	_ =	swait.ge [sflag:s21], $0x4000  }
0x69: {  	[sflag:s21] =	ssyncset.done $0x0  }
0x6a: {  	s31 =	simm.s32 $0x3C00;
	[sflag:s21] =	ssyncadd.s32 $0xFFFFC000  }
0x6b: {  	[spmem:s3] =	stream.indirect.scatter.add.f32 [tilespmem:s20], [sflag:$0x1], $0x80, s31, s28, $0xb8;
	[tilespmem:$0x1F800] =	vst v63  }
0x6c: {  	_ =	swait.ge [sflag:s21], $0x4000  }
0x6d: {  	s29 =	simm.s32 $0x200;
	s30 =	simm.s32 $0x400;
	[sflag:s21] =	ssyncset.done $0x0  }
.LBB2_8:
0x6e: {  	s0 =	sshra.s32 s29, $0x2  }
0x6f: {  	[sflag:s21] =	ssyncadd.s32 $0xFFFFC000;
	s29 =	smov.u32 s30;
	s31 =	sadd.s32 $0x200, s30  }
0x70: {  	[tilespmem:s20], [sflag:$0x1] =	stream.indirect.gather [hbm4b:s1+s28], $0x80, s0, s28, $0xb8;
	[tilespmem:$0x1F800] =	vst v63  }
0x71: {  	p1 =	sne.s32 s30, $0x4E00;
	_ =	swait.ge [sflag:s21], $0x4000  }
.Ltmp4:
0x72: {  	[sflag:s21] =	ssyncset.done $0x0;
	(pc) =	sbr.rel @p1 .LBB2_8-.Ltmp4, $4  }
0x73: {  	s0 =	sadd.s32 $0x3C00, s0;
	[sflag:s21] =	ssyncadd.s32 $0xFFFFC000  }
0x74: {  	[spmem:s3] =	stream.indirect.scatter.add.f32 [tilespmem:s20], [sflag:$0x1], $0x80, s0, s28, $0xb8;
	[tilespmem:$0x1F800] =	vst v63  }
0x75: {  	_ =	swait.ge [sflag:s21], $0x4000  }
0x76: {  	s30 =	smov.u32 s31;
	[sflag:s21] =	ssyncset.done $0x0  }
0x77: {  	s0 =	sshra.s32 s29, $0x2;
	[sflag:s21] =	ssyncadd.s32 $0xFFFFC000  }
0x78: {  	[tilespmem:s20], [sflag:$0x1] =	stream.indirect.gather [hbm4b:s1+s28], $0x80, s0, s28, $0xb8;
	[tilespmem:$0x1F800] =	vst v63  }
0x79: {  	_ =	swait.ge [sflag:s21], $0x4000  }
0x7a: {  	[sflag:s21] =	ssyncset.done $0x0  }
.Ltmp5:
0x7b: {  	s0 =	sadd.s32 $0x3C00, s0;
	[sflag:s21] =	ssyncadd.s32 $0xFFFFC000;
	(pc) =	sbr.rel .LBB2_10-.Ltmp5, $4  }
0x7c: {  	[spmem:s3] =	stream.indirect.scatter.add.f32 [tilespmem:s20], [sflag:$0x1], $0x80, s0, s28, $0xb8;
	[tilespmem:$0x1F800] =	vst v63  }
0x7d: {  	_ =	swait.ge [sflag:s21], $0x4000  }
0x7e: {  	[sflag:s21] =	ssyncset.done $0x0  }
0x7f: {  	[sflag:s21] =	ssyncadd.s32 $0xFFFFC000  }
.LBB2_4:
0x80: {  	s29 =	simm.s32 $0x0  }
0x81: {  	[tilespmem:s29], [sflag:$0x1] =	stream.linear.gather [hbm4b:s6+s29], $0x3C00, $0x38;
	[tilespmem:$0x1F800] =	vst v63  }
0x82: {  	_ =	swait.ge [sflag:s21], $0x3C00  }
0x83: {  	[sflag:s21] =	ssyncset.done $0x0  }
0x84: {  	[sflag:s21] =	ssyncadd.s32 $0xFFFFC400  }
0x85: {  	[tilespmem:s26], [sflag:$0x1] =	stream.linear.gather [hbm4b:s7+s29], $0x3C00, $0x38;
	[tilespmem:$0x1F800] =	vst v63  }
0x86: {  	_ =	swait.ge [sflag:s21], $0x3C00  }
0x87: {  	[sflag:s21] =	ssyncset.done $0x0  }
0x88: {  	s29 =	simm.s32 $0x0;
	[sflag:s21] =	ssyncadd.s32 $0xFFFFC400  }
0x89: {  	[tilespmem:s20], [sflag:$0x1] =	stream.indirect.gather [hbm4b:s1+s28], $0x80, s29, s28, $0xb8;
	[tilespmem:$0x1F800] =	vst v63  }
0x8a: {  	_ =	swait.ge [sflag:s21], $0x4000  }
0x8b: {  	[sflag:s21] =	ssyncset.done $0x0  }
0x8c: {  	s29 =	simm.s32 $0x3C00;
	[sflag:s21] =	ssyncadd.s32 $0xFFFFC000  }
0x8d: {  	[spmem:s3] =	stream.indirect.scatter.add.f32 [tilespmem:s20], [sflag:$0x1], $0x80, s29, s28, $0xb8;
	[tilespmem:$0x1F800] =	vst v63  }
0x8e: {  	_ =	swait.ge [sflag:s21], $0x4000  }
0x8f: {  	s30 =	simm.s32 $0x400;
	s29 =	simm.s32 $0x200;
	[sflag:s21] =	ssyncset.done $0x0  }
.LBB2_5:
0x90: {  	s31 =	sshra.s32 s29, $0x2  }
0x91: {  	[sflag:s21] =	ssyncadd.s32 $0xFFFFC000;
	s29 =	smov.u32 s30;
	s0 =	sadd.s32 $0x200, s30  }
0x92: {  	[tilespmem:s20], [sflag:$0x1] =	stream.indirect.gather [hbm4b:s1+s28], $0x80, s31, s28, $0xb8;
	[tilespmem:$0x1F800] =	vst v63  }
0x93: {  	p1 =	seq.s32 s30, $0xEE00;
	_ =	swait.ge [sflag:s21], $0x4000  }
.Ltmp6:
0x94: {  	[sflag:s21] =	ssyncset.done $0x0;
	(pc) =	sbr.rel @!p1 .LBB2_5-.Ltmp6, $4  }
0x95: {  	s30 =	sadd.s32 $0x3C00, s31;
	[sflag:s21] =	ssyncadd.s32 $0xFFFFC000  }
0x96: {  	[spmem:s3] =	stream.indirect.scatter.add.f32 [tilespmem:s20], [sflag:$0x1], $0x80, s30, s28, $0xb8;
	[tilespmem:$0x1F800] =	vst v63  }
0x97: {  	_ =	swait.ge [sflag:s21], $0x4000  }
0x98: {  	s30 =	smov.u32 s0;
	[sflag:s21] =	ssyncset.done $0x0  }
.Ltmp7:
0x99: {  	_ = 	snop;
	(pc) =	sbr.rel .LBB2_6-.Ltmp7, $1  }
0x9a: {  	_ =	sdelay $0x3  }
.LBB2_11:
0x9b: {  	_ =	sfence.sel $0x180000  }
0x9c: {  	[bflag:$0x0] =	sbarrier.arrive $0xFFFF  }
0x9d: {  	_ =	strace $0x9000004D  }
0x9e: {  	[bflag:$0x2] =	sbarrier.arrive $0xFFFF  }
0x9f: {  	p0 =	sne.s32 s2, $0x0;
	s0 =	rddreg [dreg:$0x3]  }
0xa0: {  	s0 =	sadd.s32 @!p0 $0x100000, s0  }
0xa1: {  	[sflag:s0] =	ssyncadd.tile.s32 @!p0 $0x1;
	_ =	shalt  }
.Lfunc_end2:
_tile_overlayer_lowered:
.L_overlay_start_2:
0xa2: {  	(tag) =	ssettag $0x2  }
0xa3: {  	s0 =	rddreg [dreg:$0x0];
	s2 =	stileid.u32  }
0xa4: {  	s1 =	rddreg [dreg:$0x1];
	p0 =	sne.s32 s2, $0x0  }
0xa5: {  	s3 =	rddreg [dreg:$0x2];
	[bflag:$0x3] =	sbarrier.arrive $0xFFFF;
	s2 =	simm.s32 @!p0 $0x1C01  }
0xa6: {  	[timem:s3], [sflag:s2] =	dma.local @!p0 [hbm:s0], s1  }
0xa7: {  	s0 =	simm.s32 @!p0 $0x1  }
0xa8: {  	_ =	swait.ge @!p0 [sflag:s0], s1  }
0xa9: {  	s1 =	ssub.s32 @!p0 $0x0, s1;
	[sflag:s0] =	ssyncset.done @!p0 $0x0  }
0xaa: {  	[sflag:s0] =	ssyncadd.s32 @!p0 s1  }
0xab: {  	[bflag:$0x3] =	sbarrier.arrive $0xFFFF  }
0xac: {  	_ =	shalt  }

// kernel: kernel.21.cloned.1.call-start
scs
__scs_entry_jumppad:
0x0: {  	(pc) =	sbr.rel $0x88, $3  }
0x1: {  	(tag) =	ssettag $0x0;
	lr =	simm.s32 $0x1  }
0x2: {  	[smem:$0x3F9D] =	sst lr;
	_ =	strace $0xD0000000  }
0x3: {  	_ = 	snop  }
0x4: {  	_ = 	snop  }
0x5: {  	_ = 	snop  }
0x6: {  	_ = 	snop  }
0x7: {  	_ = 	snop  }
__scs_overlays_trampoline_lowered:
0x8: {  	[smem:$0x3FAC] =	sst s0  }
0x9: {  	[smem:$0x3FAD] =	sst s1  }
0xa: {  	[smem:$0x3FAE] =	sst s2  }
0xb: {  	[smem:$0x3FAF] =	sst s3  }
0xc: {  	[smem:$0x3FB0] =	sst s4  }
0xd: {  	[smem:$0x3FB1] =	sst s5  }
0xe: {  	[smem:$0x3FB2] =	sst s6  }
0xf: {  	[smem:$0x3FB3] =	sst s7  }
0x10: {  	[smem:$0x3FB4] =	sst s8  }
0x11: {  	[smem:$0x3FB5] =	sst s9;
	s0 =	simm.s32 @!p0 $0x0  }
0x12: {  	s1 =	sld [smem:$0x3F9B];
	s0 =	simm.s32 @p0 $0x1  }
0x13: {  	[smem:$0x3FB6] =	sst s0;
	s0 =	simm.s32 @!p1 $0x0  }
0x14: {  	s2 =	sld [smem:$0x3F9A];
	s0 =	simm.s32 @p1 $0x1  }
0x15: {  	[smem:$0x3FB7] =	sst s0;
	s0 =	simm.s32 @!p2 $0x0  }
0x16: {  	s3 =	sld [smem:$0x3FDB];
	s0 =	simm.s32 @p2 $0x1  }
0x17: {  	s4 =	simm.s32 $0x1BF5;
	[smem:$0x3FB9] =	sst s0  }
0x18: {  	s0 =	sld [smem:$0x3F9C];
	_ =	swait.ge [sflag:s4], $0x0  }
0x19: {  	s7 =	sld [smem:$0x3F9D]  }
0x1a: {  	s8 =	sadd.s32 $0xFFFFE003, lr  }
0x1b: {  	s9 =	sadd.s32 $0xFFFFFEF7, lr;
	s5 =	simm.s32 $0xFFFFFFFF;
	p2 =	slt.u32 s8, $0xFFFFF086  }
0x1c: {  	p1 =	slt.u32 s9, $0xF7A;
	s5 =	simm.s32 @!p2 $0x0  }
0x1d: {  	s5 =	simm.s32 @p1 $0x1;
	p0 =	seq.s32 s7, s2  }
0x1e: {  	s7 =	smul.u32 @!p0 $0xF7A, s2;
	p2 =	seq.s32 @!p0 s5, $0x0  }
0x1f: {  	s9 =	smul.u32 $0xF7A, s1;
	s8 =	simm.s32 @!p0 $0x1BF5;
	p2 =	por !p2, p0  }
0x20: {  	[sflag:s8] =	ssyncset.s32 @!p0 $0xFFFFF086;
	s6 =	sadd.s32 @!p0 s3, s7;
	s7 =	simm.s32 @!p0 $0x108  }
0x21: {  	s3 =	sadd.s32 s3, s9;
	s6 =	sadd.s32 @!p0 $0x88, s6;
	s7 =	simm.s32 @p2 $0x1082  }
0x22: {  	[simem:s7], [sflag:s8] =	dma.local @!p0 [hbm:s6], $0xF7A  }
0x23: {  	s9 =	sor.u32 $0xD0000000, s2;
	s6 =	simm.s32 $0x108;
	_ =	swait.ge @!p0 [sflag:s8], $0x0  }
0x24: {  	s3 =	sadd.s32 $0x88, s3;
	s6 =	simm.s32 @!p1 $0x1082;
	[sflag:s4] =	ssyncset.s32 $0xFFFFF086  }
0x25: {  	[simem:s6], [sflag:s4] =	dma.local [hbm:s3], $0xF7A  }
0x26: {  	[smem:$0x3F9D] =	sst s1;
	(tag) =	ssettag s2;
	_ =	strace s9  }
0x27: {  	s1 =	sld [smem:$0x3FAD]  }
0x28: {  	s2 =	sld [smem:$0x3FAE]  }
0x29: {  	s4 =	sld [smem:$0x3FB0]  }
0x2a: {  	p0 =	seq.s32 s5, $0x0;
	s5 =	sld [smem:$0x3FB1]  }
0x2b: {  	s6 =	sld [smem:$0x3FB2]  }
0x2c: {  	s7 =	sld [smem:$0x3FB3]  }
0x2d: {  	s3 =	simm.s32 $0x108;
	s8 =	sld [smem:$0x3FB4]  }
0x2e: {  	s3 =	simm.s32 @!p0 $0x1082;
	s9 =	sld [smem:$0x3FB5]  }
0x2f: {  	lr =	sadd.s32 s0, s3;
	s0 =	sld [smem:$0x3FAC]  }
0x30: {  	s3 =	sld [smem:$0x3FAF]  }
0x31: {  	[smem:$0x3FB8] =	sst s10  }
0x32: {  	s10 =	sld [smem:$0x3FB6];
	_ =	sdelay $0x3  }
0x33: {  	p0 =	seq.s32 s10, $0x1;
	s10 =	sld [smem:$0x3FB8];
	_ =	sdelay $0x3  }
0x34: {  	[smem:$0x3FB8] =	sst s10  }
0x35: {  	s10 =	sld [smem:$0x3FB7];
	_ =	sdelay $0x3  }
0x36: {  	p1 =	seq.s32 s10, $0x1;
	s10 =	sld [smem:$0x3FB8];
	_ =	sdelay $0x3  }
0x37: {  	[smem:$0x3FB8] =	sst s10  }
0x38: {  	s10 =	sld [smem:$0x3FB9]  }
0x39: {  	_ = 	snop;
	(pc) =	sbr.ind lr, $3  }
0x3a: {  	_ = 	snop  }
0x3b: {  	_ = 	snop  }
0x3c: {  	p2 =	seq.s32 s10, $0x1;
	s10 =	sld [smem:$0x3FB8]  }
0x3d: {  	_ =	shalt  }
0x3e: {  	_ =	shalt  }
0x3f: {  	_ =	shalt  }
0x40: {  	_ =	shalt  }
0x41: {  	_ =	shalt  }
0x42: {  	_ =	shalt  }
0x43: {  	_ =	shalt  }
0x44: {  	_ =	shalt  }
0x45: {  	_ =	shalt  }
0x46: {  	_ =	shalt  }
0x47: {  	_ =	shalt  }
0x48: {  	_ =	shalt  }
0x49: {  	_ =	shalt  }
0x4a: {  	_ =	shalt  }
0x4b: {  	_ =	shalt  }
0x4c: {  	_ =	shalt  }
0x4d: {  	_ =	shalt  }
0x4e: {  	_ =	shalt  }
0x4f: {  	_ =	shalt  }
0x50: {  	_ =	shalt  }
0x51: {  	_ =	shalt  }
0x52: {  	_ =	shalt  }
0x53: {  	_ =	shalt  }
0x54: {  	_ =	shalt  }
0x55: {  	_ =	shalt  }
0x56: {  	_ =	shalt  }
0x57: {  	_ =	shalt  }
0x58: {  	_ =	shalt  }
0x59: {  	_ =	shalt  }
0x5a: {  	_ =	shalt  }
0x5b: {  	_ =	shalt  }
0x5c: {  	_ =	shalt  }
0x5d: {  	_ =	shalt  }
0x5e: {  	_ =	shalt  }
0x5f: {  	_ =	shalt  }
0x60: {  	_ =	shalt  }
0x61: {  	_ =	shalt  }
0x62: {  	_ =	shalt  }
0x63: {  	_ =	shalt  }
0x64: {  	_ =	shalt  }
0x65: {  	_ =	shalt  }
0x66: {  	_ =	shalt  }
0x67: {  	_ =	shalt  }
0x68: {  	_ =	shalt  }
0x69: {  	_ =	shalt  }
0x6a: {  	_ =	shalt  }
0x6b: {  	_ =	shalt  }
0x6c: {  	_ =	shalt  }
0x6d: {  	_ =	shalt  }
0x6e: {  	_ =	shalt  }
0x6f: {  	_ =	shalt  }
0x70: {  	_ =	shalt  }
0x71: {  	_ =	shalt  }
0x72: {  	_ =	shalt  }
0x73: {  	_ =	shalt  }
0x74: {  	_ =	shalt  }
0x75: {  	_ =	shalt  }
0x76: {  	_ =	shalt  }
0x77: {  	_ =	shalt  }
0x78: {  	_ =	shalt  }
0x79: {  	_ =	shalt  }
0x7a: {  	_ =	shalt  }
0x7b: {  	_ =	shalt  }
0x7c: {  	_ =	shalt  }
0x7d: {  	_ =	shalt  }
0x7e: {  	_ =	shalt  }
0x7f: {  	_ =	shalt  }
0x80: {  	_ =	shalt  }
0x81: {  	_ =	shalt  }
0x82: {  	_ =	shalt  }
0x83: {  	_ =	shalt  }
0x84: {  	_ =	shalt  }
0x85: {  	_ =	shalt  }
0x86: {  	_ =	shalt  }
0x87: {  	_ =	shalt  }
.Lfunc_end0:
.L_simem_size_0:
called_computation.3_lowered:
.L_overlay_start_0:
0x88: {  	s2 =	sld [smem:$0x3FD9]  }
0x89: {  	s3 =	sld [smem:$0x3FFE];
	_ =	sdelay $0x1  }
0x8a: {  	s1 =	srdreg.scid  }
0x8b: {  	s0 =	sand.u32 $0x1, s1  }
0x8c: {  	s17 =	sshll.u32 s0, $0xA;
	s2 =	sadd.s32 s3, s2  }
0x8d: {  	s2 =	sadd.s32 s2, s17  }
0x8e: {  	[smem:$0x3FC4] =	sst s2  }
0x8f: {  	_ = 	snop  }
0x90: {  	s2 =	sld [smem:$0x3FD0];
	(tm) =	ssettm $0x1  }
0x91: {  	s18 =	sld [smem:$0x3FFB];
	_ =	sdelay $0x3  }
0x92: {  	_ =	strace s18  }
0x93: {  	s3 =	sld [smem:$0x3FFC];
	_ =	sdelay $0x3  }
0x94: {  	_ =	strace s3  }
0x95: {  	s3 =	sld [smem:$0x3FFD];
	_ =	sdelay $0x3  }
0x96: {  	_ =	strace s3  }
0x97: {  	_ =	strace $0x8FFFFFFF  }
0x98: {  	s19 =	sld [smem:$0x3FDB];
	_ =	sdelay $0x1  }
0x99: {  	s4 =	simm.s32 $_scs_section_size  }
0x9a: {  	s5 =	simm.s32 $_size__tile_overlayer_lowered;
	s6 =	simm.s32 $_tile_overlayer_lowered  }
0x9b: {  	s22 =	simm.s32 $0x1BFF;
	s21 =	sshll.u32 s6, $0x1;
	s3 =	sadd.s32 s4, s19  }
0x9c: {  	s7 =	simm.s32 $0x0;
	s20 =	sshll.u32 s5, $0x1;
	s5 =	sadd.s32 s21, s3  }
0x9d: {  	[timem:s7], [sflag:s22] =	dma.local [hbm:s5], s20  }
0x9e: {  	_ =	swait.ge [sflag:s22], s20  }
0x9f: {  	s4 =	ssub.s32 $0x0, s20;
	[sflag:s22] =	ssyncset.done $0x0  }
0xa0: {  	[sflag:s22] =	ssyncadd.s32 s4;
	_ =	sdelay $0x1  }
0xa1: {  	s23 =	simm.s32 $0x1B8B  }
0xa2: {  	_ =	swait.ge [sflag:s23], $0x1  }
0xa3: {  	[sflag:s23] =	ssyncset.done $0x0  }
0xa4: {  	s25 =	simm.s32 $0x1B8E;
	s24 =	sld [smem:$0x3FFE];
	[sflag:s23] =	ssyncadd.s32 $0xFFFFFFFF  }
0xa5: {  	s26 =	simm.s32 $execute0_lowered;
	[smem:$0x3FD2] =	sst s25  }
0xa6: {  	s5 =	sshll.u32 s26, $0x1;
	_ =	strace $0x8000004F;
	[dreg:$0x1] =	wrdreg $0xFFFFFFFF  }
0xa7: {  	s28 =	simm.s32 $_size_execute0_lowered;
	s3 =	sadd.s32 s3, s5;
	[dreg:$0x0] =	wrdreg $0x0  }
0xa8: {  	s5 =	sshll.u32 s28, $0x1;
	[dreg:$0x2] =	wrdreg s3  }
0xa9: {  	[dreg:$0x3] =	wrdreg s5  }
0xaa: {  	[dreg:$0x4] =	wrdreg $0xC0  }
0xab: {  	_ =	task [dreg:s7], $0x5FFFF  }
0xac: {  	[dreg:$0x1] =	wrdreg $0xFFFFFFFF  }
0xad: {  	[dreg:$0x0] =	wrdreg $0x60  }
0xae: {  	[dreg:$0x2] =	wrdreg s2  }
0xaf: {  	[dreg:$0x3] =	wrdreg s24  }
0xb0: {  	[dreg:$0x4] =	wrdreg $0xB8000  }
0xb1: {  	[dreg:$0x5] =	wrdreg $0x9  }
0xb2: {  	_ =	task.clear_ibuf [dreg:s7], $0x6FFFF;
	_ =	strace $0x9000004F  }
0xb3: {  	s29 =	simm.s32 $0x9;
	_ =	strace $0x80000051  }
0xb4: {  	_ =	swait.ge [sflag:s29], $0x1  }
0xb5: {  	[sflag:s29] =	ssyncadd.s32 $0xFFFFFFFF  }
0xb6: {  	_ =	strace $0x90000051  }
0xb7: {  	_ =	sfence  }
0xb8: {  	s30 =	sld [smem:$0x0];
	_ =	sdelay $0x2  }
0xb9: {  	s31 =	sshll.u32 s1, $0xD;
	s1 =	sshrl.u32 s1, $0x2  }
0xba: {  	s3 =	sand.u32 $0x4000, s31;
	s1 =	sadd.s32 s1, s30  }
0xbb: {  	s0 =	sor.u32 s3, s0;
	s1 =	sshll.u32 s1, $0x11  }
0xbc: {  	s0 =	sor.u32 s1, s0  }
0xbd: {  	s0 =	sadd.s32 $0x8F2B, s0  }
0xbe: {  	[sflag:s0] =	ssyncadd.remote.s32 $0x1  }
0xbf: {  	_ =	sfence.sel $0xFFFF  }
0xc0: {  	[dreg:$0x0] =	wrdreg $0xFFFFFFFF;
	(pc) =	sbr.abs _section_cstart, $3  }
0xc1: {  	[dreg:$0x1] =	wrdreg $0xFFFFFFFF  }
0xc2: {  	_ =	task.clear_ibuf [dreg:s7], $0x2FFFF;
	_ =	strace $0x9FFFFFFF  }
0xc3: {  	(tm) =	ssettm $0x7FFFFFFF  }
tec
execute0_lowered:
.L_overlay_start_1:
0x0: {  	(tag) =	ssettag $0x1  }
0x1: {  	s1 =	rddreg [dreg:$0x0]  }
0x2: {  	s5 =	rddreg [dreg:$0x1]  }
0x3: {  	s3 =	rddreg [dreg:$0x2];
	s2 =	stileid.u32  }
0x4: {  	s4 =	simm.s32 $0x0;
	s7 =	srdreg.scid;
	s6 =	smul.u32 $0x50000, s2  }
0x5: {  	[smem:$0x7FF] =	sst s4;
	s9 =	smul.u32 $0x780, s2  }
0x6: {  	s8 =	sadd.s32 $0xEC00, s5;
	s10 =	sadd.s32 $0x4C00, s5;
	s11 =	smul.u32 $0x1400, s2  }
0x7: {  	s7 =	sand.u32 $0x1, s7;
	s19 =	sadd.s32 $0x18C00, s5;
	s17 =	smul.u32 $0x14000, s2  }
0x8: {  	_ =	strace $0x80000050;
	s24 =	ssub.s32 $0x2, s7;
	s18 =	smul.u32 $0x140000, s7  }
0x9: {  	p0 =	seq.s32 s7, $0x1;
	s12 =	sshrl.u32 s24, $0x1;
	s6 =	sshrl.u32 s6, $0x2  }
0xa: {  	s11 =	sshrl.u32 s11, $0x3;
	s7 =	sadd.s32 s10, s9;
	s20 =	sadd.s32 $0x4000, s17  }
0xb: {  	s21 =	sadd.s32 $0x8000, s17;
	s23 =	sadd.s32 $0xC000, s17;
	s12 =	ssub.s32 s24, s12  }
0xc: {  	s5 =	sadd.s32 s6, s3;
	s6 =	sadd.s32 s8, s9;
	s13 =	sadd.s32 s18, s17  }
0xd: {  	s25 =	sadd.s32 $0x7800, s11;
	s16 =	sadd.s32 s18, s20;
	s22 =	sadd.s32 s20, s3  }
0xe: {  	s29 =	sadd.s32 s18, s21;
	s24 =	sadd.s32 $0x10000, s17;
	s30 =	sadd.s32 s18, s23  }
0xf: {  	s26 =	sshrl.u32 s13, $0x3;
	s8 =	sadd.s32 s8, s25;
	s9 =	sadd.s32 s10, s25  }
0x10: {  	s11 =	smax.u32 s12, $0x1;
	s12 =	sadd.s32 $0x4000, s5;
	s13 =	sadd.s32 $0x8000, s5  }
0x11: {  	s14 =	sadd.s32 $0xC000, s5;
	s15 =	sadd.s32 $0x10000, s5;
	s16 =	sshrl.u32 s16, $0x3  }
0x12: {  	s20 =	sshrl.u32 s29, $0x3;
	s18 =	sadd.s32 s18, s24;
	s25 =	sadd.s32 s21, s3  }
0x13: {  	s28 =	sadd.s32 s24, s3;
	s21 =	simm.s32 $0x1;
	s22 =	sshrl.u32 s22, $0x3  }
.Ltmp0:
0x14: {  	s10 =	sadd.s32 s19, s26;
	s16 =	sadd.s32 s19, s16;
	(pc) =	sbr.rel .LBB2_1-.Ltmp0, $4  }
0x15: {  	s17 =	sadd.s32 s19, s20;
	s20 =	sshrl.u32 s30, $0x3;
	s31 =	sshrl.u32 s18, $0x3  }
0x16: {  	s26 =	sadd.s32 s23, s3;
	s23 =	sshrl.u32 s25, $0x3;
	s25 =	sshrl.u32 s28, $0x3  }
0x17: {  	s28 =	simm.s32 $0x80;
	s18 =	sadd.s32 s19, s20;
	s19 =	sadd.s32 s19, s31  }
0x18: {  	v0 =	vimm.f32 $0.0e+00;
	s20 =	simm.s32 $0x7800;
	s24 =	sshrl.u32 s26, $0x3;
	s26 =	simm.s32 $0x3C00  }
.LBB2_6:
0x19: {  	s0 =	sshra.s32 s29, $0x2;
	[sflag:s21] =	ssyncadd.s32 $0xFFFFC000  }
0x1a: {  	[tilespmem:s20], [sflag:$0x1] =	stream.indirect.gather [hbm4b:s1+s28], $0x80, s0, s28, $0xb8;
	[tilespmem:$0x1F800] =	vst v63  }
0x1b: {  	_ =	swait.ge [sflag:s21], $0x4000  }
0x1c: {  	[sflag:s21] =	ssyncset.done $0x0  }
0x1d: {  	s0 =	sadd.s32 $0x3C00, s0;
	[sflag:s21] =	ssyncadd.s32 $0xFFFFC000  }
0x1e: {  	[spmem:s3] =	stream.indirect.scatter.add.f32 [tilespmem:s20], [sflag:$0x1], $0x80, s0, s28, $0xb8;
	[tilespmem:$0x1F800] =	vst v63  }
0x1f: {  	_ =	swait.ge [sflag:s21], $0x4000  }
0x20: {  	[sflag:s21] =	ssyncset.done $0x0  }
0x21: {  	[sflag:s21] =	ssyncadd.s32 $0xFFFFC000  }
.LBB2_10:
0x22: {  	s0 =	sshll.u32 s2, $0x6  }
0x23: {  	[bflag:$0x0] =	sbarrier.arrive $0xFFFF;
	s29 =	sshrl.u32 s5, $0x3;
	s0 =	sor.u32 $0x1C01, s0  }
0x24: {  	[hbm:s10], [sflag:s0] =	dma.local [spmem:s29], $0x800  }
0x25: {  	_ =	swait.ge [sflag:s21], $0x800  }
0x26: {  	[sflag:s21] =	ssyncset.done $0x0  }
0x27: {  	[sflag:s21] =	ssyncadd.s32 $0xFFFFF800  }
0x28: {  	[hbm:s16], [sflag:s0] =	dma.local [spmem:s22], $0x800  }
0x29: {  	_ =	swait.ge [sflag:s21], $0x800  }
0x2a: {  	[sflag:s21] =	ssyncset.done $0x0  }
0x2b: {  	[sflag:s21] =	ssyncadd.s32 $0xFFFFF800  }
0x2c: {  	[hbm:s17], [sflag:s0] =	dma.local [spmem:s23], $0x800  }
0x2d: {  	_ =	swait.ge [sflag:s21], $0x800  }
0x2e: {  	[sflag:s21] =	ssyncset.done $0x0  }
0x2f: {  	[sflag:s21] =	ssyncadd.s32 $0xFFFFF800  }
0x30: {  	[hbm:s18], [sflag:s0] =	dma.local [spmem:s24], $0x800  }
0x31: {  	s4 =	sadd.s32 $0x1, s4;
	_ =	swait.ge [sflag:s21], $0x800  }
0x32: {  	p1 =	sne.s32 s4, s11;
	[sflag:s21] =	ssyncset.done $0x0  }
.Ltmp1:
0x33: {  	[sflag:s21] =	ssyncadd.s32 $0xFFFFF800;
	(pc) =	sbr.rel @!p1 .LBB2_11-.Ltmp1, $4  }
0x34: {  	[hbm:s19], [sflag:s0] =	dma.local [spmem:s25], $0x800  }
0x35: {  	_ =	swait.ge [sflag:s21], $0x800  }
0x36: {  	[sflag:s21] =	ssyncset.done $0x0  }
0x37: {  	[sflag:s21] =	ssyncadd.s32 $0xFFFFF800  }
.LBB2_1:
0x38: {  	s29 =	simm.s32 $0x0;
	s30 =	simm.s32 $0x200  }
.LBB2_2:
0x39: {  	p1 =	sne.s32 s30, $0xFE00;
	[tilespmem:s29+$0x7870] =	vst v0  }
0x3a: {  	[tilespmem:s29+$0x7800] =	vst v0  }
0x3b: {  	[tilespmem:s29+$0x7810] =	vst v0  }
.Ltmp2:
0x3c: {  	[tilespmem:s29+$0x7820] =	vst v0;
	(pc) =	sbr.rel @p1 .LBB2_2-.Ltmp2, $4  }
0x3d: {  	[tilespmem:s29+$0x7830] =	vst v0  }
0x3e: {  	[tilespmem:s29+$0x7840] =	vst v0  }
0x3f: {  	[tilespmem:s29+$0x7850] =	vst v0  }
0x40: {  	[tilespmem:s29+$0x7860] =	vst v0;
	s29 =	sshra.s32 s30, $0x2;
	s30 =	sadd.s32 $0x200, s30  }
0x41: {  	[tilespmem:s29+$0x7870] =	vst v0  }
0x42: {  	[tilespmem:s29+$0x7800] =	vst v0  }
0x43: {  	[tilespmem:s29+$0x7810] =	vst v0  }
0x44: {  	[tilespmem:s29+$0x7820] =	vst v0  }
0x45: {  	[tilespmem:s29+$0x7830] =	vst v0  }
0x46: {  	[tilespmem:s29+$0x7840] =	vst v0  }
0x47: {  	[tilespmem:s29+$0x7850] =	vst v0  }
0x48: {  	[tilespmem:s29+$0x7860] =	vst v0  }
0x49: {  	[spmem:s5] =	stream.linear.scatter [tilespmem:s20], [sflag:$0x1], $0x4000, $0x38;
	[tilespmem:$0x1F800] =	vst v63  }
0x4a: {  	_ =	swait.ge [sflag:s21], $0x4000  }
0x4b: {  	[sflag:s21] =	ssyncset.done $0x0  }
0x4c: {  	[sflag:s21] =	ssyncadd.s32 $0xFFFFC000  }
0x4d: {  	[spmem:s12] =	stream.linear.scatter [tilespmem:s20], [sflag:$0x1], $0x4000, $0x38;
	[tilespmem:$0x1F800] =	vst v63  }
0x4e: {  	_ =	swait.ge [sflag:s21], $0x4000  }
0x4f: {  	[sflag:s21] =	ssyncset.done $0x0  }
0x50: {  	[sflag:s21] =	ssyncadd.s32 $0xFFFFC000  }
0x51: {  	[spmem:s13] =	stream.linear.scatter [tilespmem:s20], [sflag:$0x1], $0x4000, $0x38;
	[tilespmem:$0x1F800] =	vst v63  }
0x52: {  	_ =	swait.ge [sflag:s21], $0x4000  }
0x53: {  	[sflag:s21] =	ssyncset.done $0x0  }
0x54: {  	[sflag:s21] =	ssyncadd.s32 $0xFFFFC000  }
0x55: {  	[spmem:s14] =	stream.linear.scatter [tilespmem:s20], [sflag:$0x1], $0x4000, $0x38;
	[tilespmem:$0x1F800] =	vst v63  }
0x56: {  	_ =	swait.ge [sflag:s21], $0x4000  }
0x57: {  	[sflag:s21] =	ssyncset.done $0x0  }
0x58: {  	[sflag:s21] =	ssyncadd.s32 $0xFFFFC000  }
0x59: {  	[spmem:s15] =	stream.linear.scatter [tilespmem:s20], [sflag:$0x1], $0x4000, $0x38;
	[tilespmem:$0x1F800] =	vst v63  }
.Ltmp3:
0x5a: {  	_ =	swait.ge [sflag:s21], $0x4000;
	(pc) =	sbr.rel @!p0 .LBB2_4-.Ltmp3, $3  }
0x5b: {  	[sflag:s21] =	ssyncset.done $0x0  }
0x5c: {  	[sflag:s21] =	ssyncadd.s32 $0xFFFFC000  }
0x5d: {  	[bflag:$0x0] =	sbarrier.arrive $0xFFFF;
	_ =	sdelay $0x1  }
0x5e: {  	s0 =	simm.s32 $0x0  }
0x5f: {  	[tilespmem:s0], [sflag:$0x1] =	stream.linear.gather [hbm4b:s8+s0], $0x1400, $0x38;
	[tilespmem:$0x1F800] =	vst v63  }
0x60: {  	_ =	swait.ge [sflag:s21], $0x1400  }
0x61: {  	[sflag:s21] =	ssyncset.done $0x0  }
0x62: {  	[sflag:s21] =	ssyncadd.s32 $0xFFFFEC00  }
0x63: {  	[tilespmem:s26], [sflag:$0x1] =	stream.linear.gather [hbm4b:s9+s0], $0x1400, $0x38;
	[tilespmem:$0x1F800] =	vst v63  }
0x64: {  	_ =	swait.ge [sflag:s21], $0x1400  }
0x65: {  	[sflag:s21] =	ssyncset.done $0x0  }
0x66: {  	s31 =	simm.s32 $0x0;
	[sflag:s21] =	ssyncadd.s32 $0xFFFFEC00  }
0x67: {  	[tilespmem:s20], [sflag:$0x1] =	stream.indirect.gather [hbm4b:s1+s28], $0x80, s31, s28, $0xb8;
	[tilespmem:$0x1F800] =	vst v63  }
0x68: {  	_ =	swait.ge [sflag:s21], $0x4000  }
0x69: {  	[sflag:s21] =	ssyncset.done $0x0  }
0x6a: {  	s31 =	simm.s32 $0x3C00;
	[sflag:s21] =	ssyncadd.s32 $0xFFFFC000  }
0x6b: {  	[spmem:s3] =	stream.indirect.scatter.add.f32 [tilespmem:s20], [sflag:$0x1], $0x80, s31, s28, $0xb8;
	[tilespmem:$0x1F800] =	vst v63  }
0x6c: {  	_ =	swait.ge [sflag:s21], $0x4000  }
0x6d: {  	s29 =	simm.s32 $0x200;
	s30 =	simm.s32 $0x400;
	[sflag:s21] =	ssyncset.done $0x0  }
.LBB2_8:
0x6e: {  	s0 =	sshra.s32 s29, $0x2  }
0x6f: {  	[sflag:s21] =	ssyncadd.s32 $0xFFFFC000;
	s29 =	smov.u32 s30;
	s31 =	sadd.s32 $0x200, s30  }
0x70: {  	[tilespmem:s20], [sflag:$0x1] =	stream.indirect.gather [hbm4b:s1+s28], $0x80, s0, s28, $0xb8;
	[tilespmem:$0x1F800] =	vst v63  }
0x71: {  	p1 =	sne.s32 s30, $0x4E00;
	_ =	swait.ge [sflag:s21], $0x4000  }
.Ltmp4:
0x72: {  	[sflag:s21] =	ssyncset.done $0x0;
	(pc) =	sbr.rel @p1 .LBB2_8-.Ltmp4, $4  }
0x73: {  	s0 =	sadd.s32 $0x3C00, s0;
	[sflag:s21] =	ssyncadd.s32 $0xFFFFC000  }
0x74: {  	[spmem:s3] =	stream.indirect.scatter.add.f32 [tilespmem:s20], [sflag:$0x1], $0x80, s0, s28, $0xb8;
	[tilespmem:$0x1F800] =	vst v63  }
0x75: {  	_ =	swait.ge [sflag:s21], $0x4000  }
0x76: {  	s30 =	smov.u32 s31;
	[sflag:s21] =	ssyncset.done $0x0  }
0x77: {  	s0 =	sshra.s32 s29, $0x2;
	[sflag:s21] =	ssyncadd.s32 $0xFFFFC000  }
0x78: {  	[tilespmem:s20], [sflag:$0x1] =	stream.indirect.gather [hbm4b:s1+s28], $0x80, s0, s28, $0xb8;
	[tilespmem:$0x1F800] =	vst v63  }
0x79: {  	_ =	swait.ge [sflag:s21], $0x4000  }
0x7a: {  	[sflag:s21] =	ssyncset.done $0x0  }
.Ltmp5:
0x7b: {  	s0 =	sadd.s32 $0x3C00, s0;
	[sflag:s21] =	ssyncadd.s32 $0xFFFFC000;
	(pc) =	sbr.rel .LBB2_10-.Ltmp5, $4  }
0x7c: {  	[spmem:s3] =	stream.indirect.scatter.add.f32 [tilespmem:s20], [sflag:$0x1], $0x80, s0, s28, $0xb8;
	[tilespmem:$0x1F800] =	vst v63  }
0x7d: {  	_ =	swait.ge [sflag:s21], $0x4000  }
0x7e: {  	[sflag:s21] =	ssyncset.done $0x0  }
0x7f: {  	[sflag:s21] =	ssyncadd.s32 $0xFFFFC000  }
.LBB2_4:
0x80: {  	s29 =	simm.s32 $0x0  }
0x81: {  	[tilespmem:s29], [sflag:$0x1] =	stream.linear.gather [hbm4b:s6+s29], $0x3C00, $0x38;
	[tilespmem:$0x1F800] =	vst v63  }
0x82: {  	_ =	swait.ge [sflag:s21], $0x3C00  }
0x83: {  	[sflag:s21] =	ssyncset.done $0x0  }
0x84: {  	[sflag:s21] =	ssyncadd.s32 $0xFFFFC400  }
0x85: {  	[tilespmem:s26], [sflag:$0x1] =	stream.linear.gather [hbm4b:s7+s29], $0x3C00, $0x38;
	[tilespmem:$0x1F800] =	vst v63  }
0x86: {  	_ =	swait.ge [sflag:s21], $0x3C00  }
0x87: {  	[sflag:s21] =	ssyncset.done $0x0  }
0x88: {  	s29 =	simm.s32 $0x0;
	[sflag:s21] =	ssyncadd.s32 $0xFFFFC400  }
0x89: {  	[tilespmem:s20], [sflag:$0x1] =	stream.indirect.gather [hbm4b:s1+s28], $0x80, s29, s28, $0xb8;
	[tilespmem:$0x1F800] =	vst v63  }
0x8a: {  	_ =	swait.ge [sflag:s21], $0x4000  }
0x8b: {  	[sflag:s21] =	ssyncset.done $0x0  }
0x8c: {  	s29 =	simm.s32 $0x3C00;
	[sflag:s21] =	ssyncadd.s32 $0xFFFFC000  }
0x8d: {  	[spmem:s3] =	stream.indirect.scatter.add.f32 [tilespmem:s20], [sflag:$0x1], $0x80, s29, s28, $0xb8;
	[tilespmem:$0x1F800] =	vst v63  }
0x8e: {  	_ =	swait.ge [sflag:s21], $0x4000  }
0x8f: {  	s30 =	simm.s32 $0x400;
	s29 =	simm.s32 $0x200;
	[sflag:s21] =	ssyncset.done $0x0  }
.LBB2_5:
0x90: {  	s31 =	sshra.s32 s29, $0x2  }
0x91: {  	[sflag:s21] =	ssyncadd.s32 $0xFFFFC000;
	s29 =	smov.u32 s30;
	s0 =	sadd.s32 $0x200, s30  }
0x92: {  	[tilespmem:s20], [sflag:$0x1] =	stream.indirect.gather [hbm4b:s1+s28], $0x80, s31, s28, $0xb8;
	[tilespmem:$0x1F800] =	vst v63  }
0x93: {  	p1 =	seq.s32 s30, $0xEE00;
	_ =	swait.ge [sflag:s21], $0x4000  }
.Ltmp6:
0x94: {  	[sflag:s21] =	ssyncset.done $0x0;
	(pc) =	sbr.rel @!p1 .LBB2_5-.Ltmp6, $4  }
0x95: {  	s30 =	sadd.s32 $0x3C00, s31;
	[sflag:s21] =	ssyncadd.s32 $0xFFFFC000  }
0x96: {  	[spmem:s3] =	stream.indirect.scatter.add.f32 [tilespmem:s20], [sflag:$0x1], $0x80, s30, s28, $0xb8;
	[tilespmem:$0x1F800] =	vst v63  }
0x97: {  	_ =	swait.ge [sflag:s21], $0x4000  }
0x98: {  	s30 =	smov.u32 s0;
	[sflag:s21] =	ssyncset.done $0x0  }
.Ltmp7:
0x99: {  	_ = 	snop;
	(pc) =	sbr.rel .LBB2_6-.Ltmp7, $1  }
0x9a: {  	_ =	sdelay $0x3  }
.LBB2_11:
0x9b: {  	_ =	sfence.sel $0x180000  }
0x9c: {  	[bflag:$0x0] =	sbarrier.arrive $0xFFFF  }
0x9d: {  	_ =	strace $0x90000050  }
0x9e: {  	[bflag:$0x2] =	sbarrier.arrive $0xFFFF  }
0x9f: {  	p0 =	sne.s32 s2, $0x0;
	s0 =	rddreg [dreg:$0x3]  }
0xa0: {  	s0 =	sadd.s32 @!p0 $0x100000, s0  }
0xa1: {  	[sflag:s0] =	ssyncadd.tile.s32 @!p0 $0x1;
	_ =	shalt  }
.Lfunc_end2:
_tile_overlayer_lowered:
.L_overlay_start_2:
0xa2: {  	(tag) =	ssettag $0x2  }
0xa3: {  	s0 =	rddreg [dreg:$0x0];
	s2 =	stileid.u32  }
0xa4: {  	s1 =	rddreg [dreg:$0x1];
	p0 =	sne.s32 s2, $0x0  }
0xa5: {  	s3 =	rddreg [dreg:$0x2];
	[bflag:$0x3] =	sbarrier.arrive $0xFFFF;
	s2 =	simm.s32 @!p0 $0x1C01  }
0xa6: {  	[timem:s3], [sflag:s2] =	dma.local @!p0 [hbm:s0], s1  }
0xa7: {  	s0 =	simm.s32 @!p0 $0x1  }
0xa8: {  	_ =	swait.ge @!p0 [sflag:s0], s1  }
0xa9: {  	s1 =	ssub.s32 @!p0 $0x0, s1;
	[sflag:s0] =	ssyncset.done @!p0 $0x0  }
0xaa: {  	[sflag:s0] =	ssyncadd.s32 @!p0 s1  }
0xab: {  	[bflag:$0x3] =	sbarrier.arrive $0xFFFF  }
0xac: {  	_ =	shalt  }

// kernel: kernel.24.cloned.1.call-start
scs
__scs_entry_jumppad:
0x0: {  	(pc) =	sbr.rel $0x88, $3  }
0x1: {  	(tag) =	ssettag $0x0;
	lr =	simm.s32 $0x1  }
0x2: {  	[smem:$0x3F9D] =	sst lr;
	_ =	strace $0xD0000000  }
0x3: {  	_ = 	snop  }
0x4: {  	_ = 	snop  }
0x5: {  	_ = 	snop  }
0x6: {  	_ = 	snop  }
0x7: {  	_ = 	snop  }
__scs_overlays_trampoline_lowered:
0x8: {  	[smem:$0x3FAC] =	sst s0  }
0x9: {  	[smem:$0x3FAD] =	sst s1  }
0xa: {  	[smem:$0x3FAE] =	sst s2  }
0xb: {  	[smem:$0x3FAF] =	sst s3  }
0xc: {  	[smem:$0x3FB0] =	sst s4  }
0xd: {  	[smem:$0x3FB1] =	sst s5  }
0xe: {  	[smem:$0x3FB2] =	sst s6  }
0xf: {  	[smem:$0x3FB3] =	sst s7  }
0x10: {  	[smem:$0x3FB4] =	sst s8  }
0x11: {  	[smem:$0x3FB5] =	sst s9;
	s0 =	simm.s32 @!p0 $0x0  }
0x12: {  	s1 =	sld [smem:$0x3F9B];
	s0 =	simm.s32 @p0 $0x1  }
0x13: {  	[smem:$0x3FB6] =	sst s0;
	s0 =	simm.s32 @!p1 $0x0  }
0x14: {  	s2 =	sld [smem:$0x3F9A];
	s0 =	simm.s32 @p1 $0x1  }
0x15: {  	[smem:$0x3FB7] =	sst s0;
	s0 =	simm.s32 @!p2 $0x0  }
0x16: {  	s3 =	sld [smem:$0x3FDB];
	s0 =	simm.s32 @p2 $0x1  }
0x17: {  	s4 =	simm.s32 $0x1BF5;
	[smem:$0x3FB9] =	sst s0  }
0x18: {  	s0 =	sld [smem:$0x3F9C];
	_ =	swait.ge [sflag:s4], $0x0  }
0x19: {  	s7 =	sld [smem:$0x3F9D]  }
0x1a: {  	s8 =	sadd.s32 $0xFFFFE003, lr  }
0x1b: {  	s9 =	sadd.s32 $0xFFFFFEF7, lr;
	s5 =	simm.s32 $0xFFFFFFFF;
	p2 =	slt.u32 s8, $0xFFFFF086  }
0x1c: {  	p1 =	slt.u32 s9, $0xF7A;
	s5 =	simm.s32 @!p2 $0x0  }
0x1d: {  	s5 =	simm.s32 @p1 $0x1;
	p0 =	seq.s32 s7, s2  }
0x1e: {  	s7 =	smul.u32 @!p0 $0xF7A, s2;
	p2 =	seq.s32 @!p0 s5, $0x0  }
0x1f: {  	s9 =	smul.u32 $0xF7A, s1;
	s8 =	simm.s32 @!p0 $0x1BF5;
	p2 =	por !p2, p0  }
0x20: {  	[sflag:s8] =	ssyncset.s32 @!p0 $0xFFFFF086;
	s6 =	sadd.s32 @!p0 s3, s7;
	s7 =	simm.s32 @!p0 $0x108  }
0x21: {  	s3 =	sadd.s32 s3, s9;
	s6 =	sadd.s32 @!p0 $0x88, s6;
	s7 =	simm.s32 @p2 $0x1082  }
0x22: {  	[simem:s7], [sflag:s8] =	dma.local @!p0 [hbm:s6], $0xF7A  }
0x23: {  	s9 =	sor.u32 $0xD0000000, s2;
	s6 =	simm.s32 $0x108;
	_ =	swait.ge @!p0 [sflag:s8], $0x0  }
0x24: {  	s3 =	sadd.s32 $0x88, s3;
	s6 =	simm.s32 @!p1 $0x1082;
	[sflag:s4] =	ssyncset.s32 $0xFFFFF086  }
0x25: {  	[simem:s6], [sflag:s4] =	dma.local [hbm:s3], $0xF7A  }
0x26: {  	[smem:$0x3F9D] =	sst s1;
	(tag) =	ssettag s2;
	_ =	strace s9  }
0x27: {  	s1 =	sld [smem:$0x3FAD]  }
0x28: {  	s2 =	sld [smem:$0x3FAE]  }
0x29: {  	s4 =	sld [smem:$0x3FB0]  }
0x2a: {  	p0 =	seq.s32 s5, $0x0;
	s5 =	sld [smem:$0x3FB1]  }
0x2b: {  	s6 =	sld [smem:$0x3FB2]  }
0x2c: {  	s7 =	sld [smem:$0x3FB3]  }
0x2d: {  	s3 =	simm.s32 $0x108;
	s8 =	sld [smem:$0x3FB4]  }
0x2e: {  	s3 =	simm.s32 @!p0 $0x1082;
	s9 =	sld [smem:$0x3FB5]  }
0x2f: {  	lr =	sadd.s32 s0, s3;
	s0 =	sld [smem:$0x3FAC]  }
0x30: {  	s3 =	sld [smem:$0x3FAF]  }
0x31: {  	[smem:$0x3FB8] =	sst s10  }
0x32: {  	s10 =	sld [smem:$0x3FB6];
	_ =	sdelay $0x3  }
0x33: {  	p0 =	seq.s32 s10, $0x1;
	s10 =	sld [smem:$0x3FB8];
	_ =	sdelay $0x3  }
0x34: {  	[smem:$0x3FB8] =	sst s10  }
0x35: {  	s10 =	sld [smem:$0x3FB7];
	_ =	sdelay $0x3  }
0x36: {  	p1 =	seq.s32 s10, $0x1;
	s10 =	sld [smem:$0x3FB8];
	_ =	sdelay $0x3  }
0x37: {  	[smem:$0x3FB8] =	sst s10  }
0x38: {  	s10 =	sld [smem:$0x3FB9]  }
0x39: {  	_ = 	snop;
	(pc) =	sbr.ind lr, $3  }
0x3a: {  	_ = 	snop  }
0x3b: {  	_ = 	snop  }
0x3c: {  	p2 =	seq.s32 s10, $0x1;
	s10 =	sld [smem:$0x3FB8]  }
0x3d: {  	_ =	shalt  }
0x3e: {  	_ =	shalt  }
0x3f: {  	_ =	shalt  }
0x40: {  	_ =	shalt  }
0x41: {  	_ =	shalt  }
0x42: {  	_ =	shalt  }
0x43: {  	_ =	shalt  }
0x44: {  	_ =	shalt  }
0x45: {  	_ =	shalt  }
0x46: {  	_ =	shalt  }
0x47: {  	_ =	shalt  }
0x48: {  	_ =	shalt  }
0x49: {  	_ =	shalt  }
0x4a: {  	_ =	shalt  }
0x4b: {  	_ =	shalt  }
0x4c: {  	_ =	shalt  }
0x4d: {  	_ =	shalt  }
0x4e: {  	_ =	shalt  }
0x4f: {  	_ =	shalt  }
0x50: {  	_ =	shalt  }
0x51: {  	_ =	shalt  }
0x52: {  	_ =	shalt  }
0x53: {  	_ =	shalt  }
0x54: {  	_ =	shalt  }
0x55: {  	_ =	shalt  }
0x56: {  	_ =	shalt  }
0x57: {  	_ =	shalt  }
0x58: {  	_ =	shalt  }
0x59: {  	_ =	shalt  }
0x5a: {  	_ =	shalt  }
0x5b: {  	_ =	shalt  }
0x5c: {  	_ =	shalt  }
0x5d: {  	_ =	shalt  }
0x5e: {  	_ =	shalt  }
0x5f: {  	_ =	shalt  }
0x60: {  	_ =	shalt  }
0x61: {  	_ =	shalt  }
0x62: {  	_ =	shalt  }
0x63: {  	_ =	shalt  }
0x64: {  	_ =	shalt  }
0x65: {  	_ =	shalt  }
0x66: {  	_ =	shalt  }
0x67: {  	_ =	shalt  }
0x68: {  	_ =	shalt  }
0x69: {  	_ =	shalt  }
0x6a: {  	_ =	shalt  }
0x6b: {  	_ =	shalt  }
0x6c: {  	_ =	shalt  }
0x6d: {  	_ =	shalt  }
0x6e: {  	_ =	shalt  }
0x6f: {  	_ =	shalt  }
0x70: {  	_ =	shalt  }
0x71: {  	_ =	shalt  }
0x72: {  	_ =	shalt  }
0x73: {  	_ =	shalt  }
0x74: {  	_ =	shalt  }
0x75: {  	_ =	shalt  }
0x76: {  	_ =	shalt  }
0x77: {  	_ =	shalt  }
0x78: {  	_ =	shalt  }
0x79: {  	_ =	shalt  }
0x7a: {  	_ =	shalt  }
0x7b: {  	_ =	shalt  }
0x7c: {  	_ =	shalt  }
0x7d: {  	_ =	shalt  }
0x7e: {  	_ =	shalt  }
0x7f: {  	_ =	shalt  }
0x80: {  	_ =	shalt  }
0x81: {  	_ =	shalt  }
0x82: {  	_ =	shalt  }
0x83: {  	_ =	shalt  }
0x84: {  	_ =	shalt  }
0x85: {  	_ =	shalt  }
0x86: {  	_ =	shalt  }
0x87: {  	_ =	shalt  }
.Lfunc_end0:
.L_simem_size_0:
called_computation.4_lowered:
.L_overlay_start_0:
0x88: {  	s2 =	sld [smem:$0x3FD9]  }
0x89: {  	s3 =	sld [smem:$0x3FFE];
	_ =	sdelay $0x1  }
0x8a: {  	s1 =	srdreg.scid  }
0x8b: {  	s0 =	sand.u32 $0x1, s1  }
0x8c: {  	s17 =	sshll.u32 s0, $0xA;
	s2 =	sadd.s32 s3, s2  }
0x8d: {  	s2 =	sadd.s32 s2, s17  }
0x8e: {  	[smem:$0x3FC4] =	sst s2  }
0x8f: {  	_ = 	snop  }
0x90: {  	s2 =	sld [smem:$0x3FD0];
	(tm) =	ssettm $0x1  }
0x91: {  	s18 =	sld [smem:$0x3FFB];
	_ =	sdelay $0x3  }
0x92: {  	_ =	strace s18  }
0x93: {  	s3 =	sld [smem:$0x3FFC];
	_ =	sdelay $0x3  }
0x94: {  	_ =	strace s3  }
0x95: {  	s3 =	sld [smem:$0x3FFD];
	_ =	sdelay $0x3  }
0x96: {  	_ =	strace s3  }
0x97: {  	_ =	strace $0x8FFFFFFF  }
0x98: {  	s19 =	sld [smem:$0x3FDB];
	_ =	sdelay $0x1  }
0x99: {  	s4 =	simm.s32 $_scs_section_size  }
0x9a: {  	s5 =	simm.s32 $_size__tile_overlayer_lowered;
	s6 =	simm.s32 $_tile_overlayer_lowered  }
0x9b: {  	s22 =	simm.s32 $0x1BFF;
	s21 =	sshll.u32 s6, $0x1;
	s3 =	sadd.s32 s4, s19  }
0x9c: {  	s7 =	simm.s32 $0x0;
	s20 =	sshll.u32 s5, $0x1;
	s5 =	sadd.s32 s21, s3  }
0x9d: {  	[timem:s7], [sflag:s22] =	dma.local [hbm:s5], s20  }
0x9e: {  	_ =	swait.ge [sflag:s22], s20  }
0x9f: {  	s4 =	ssub.s32 $0x0, s20;
	[sflag:s22] =	ssyncset.done $0x0  }
0xa0: {  	[sflag:s22] =	ssyncadd.s32 s4;
	_ =	sdelay $0x1  }
0xa1: {  	s23 =	simm.s32 $0x1B8B  }
0xa2: {  	_ =	swait.ge [sflag:s23], $0x1  }
0xa3: {  	[sflag:s23] =	ssyncset.done $0x0  }
0xa4: {  	s25 =	simm.s32 $0x1B8E;
	s24 =	sld [smem:$0x3FFE];
	[sflag:s23] =	ssyncadd.s32 $0xFFFFFFFF  }
0xa5: {  	s26 =	simm.s32 $execute0_lowered;
	[smem:$0x3FD2] =	sst s25  }
0xa6: {  	s5 =	sshll.u32 s26, $0x1;
	_ =	strace $0x80000052;
	[dreg:$0x1] =	wrdreg $0xFFFFFFFF  }
0xa7: {  	s28 =	simm.s32 $_size_execute0_lowered;
	s3 =	sadd.s32 s3, s5;
	[dreg:$0x0] =	wrdreg $0x0  }
0xa8: {  	s5 =	sshll.u32 s28, $0x1;
	[dreg:$0x2] =	wrdreg s3  }
0xa9: {  	[dreg:$0x3] =	wrdreg s5  }
0xaa: {  	[dreg:$0x4] =	wrdreg $0xC0  }
0xab: {  	_ =	task [dreg:s7], $0x5FFFF  }
0xac: {  	[dreg:$0x1] =	wrdreg $0xFFFFFFFF  }
0xad: {  	[dreg:$0x0] =	wrdreg $0x60  }
0xae: {  	[dreg:$0x2] =	wrdreg s2  }
0xaf: {  	[dreg:$0x3] =	wrdreg s24  }
0xb0: {  	[dreg:$0x4] =	wrdreg $0xB8000  }
0xb1: {  	[dreg:$0x5] =	wrdreg $0x9  }
0xb2: {  	_ =	task.clear_ibuf [dreg:s7], $0x6FFFF;
	_ =	strace $0x90000052  }
0xb3: {  	s29 =	simm.s32 $0x9;
	_ =	strace $0x80000054  }
0xb4: {  	_ =	swait.ge [sflag:s29], $0x1  }
0xb5: {  	[sflag:s29] =	ssyncadd.s32 $0xFFFFFFFF  }
0xb6: {  	_ =	strace $0x90000054  }
0xb7: {  	_ =	sfence  }
0xb8: {  	s30 =	sld [smem:$0x0];
	_ =	sdelay $0x2  }
0xb9: {  	s31 =	sshll.u32 s1, $0xD;
	s1 =	sshrl.u32 s1, $0x2  }
0xba: {  	s3 =	sand.u32 $0x4000, s31;
	s1 =	sadd.s32 s1, s30  }
0xbb: {  	s0 =	sor.u32 s3, s0;
	s1 =	sshll.u32 s1, $0x11  }
0xbc: {  	s0 =	sor.u32 s1, s0  }
0xbd: {  	s0 =	sadd.s32 $0x8F2B, s0  }
0xbe: {  	[sflag:s0] =	ssyncadd.remote.s32 $0x1  }
0xbf: {  	_ =	sfence.sel $0xFFFF  }
0xc0: {  	[dreg:$0x0] =	wrdreg $0xFFFFFFFF;
	(pc) =	sbr.abs _section_cstart, $3  }
0xc1: {  	[dreg:$0x1] =	wrdreg $0xFFFFFFFF  }
0xc2: {  	_ =	task.clear_ibuf [dreg:s7], $0x2FFFF;
	_ =	strace $0x9FFFFFFF  }
0xc3: {  	(tm) =	ssettm $0x7FFFFFFF  }
tec
execute0_lowered:
.L_overlay_start_1:
0x0: {  	(tag) =	ssettag $0x1  }
0x1: {  	s1 =	rddreg [dreg:$0x0]  }
0x2: {  	s5 =	rddreg [dreg:$0x1]  }
0x3: {  	s3 =	rddreg [dreg:$0x2];
	s2 =	stileid.u32  }
0x4: {  	s4 =	simm.s32 $0x0;
	s7 =	srdreg.scid;
	s6 =	smul.u32 $0x50000, s2  }
0x5: {  	[smem:$0x7FF] =	sst s4;
	s9 =	smul.u32 $0x780, s2  }
0x6: {  	s8 =	sadd.s32 $0xEC00, s5;
	s10 =	sadd.s32 $0x4C00, s5;
	s11 =	smul.u32 $0x1400, s2  }
0x7: {  	s7 =	sand.u32 $0x1, s7;
	s19 =	sadd.s32 $0x18C00, s5;
	s17 =	smul.u32 $0x14000, s2  }
0x8: {  	_ =	strace $0x80000053;
	s24 =	ssub.s32 $0x2, s7;
	s18 =	smul.u32 $0x140000, s7  }
0x9: {  	p0 =	seq.s32 s7, $0x1;
	s12 =	sshrl.u32 s24, $0x1;
	s6 =	sshrl.u32 s6, $0x2  }
0xa: {  	s11 =	sshrl.u32 s11, $0x3;
	s7 =	sadd.s32 s10, s9;
	s20 =	sadd.s32 $0x4000, s17  }
0xb: {  	s21 =	sadd.s32 $0x8000, s17;
	s23 =	sadd.s32 $0xC000, s17;
	s12 =	ssub.s32 s24, s12  }
0xc: {  	s5 =	sadd.s32 s6, s3;
	s6 =	sadd.s32 s8, s9;
	s13 =	sadd.s32 s18, s17  }
0xd: {  	s25 =	sadd.s32 $0x7800, s11;
	s16 =	sadd.s32 s18, s20;
	s22 =	sadd.s32 s20, s3  }
0xe: {  	s29 =	sadd.s32 s18, s21;
	s24 =	sadd.s32 $0x10000, s17;
	s30 =	sadd.s32 s18, s23  }
0xf: {  	s26 =	sshrl.u32 s13, $0x3;
	s8 =	sadd.s32 s8, s25;
	s9 =	sadd.s32 s10, s25  }
0x10: {  	s11 =	smax.u32 s12, $0x1;
	s12 =	sadd.s32 $0x4000, s5;
	s13 =	sadd.s32 $0x8000, s5  }
0x11: {  	s14 =	sadd.s32 $0xC000, s5;
	s15 =	sadd.s32 $0x10000, s5;
	s16 =	sshrl.u32 s16, $0x3  }
0x12: {  	s20 =	sshrl.u32 s29, $0x3;
	s18 =	sadd.s32 s18, s24;
	s25 =	sadd.s32 s21, s3  }
0x13: {  	s28 =	sadd.s32 s24, s3;
	s21 =	simm.s32 $0x1;
	s22 =	sshrl.u32 s22, $0x3  }
.Ltmp0:
0x14: {  	s10 =	sadd.s32 s19, s26;
	s16 =	sadd.s32 s19, s16;
	(pc) =	sbr.rel .LBB2_1-.Ltmp0, $4  }
0x15: {  	s17 =	sadd.s32 s19, s20;
	s20 =	sshrl.u32 s30, $0x3;
	s31 =	sshrl.u32 s18, $0x3  }
0x16: {  	s26 =	sadd.s32 s23, s3;
	s23 =	sshrl.u32 s25, $0x3;
	s25 =	sshrl.u32 s28, $0x3  }
0x17: {  	s28 =	simm.s32 $0x80;
	s18 =	sadd.s32 s19, s20;
	s19 =	sadd.s32 s19, s31  }
0x18: {  	v0 =	vimm.f32 $0.0e+00;
	s20 =	simm.s32 $0x7800;
	s24 =	sshrl.u32 s26, $0x3;
	s26 =	simm.s32 $0x3C00  }
.LBB2_6:
0x19: {  	s0 =	sshra.s32 s29, $0x2;
	[sflag:s21] =	ssyncadd.s32 $0xFFFFC000  }
0x1a: {  	[tilespmem:s20], [sflag:$0x1] =	stream.indirect.gather [hbm4b:s1+s28], $0x80, s0, s28, $0xb8;
	[tilespmem:$0x1F800] =	vst v63  }
0x1b: {  	_ =	swait.ge [sflag:s21], $0x4000  }
0x1c: {  	[sflag:s21] =	ssyncset.done $0x0  }
0x1d: {  	s0 =	sadd.s32 $0x3C00, s0;
	[sflag:s21] =	ssyncadd.s32 $0xFFFFC000  }
0x1e: {  	[spmem:s3] =	stream.indirect.scatter.add.f32 [tilespmem:s20], [sflag:$0x1], $0x80, s0, s28, $0xb8;
	[tilespmem:$0x1F800] =	vst v63  }
0x1f: {  	_ =	swait.ge [sflag:s21], $0x4000  }
0x20: {  	[sflag:s21] =	ssyncset.done $0x0  }
0x21: {  	[sflag:s21] =	ssyncadd.s32 $0xFFFFC000  }
.LBB2_10:
0x22: {  	s0 =	sshll.u32 s2, $0x6  }
0x23: {  	[bflag:$0x0] =	sbarrier.arrive $0xFFFF;
	s29 =	sshrl.u32 s5, $0x3;
	s0 =	sor.u32 $0x1C01, s0  }
0x24: {  	[hbm:s10], [sflag:s0] =	dma.local [spmem:s29], $0x800  }
0x25: {  	_ =	swait.ge [sflag:s21], $0x800  }
0x26: {  	[sflag:s21] =	ssyncset.done $0x0  }
0x27: {  	[sflag:s21] =	ssyncadd.s32 $0xFFFFF800  }
0x28: {  	[hbm:s16], [sflag:s0] =	dma.local [spmem:s22], $0x800  }
0x29: {  	_ =	swait.ge [sflag:s21], $0x800  }
0x2a: {  	[sflag:s21] =	ssyncset.done $0x0  }
0x2b: {  	[sflag:s21] =	ssyncadd.s32 $0xFFFFF800  }
0x2c: {  	[hbm:s17], [sflag:s0] =	dma.local [spmem:s23], $0x800  }
0x2d: {  	_ =	swait.ge [sflag:s21], $0x800  }
0x2e: {  	[sflag:s21] =	ssyncset.done $0x0  }
0x2f: {  	[sflag:s21] =	ssyncadd.s32 $0xFFFFF800  }
0x30: {  	[hbm:s18], [sflag:s0] =	dma.local [spmem:s24], $0x800  }
0x31: {  	s4 =	sadd.s32 $0x1, s4;
	_ =	swait.ge [sflag:s21], $0x800  }
0x32: {  	p1 =	sne.s32 s4, s11;
	[sflag:s21] =	ssyncset.done $0x0  }
.Ltmp1:
0x33: {  	[sflag:s21] =	ssyncadd.s32 $0xFFFFF800;
	(pc) =	sbr.rel @!p1 .LBB2_11-.Ltmp1, $4  }
0x34: {  	[hbm:s19], [sflag:s0] =	dma.local [spmem:s25], $0x800  }
0x35: {  	_ =	swait.ge [sflag:s21], $0x800  }
0x36: {  	[sflag:s21] =	ssyncset.done $0x0  }
0x37: {  	[sflag:s21] =	ssyncadd.s32 $0xFFFFF800  }
.LBB2_1:
0x38: {  	s29 =	simm.s32 $0x0;
	s30 =	simm.s32 $0x200  }
.LBB2_2:
0x39: {  	p1 =	sne.s32 s30, $0xFE00;
	[tilespmem:s29+$0x7870] =	vst v0  }
0x3a: {  	[tilespmem:s29+$0x7800] =	vst v0  }
0x3b: {  	[tilespmem:s29+$0x7810] =	vst v0  }
.Ltmp2:
0x3c: {  	[tilespmem:s29+$0x7820] =	vst v0;
	(pc) =	sbr.rel @p1 .LBB2_2-.Ltmp2, $4  }
0x3d: {  	[tilespmem:s29+$0x7830] =	vst v0  }
0x3e: {  	[tilespmem:s29+$0x7840] =	vst v0  }
0x3f: {  	[tilespmem:s29+$0x7850] =	vst v0  }
0x40: {  	[tilespmem:s29+$0x7860] =	vst v0;
	s29 =	sshra.s32 s30, $0x2;
	s30 =	sadd.s32 $0x200, s30  }
0x41: {  	[tilespmem:s29+$0x7870] =	vst v0  }
0x42: {  	[tilespmem:s29+$0x7800] =	vst v0  }
0x43: {  	[tilespmem:s29+$0x7810] =	vst v0  }
0x44: {  	[tilespmem:s29+$0x7820] =	vst v0  }
0x45: {  	[tilespmem:s29+$0x7830] =	vst v0  }
0x46: {  	[tilespmem:s29+$0x7840] =	vst v0  }
0x47: {  	[tilespmem:s29+$0x7850] =	vst v0  }
0x48: {  	[tilespmem:s29+$0x7860] =	vst v0  }
0x49: {  	[spmem:s5] =	stream.linear.scatter [tilespmem:s20], [sflag:$0x1], $0x4000, $0x38;
	[tilespmem:$0x1F800] =	vst v63  }
0x4a: {  	_ =	swait.ge [sflag:s21], $0x4000  }
0x4b: {  	[sflag:s21] =	ssyncset.done $0x0  }
0x4c: {  	[sflag:s21] =	ssyncadd.s32 $0xFFFFC000  }
0x4d: {  	[spmem:s12] =	stream.linear.scatter [tilespmem:s20], [sflag:$0x1], $0x4000, $0x38;
	[tilespmem:$0x1F800] =	vst v63  }
0x4e: {  	_ =	swait.ge [sflag:s21], $0x4000  }
0x4f: {  	[sflag:s21] =	ssyncset.done $0x0  }
0x50: {  	[sflag:s21] =	ssyncadd.s32 $0xFFFFC000  }
0x51: {  	[spmem:s13] =	stream.linear.scatter [tilespmem:s20], [sflag:$0x1], $0x4000, $0x38;
	[tilespmem:$0x1F800] =	vst v63  }
0x52: {  	_ =	swait.ge [sflag:s21], $0x4000  }
0x53: {  	[sflag:s21] =	ssyncset.done $0x0  }
0x54: {  	[sflag:s21] =	ssyncadd.s32 $0xFFFFC000  }
0x55: {  	[spmem:s14] =	stream.linear.scatter [tilespmem:s20], [sflag:$0x1], $0x4000, $0x38;
	[tilespmem:$0x1F800] =	vst v63  }
0x56: {  	_ =	swait.ge [sflag:s21], $0x4000  }
0x57: {  	[sflag:s21] =	ssyncset.done $0x0  }
0x58: {  	[sflag:s21] =	ssyncadd.s32 $0xFFFFC000  }
0x59: {  	[spmem:s15] =	stream.linear.scatter [tilespmem:s20], [sflag:$0x1], $0x4000, $0x38;
	[tilespmem:$0x1F800] =	vst v63  }
.Ltmp3:
0x5a: {  	_ =	swait.ge [sflag:s21], $0x4000;
	(pc) =	sbr.rel @!p0 .LBB2_4-.Ltmp3, $3  }
0x5b: {  	[sflag:s21] =	ssyncset.done $0x0  }
0x5c: {  	[sflag:s21] =	ssyncadd.s32 $0xFFFFC000  }
0x5d: {  	[bflag:$0x0] =	sbarrier.arrive $0xFFFF;
	_ =	sdelay $0x1  }
0x5e: {  	s0 =	simm.s32 $0x0  }
0x5f: {  	[tilespmem:s0], [sflag:$0x1] =	stream.linear.gather [hbm4b:s8+s0], $0x1400, $0x38;
	[tilespmem:$0x1F800] =	vst v63  }
0x60: {  	_ =	swait.ge [sflag:s21], $0x1400  }
0x61: {  	[sflag:s21] =	ssyncset.done $0x0  }
0x62: {  	[sflag:s21] =	ssyncadd.s32 $0xFFFFEC00  }
0x63: {  	[tilespmem:s26], [sflag:$0x1] =	stream.linear.gather [hbm4b:s9+s0], $0x1400, $0x38;
	[tilespmem:$0x1F800] =	vst v63  }
0x64: {  	_ =	swait.ge [sflag:s21], $0x1400  }
0x65: {  	[sflag:s21] =	ssyncset.done $0x0  }
0x66: {  	s31 =	simm.s32 $0x0;
	[sflag:s21] =	ssyncadd.s32 $0xFFFFEC00  }
0x67: {  	[tilespmem:s20], [sflag:$0x1] =	stream.indirect.gather [hbm4b:s1+s28], $0x80, s31, s28, $0xb8;
	[tilespmem:$0x1F800] =	vst v63  }
0x68: {  	_ =	swait.ge [sflag:s21], $0x4000  }
0x69: {  	[sflag:s21] =	ssyncset.done $0x0  }
0x6a: {  	s31 =	simm.s32 $0x3C00;
	[sflag:s21] =	ssyncadd.s32 $0xFFFFC000  }
0x6b: {  	[spmem:s3] =	stream.indirect.scatter.add.f32 [tilespmem:s20], [sflag:$0x1], $0x80, s31, s28, $0xb8;
	[tilespmem:$0x1F800] =	vst v63  }
0x6c: {  	_ =	swait.ge [sflag:s21], $0x4000  }
0x6d: {  	s29 =	simm.s32 $0x200;
	s30 =	simm.s32 $0x400;
	[sflag:s21] =	ssyncset.done $0x0  }
.LBB2_8:
0x6e: {  	s0 =	sshra.s32 s29, $0x2  }
0x6f: {  	[sflag:s21] =	ssyncadd.s32 $0xFFFFC000;
	s29 =	smov.u32 s30;
	s31 =	sadd.s32 $0x200, s30  }
0x70: {  	[tilespmem:s20], [sflag:$0x1] =	stream.indirect.gather [hbm4b:s1+s28], $0x80, s0, s28, $0xb8;
	[tilespmem:$0x1F800] =	vst v63  }
0x71: {  	p1 =	sne.s32 s30, $0x4E00;
	_ =	swait.ge [sflag:s21], $0x4000  }
.Ltmp4:
0x72: {  	[sflag:s21] =	ssyncset.done $0x0;
	(pc) =	sbr.rel @p1 .LBB2_8-.Ltmp4, $4  }
0x73: {  	s0 =	sadd.s32 $0x3C00, s0;
	[sflag:s21] =	ssyncadd.s32 $0xFFFFC000  }
0x74: {  	[spmem:s3] =	stream.indirect.scatter.add.f32 [tilespmem:s20], [sflag:$0x1], $0x80, s0, s28, $0xb8;
	[tilespmem:$0x1F800] =	vst v63  }
0x75: {  	_ =	swait.ge [sflag:s21], $0x4000  }
0x76: {  	s30 =	smov.u32 s31;
	[sflag:s21] =	ssyncset.done $0x0  }
0x77: {  	s0 =	sshra.s32 s29, $0x2;
	[sflag:s21] =	ssyncadd.s32 $0xFFFFC000  }
0x78: {  	[tilespmem:s20], [sflag:$0x1] =	stream.indirect.gather [hbm4b:s1+s28], $0x80, s0, s28, $0xb8;
	[tilespmem:$0x1F800] =	vst v63  }
0x79: {  	_ =	swait.ge [sflag:s21], $0x4000  }
0x7a: {  	[sflag:s21] =	ssyncset.done $0x0  }
.Ltmp5:
0x7b: {  	s0 =	sadd.s32 $0x3C00, s0;
	[sflag:s21] =	ssyncadd.s32 $0xFFFFC000;
	(pc) =	sbr.rel .LBB2_10-.Ltmp5, $4  }
0x7c: {  	[spmem:s3] =	stream.indirect.scatter.add.f32 [tilespmem:s20], [sflag:$0x1], $0x80, s0, s28, $0xb8;
	[tilespmem:$0x1F800] =	vst v63  }
0x7d: {  	_ =	swait.ge [sflag:s21], $0x4000  }
0x7e: {  	[sflag:s21] =	ssyncset.done $0x0  }
0x7f: {  	[sflag:s21] =	ssyncadd.s32 $0xFFFFC000  }
.LBB2_4:
0x80: {  	s29 =	simm.s32 $0x0  }
0x81: {  	[tilespmem:s29], [sflag:$0x1] =	stream.linear.gather [hbm4b:s6+s29], $0x3C00, $0x38;
	[tilespmem:$0x1F800] =	vst v63  }
0x82: {  	_ =	swait.ge [sflag:s21], $0x3C00  }
0x83: {  	[sflag:s21] =	ssyncset.done $0x0  }
0x84: {  	[sflag:s21] =	ssyncadd.s32 $0xFFFFC400  }
0x85: {  	[tilespmem:s26], [sflag:$0x1] =	stream.linear.gather [hbm4b:s7+s29], $0x3C00, $0x38;
	[tilespmem:$0x1F800] =	vst v63  }
0x86: {  	_ =	swait.ge [sflag:s21], $0x3C00  }
0x87: {  	[sflag:s21] =	ssyncset.done $0x0  }
0x88: {  	s29 =	simm.s32 $0x0;
	[sflag:s21] =	ssyncadd.s32 $0xFFFFC400  }
0x89: {  	[tilespmem:s20], [sflag:$0x1] =	stream.indirect.gather [hbm4b:s1+s28], $0x80, s29, s28, $0xb8;
	[tilespmem:$0x1F800] =	vst v63  }
0x8a: {  	_ =	swait.ge [sflag:s21], $0x4000  }
0x8b: {  	[sflag:s21] =	ssyncset.done $0x0  }
0x8c: {  	s29 =	simm.s32 $0x3C00;
	[sflag:s21] =	ssyncadd.s32 $0xFFFFC000  }
0x8d: {  	[spmem:s3] =	stream.indirect.scatter.add.f32 [tilespmem:s20], [sflag:$0x1], $0x80, s29, s28, $0xb8;
	[tilespmem:$0x1F800] =	vst v63  }
0x8e: {  	_ =	swait.ge [sflag:s21], $0x4000  }
0x8f: {  	s30 =	simm.s32 $0x400;
	s29 =	simm.s32 $0x200;
	[sflag:s21] =	ssyncset.done $0x0  }
.LBB2_5:
0x90: {  	s31 =	sshra.s32 s29, $0x2  }
0x91: {  	[sflag:s21] =	ssyncadd.s32 $0xFFFFC000;
	s29 =	smov.u32 s30;
	s0 =	sadd.s32 $0x200, s30  }
0x92: {  	[tilespmem:s20], [sflag:$0x1] =	stream.indirect.gather [hbm4b:s1+s28], $0x80, s31, s28, $0xb8;
	[tilespmem:$0x1F800] =	vst v63  }
0x93: {  	p1 =	seq.s32 s30, $0xEE00;
	_ =	swait.ge [sflag:s21], $0x4000  }
.Ltmp6:
0x94: {  	[sflag:s21] =	ssyncset.done $0x0;
	(pc) =	sbr.rel @!p1 .LBB2_5-.Ltmp6, $4  }
0x95: {  	s30 =	sadd.s32 $0x3C00, s31;
	[sflag:s21] =	ssyncadd.s32 $0xFFFFC000  }
0x96: {  	[spmem:s3] =	stream.indirect.scatter.add.f32 [tilespmem:s20], [sflag:$0x1], $0x80, s30, s28, $0xb8;
	[tilespmem:$0x1F800] =	vst v63  }
0x97: {  	_ =	swait.ge [sflag:s21], $0x4000  }
0x98: {  	s30 =	smov.u32 s0;
	[sflag:s21] =	ssyncset.done $0x0  }
.Ltmp7:
0x99: {  	_ = 	snop;
	(pc) =	sbr.rel .LBB2_6-.Ltmp7, $1  }
0x9a: {  	_ =	sdelay $0x3  }
.LBB2_11:
0x9b: {  	_ =	sfence.sel $0x180000  }
0x9c: {  	[bflag:$0x0] =	sbarrier.arrive $0xFFFF  }
0x9d: {  	_ =	strace $0x90000053  }
0x9e: {  	[bflag:$0x2] =	sbarrier.arrive $0xFFFF  }
0x9f: {  	p0 =	sne.s32 s2, $0x0;
	s0 =	rddreg [dreg:$0x3]  }
0xa0: {  	s0 =	sadd.s32 @!p0 $0x100000, s0  }
0xa1: {  	[sflag:s0] =	ssyncadd.tile.s32 @!p0 $0x1;
	_ =	shalt  }
.Lfunc_end2:
_tile_overlayer_lowered:
.L_overlay_start_2:
0xa2: {  	(tag) =	ssettag $0x2  }
0xa3: {  	s0 =	rddreg [dreg:$0x0];
	s2 =	stileid.u32  }
0xa4: {  	s1 =	rddreg [dreg:$0x1];
	p0 =	sne.s32 s2, $0x0  }
0xa5: {  	s3 =	rddreg [dreg:$0x2];
	[bflag:$0x3] =	sbarrier.arrive $0xFFFF;
	s2 =	simm.s32 @!p0 $0x1C01  }
0xa6: {  	[timem:s3], [sflag:s2] =	dma.local @!p0 [hbm:s0], s1  }
0xa7: {  	s0 =	simm.s32 @!p0 $0x1  }
0xa8: {  	_ =	swait.ge @!p0 [sflag:s0], s1  }
0xa9: {  	s1 =	ssub.s32 @!p0 $0x0, s1;
	[sflag:s0] =	ssyncset.done @!p0 $0x0  }
0xaa: {  	[sflag:s0] =	ssyncadd.s32 @!p0 s1  }
0xab: {  	[bflag:$0x3] =	sbarrier.arrive $0xFFFF  }
0xac: {  	_ =	shalt  }

</sc_bundles>
